<compile_context>
chip_gen: v7x
topology: tpu7x:2x2x1
jax: 0.10.2.dev20260603
libtpu: 0.0.44.dev20260713+nightly
codegen_flags: <defaults>
</compile_context>

<pallas_src>
import dataclasses
import functools

import jax
import jax.numpy as jnp
from jax import lax
from jax.experimental import pallas as pl
from jax.experimental.pallas import tpu as pltpu
from jax.experimental.pallas import tpu_sc as plsc

_N = 10000
_E = 320000
_D = 128
_L = 16
_CH = 80
_NSUB = 16
_NW = 32
_NCH = _E // _CH // _NW
_ZR = _N // _NSUB


def _sc_message_pass(x, meta, edge_attr, wrw, wrb16, zrows):
    mesh = plsc.VectorSubcoreMesh(core_axis_name="core",
                                  subcore_axis_name="subcore")
    cp = pltpu.CompilerParams()
    if "needs_layout_passes" in pltpu.CompilerParams.__dataclass_fields__:
        cp = dataclasses.replace(cp, needs_layout_passes=False)

    big = pltpu.VMEM((_CH, _D), jnp.float32)
    meta_t = pltpu.VMEM((3, _CH), jnp.int32)
    wr_t = pltpu.VMEM((1, _CH), jnp.float32)

    @functools.partial(
        pl.kernel,
        out_type=[
            jax.ShapeDtypeStruct((2, _N, _D), jnp.float32),
            jax.ShapeDtypeStruct((_E // _CH, 1, _CH), jnp.float32),
        ],
        mesh=mesh,
        compiler_params=cp,
        scratch_types=[
            pltpu.VMEM_SHARED((_N, _D), jnp.float32),
            meta_t, meta_t, meta_t, meta_t,
            big, big,
            big, big,
            wr_t, wr_t,
            pltpu.VMEM((_D,), jnp.float32),
            pltpu.VMEM((_L,), jnp.float32),
        ] + [pltpu.SemaphoreType.DMA] * 10,
    )
    def sc_kernel(x_hbm, meta_hbm, ea_hbm, wrw_hbm, wrb_hbm, z_hbm,
                  part_hbm, wrel_hbm,
                  aggr_sh, meta_0, meta_1, meta_2, meta_3,
                  ea_a, ea_b, xj_a, xj_b,
                  wr_a, wr_b, wcoef_v, bias_v,
                  s_idx_a, s_idx_b, s_gat_a, s_gat_b, s_ea_a, s_ea_b,
                  s_sca_a, s_sca_b, s_wr_a, s_wr_b):
        cid = lax.axis_index("core")
        sid = lax.axis_index("subcore")
        wid = sid * 2 + cid
        chunk0 = wid * _NCH

        pltpu.sync_copy(wrw_hbm, wcoef_v)
        pltpu.sync_copy(wrb_hbm, bias_v)
        pltpu.sync_copy(z_hbm, aggr_sh.at[pl.ds(sid * _ZR, _ZR), :])
        plsc.subcore_barrier()

        lanes = lax.iota(jnp.int32, _L)
        zeros_i = jnp.zeros((_L,), jnp.int32)
        lane0 = lanes == 0
        two_i = zeros_i + 2

        def issue_idx(c, meta_v, sem):
            pltpu.async_copy(meta_hbm.at[chunk0 + c], meta_v, sem)

        def wait_idx(meta_v, sem):
            pltpu.make_async_copy(meta_hbm.at[0], meta_v, sem).wait()

        def issue_in(c, meta_v, ea_v, xj_v, s_gat, s_ea):
            pltpu.async_copy(x_hbm.at[meta_v.at[0]], xj_v, s_gat)
            pltpu.async_copy(ea_hbm.at[pl.ds((chunk0 + c) * _CH, _CH), :],
                             ea_v, s_ea)

        def wait_in(ea_v, xj_v, s_gat, s_ea):
            pltpu.make_async_copy(ea_hbm.at[pl.ds(0, _CH), :], xj_v,
                                  s_gat).wait()
            pltpu.make_async_copy(ea_hbm.at[pl.ds(0, _CH), :], ea_v,
                                  s_ea).wait()

        def wait_sca(xj_v, s_sca):
            pltpu.make_async_copy(xj_v, aggr_sh.at[pl.ds(0, _CH), :],
                                  s_sca).wait()

        def wait_wr(wr_v, s_wr):
            pltpu.make_async_copy(wr_v, wrel_hbm.at[0], s_wr).wait()

        def compute(meta_v, ea_v, xj_v, wr_v):
            wv = [wcoef_v[pl.ds(16 * k, _L)] for k in range(_D // _L)]
            bv = bias_v[...]

            @plsc.parallel_loop(0, _CH, 1, unroll=2)
            def _(e):
                if True:
                    ef = zeros_i + e
                    ea_rows = [ea_v[e, pl.ds(16 * k, _L)]
                               for k in range(_D // _L)]
                    prod = [ea_rows[k] * wv[k] for k in range(_D // _L)]
                    acc = ((prod[0] + prod[1]) + (prod[2] + prod[3])) + \
                          ((prod[4] + prod[5]) + (prod[6] + prod[7]))
                    wrel = jnp.full((_L,), jnp.sum(acc), jnp.float32) + bv
                    attn_e = plsc.bitcast(
                        plsc.load_gather(meta_v, [two_i, ef]), jnp.float32)
                    for k in range(_D // _L):
                        xj = xj_v[e, pl.ds(16 * k, _L)]
                        m = jnp.maximum(xj * attn_e + wrel * ea_rows[k], 0.0)
                        xj_v[e, pl.ds(16 * k, _L)] = m
                    plsc.store_scatter(wr_v, [zeros_i, ef], wrel, mask=lane0)

        def issue_out(c, meta_v, xj_v, wr_v, s_sca, s_wr):
            pltpu.async_copy(xj_v, aggr_sh.at[meta_v.at[1]], s_sca, add=True)
            pltpu.async_copy(wr_v, wrel_hbm.at[chunk0 + c], s_wr)

        metas = [meta_0, meta_1, meta_2, meta_3]
        xjs = [xj_a, xj_b]
        eas = [ea_a, ea_b]
        wrs = [wr_a, wr_b]
        s_idx = [s_idx_a, s_idx_b]
        s_gat = [s_gat_a, s_gat_b]
        s_ea = [s_ea_a, s_ea_b]
        s_sca = [s_sca_a, s_sca_b]
        s_wr = [s_wr_a, s_wr_b]
        n_t = (_NCH - 1) // 4

        def position(t, i):
            c = 4 * t + i
            p = i % 2
            q = (i + 1) % 2

            def free_next():
                wait_sca(xjs[q], s_sca[q])
                wait_idx(metas[(i + 1) % 4], s_idx[q])
            if i == 0:
                pl.when(t >= 1)(free_next)
            else:
                free_next()

            issue_in(c + 1, metas[(i + 1) % 4], eas[q], xjs[q],
                     s_gat[q], s_ea[q])

            def prefetch_idx():
                issue_idx(c + 2, metas[(i + 2) % 4], s_idx[p])
            if i == 3:
                pl.when(t < n_t - 1)(prefetch_idx)
            else:
                prefetch_idx()

            wait_in(eas[p], xjs[p], s_gat[p], s_ea[p])

            def free_wr():
                wait_wr(wrs[p], s_wr[p])
            if i in (0, 1):
                pl.when(t >= 1)(free_wr)
            else:
                free_wr()

            compute(metas[i], eas[p], xjs[p], wrs[p])
            issue_out(c, metas[i], xjs[p], wrs[p], s_sca[p], s_wr[p])

        issue_idx(0, meta_0, s_idx_a)
        issue_idx(1, meta_1, s_idx_a)
        wait_idx(meta_0, s_idx_a)
        wait_idx(meta_1, s_idx_a)
        issue_in(0, meta_0, ea_a, xj_a, s_gat_a, s_ea_a)

        @pl.loop(0, n_t)
        def _(t):
            for i in range(4):
                position(t, i)

        wait_sca(xj_b, s_sca_b)
        wait_in(ea_a, xj_a, s_gat_a, s_ea_a)
        wait_wr(wr_a, s_wr_a)
        compute(meta_0, ea_a, xj_a, wr_a)
        issue_out(_NCH - 1, meta_0, xj_a, wr_a, s_sca_a, s_wr_a)
        wait_sca(xj_a, s_sca_a)
        wait_wr(wr_b, s_wr_b)
        wait_wr(wr_a, s_wr_a)

        plsc.subcore_barrier()

        @pl.when(sid == 0)
        def _():
            pltpu.sync_copy(aggr_sh, part_hbm.at[cid])

    return sc_kernel(x, meta, edge_attr, wrw, wrb16, zrows)


def _tc_finish(p0, p1, x, wt, b2d):
    bn = 1000

    def body(p0_ref, p1_ref, x_ref, wt_ref, b_ref, o_ref):
        s = p0_ref[...] + p1_ref[...] + x_ref[...]
        o_ref[...] = (
            jnp.dot(s, wt_ref[...], preferred_element_type=jnp.float32)
            + b_ref[...]
        )

    return pl.pallas_call(
        body,
        grid=(_N // bn,),
        in_specs=[
            pl.BlockSpec((bn, _D), lambda i: (i, 0)),
            pl.BlockSpec((bn, _D), lambda i: (i, 0)),
            pl.BlockSpec((bn, _D), lambda i: (i, 0)),
            pl.BlockSpec((_D, _D), lambda i: (0, 0)),
            pl.BlockSpec((1, _D), lambda i: (0, 0)),
        ],
        out_specs=pl.BlockSpec((bn, _D), lambda i: (i, 0)),
        out_shape=jax.ShapeDtypeStruct((_N, _D), jnp.float32),
    )(p0, p1, x, wt, b2d)


def kernel(x, edge_index, edge_attr, attn, W_R_w, W_R_b, W_nn, b_nn):
    nchunks = _E // _CH
    attn_i = lax.bitcast_convert_type(attn.reshape(_E), jnp.int32)
    meta = jnp.stack(
        [edge_index[0].reshape(nchunks, _CH),
         edge_index[1].reshape(nchunks, _CH),
         attn_i.reshape(nchunks, _CH)], axis=1)
    wrw = W_R_w.reshape(_D)
    wrb16 = jnp.broadcast_to(W_R_b, (_L,))
    zrows = jnp.zeros((_ZR, _D), jnp.float32)

    part, wrel = _sc_message_pass(x, meta, edge_attr, wrw, wrb16, zrows)
    out = _tc_finish(part[0], part[1], x, W_nn.T, b_nn.reshape(1, _D))
    return (out, wrel.reshape(_E, 1))

# --- scband reference (transcript-rebuilt; emitter-appended) ---
"""Pipeline reference for scband-graph-care-45183055954287 (READ-ONLY COPY).

The authoritative reference and input builder live on the scoring server;
editing this copy changes nothing except your own understanding.
"""

import jax, jax.numpy as jnp
import numpy as np

N_NODES = 10000
N_EDGES = 320000
D = 128
EPS = 0.0


def setup_inputs(seed: int = 0) -> dict:
    key = jax.random.key(seed)
    ks = jax.random.split(key, 8)
    x = jax.random.normal(ks[0], (N_NODES, D), dtype=jnp.float32)
    edge_index = jax.random.randint(ks[1], (2, N_EDGES), 0, N_NODES, dtype=jnp.int64 if jax.config.jax_enable_x64 else jnp.int32).astype(jnp.int32)
    edge_attr = jax.random.normal(ks[2], (N_EDGES, D), dtype=jnp.float32)
    attn = jax.random.uniform(ks[3], (N_EDGES, 1), dtype=jnp.float32)
    # learned params: W_R = Linear(edge_dim=D, 1); nn = Linear(D, D)
    W_R_w = jax.random.normal(ks[4], (1, D), dtype=jnp.float32) / np.sqrt(D)
    W_R_b = jnp.zeros((1,), dtype=jnp.float32)
    W_nn = jax.random.normal(ks[5], (D, D), dtype=jnp.float32) / np.sqrt(D)
    b_nn = jnp.zeros((D,), dtype=jnp.float32)
    return {"x": x, "edge_index": edge_index, "edge_attr": edge_attr, "attn": attn,
            "W_R_w": W_R_w, "W_R_b": W_R_b, "W_nn": W_nn, "b_nn": b_nn}


def reference(x, edge_index, edge_attr, attn, W_R_w, W_R_b, W_nn, b_nn):
    src = edge_index[0]
    dst = edge_index[1]
    # message: x_j * attn + W_R(edge_attr) * edge_attr, relu, aggr='add' at dst
    x_j = jnp.take(x, src, axis=0)                      # [E, D] gather
    w_rel_e = edge_attr @ W_R_w.T + W_R_b               # [E, 1]
    msg = jax.nn.relu(x_j * attn + w_rel_e * edge_attr) # [E, D]
    aggr = jax.ops.segment_sum(msg, dst, num_segments=N_NODES)  # scatter-add
    out = aggr + (1.0 + EPS) * x
    out = out @ W_nn.T + b_nn                           # self.nn(out)
    w_rel = edge_attr @ W_R_w.T + W_R_b                 # self.W_R(edge_attr)
    return (out, w_rel)

if __name__ == "__main__":
    import jax
    _d = setup_inputs()
    print(jax.jit(kernel)(*tuple(_d.values())))

</pallas_src>

<mosaic_0001>
#map = affine_map<(d0, d1) -> (0, 0)>
#map1 = affine_map<(d0, d1) -> (0, 0, 0)>
#map2 = affine_map<(d0, d1) -> (0)>
module attributes {stable_mosaic.version = 14 : i64} {
  func.func @sc_kernel(%arg0: i32, %arg1: i32, %arg2: memref<10000x128xf32, #tpu.memory_space<hbm>>, %arg3: memref<4000x3x80xi32, #tpu.memory_space<hbm>>, %arg4: memref<320000x128xf32, #tpu.memory_space<hbm>>, %arg5: memref<128xf32, #tpu.memory_space<hbm>>, %arg6: memref<16xf32, #tpu.memory_space<hbm>>, %arg7: memref<625x128xf32, #tpu.memory_space<hbm>>, %arg8: memref<2x10000x128xf32, #tpu.memory_space<hbm>>, %arg9: memref<4000x1x80xf32, #tpu.memory_space<hbm>>, %arg10: memref<10000x128xf32, #tpu.memory_space<vmem_shared>>, %arg11: memref<3x80xi32, #tpu.memory_space<vmem>>, %arg12: memref<3x80xi32, #tpu.memory_space<vmem>>, %arg13: memref<3x80xi32, #tpu.memory_space<vmem>>, %arg14: memref<3x80xi32, #tpu.memory_space<vmem>>, %arg15: memref<80x128xf32, #tpu.memory_space<vmem>>, %arg16: memref<80x128xf32, #tpu.memory_space<vmem>>, %arg17: memref<80x128xf32, #tpu.memory_space<vmem>>, %arg18: memref<80x128xf32, #tpu.memory_space<vmem>>, %arg19: memref<1x80xf32, #tpu.memory_space<vmem>>, %arg20: memref<1x80xf32, #tpu.memory_space<vmem>>, %arg21: memref<128xf32, #tpu.memory_space<vmem>>, %arg22: memref<16xf32, #tpu.memory_space<vmem>>, %arg23: memref<!tpu.dma_semaphore, #tpu.memory_space<semaphore_mem>>, %arg24: memref<!tpu.dma_semaphore, #tpu.memory_space<semaphore_mem>>, %arg25: memref<!tpu.dma_semaphore, #tpu.memory_space<semaphore_mem>>, %arg26: memref<!tpu.dma_semaphore, #tpu.memory_space<semaphore_mem>>, %arg27: memref<!tpu.dma_semaphore, #tpu.memory_space<semaphore_mem>>, %arg28: memref<!tpu.dma_semaphore, #tpu.memory_space<semaphore_mem>>, %arg29: memref<!tpu.dma_semaphore, #tpu.memory_space<semaphore_mem>>, %arg30: memref<!tpu.dma_semaphore, #tpu.memory_space<semaphore_mem>>, %arg31: memref<!tpu.dma_semaphore, #tpu.memory_space<semaphore_mem>>, %arg32: memref<!tpu.dma_semaphore, #tpu.memory_space<semaphore_mem>>) attributes {dimension_semantics = [#tpu.dimension_semantics<core_parallel>, #tpu.dimension_semantics<subcore_parallel>], iteration_bounds = array<i64: 2, 16>, scalar_prefetch = 0 : i64, scratch_operands = 23 : i64, tpu.core_type = #tpu.core_type<sc_vector_subcore>, window_params = [{transform_indices = #map}, {transform_indices = #map1}, {transform_indices = #map}, {transform_indices = #map2}, {transform_indices = #map2}, {transform_indices = #map}, {transform_indices = #map1}, {transform_indices = #map1}]} {
    %mul3A = arith.constant 2 : i32
    %mul3A_0 = arith.muli %arg1, %mul3A : i32
    %add3A = arith.addi %mul3A_0, %arg0 : i32
    %mul3A_1 = arith.constant 125 : i32
    %mul3A_2 = arith.muli %add3A, %mul3A_1 : i32
    "tpu.region"() ({
      %run_scoped3A = tpu.sem_alloc : memref<!tpu.dma_semaphore, #tpu.memory_space<semaphore_mem>>
      tpu.enqueue_dma source(%arg5 : memref<128xf32, #tpu.memory_space<hbm>>) target(%arg21 : memref<128xf32, #tpu.memory_space<vmem>>) target_semaphore(%run_scoped3A : memref<!tpu.dma_semaphore, #tpu.memory_space<semaphore_mem>>)
      tpu.wait_dma2 semaphore(%run_scoped3A : memref<!tpu.dma_semaphore, #tpu.memory_space<semaphore_mem>>) src(%arg5 : memref<128xf32, #tpu.memory_space<hbm>>) dst(%arg21 : memref<128xf32, #tpu.memory_space<vmem>>)
      tpu.yield
    }) : () -> ()
    "tpu.region"() ({
      %run_scoped3A = tpu.sem_alloc : memref<!tpu.dma_semaphore, #tpu.memory_space<semaphore_mem>>
      tpu.enqueue_dma source(%arg6 : memref<16xf32, #tpu.memory_space<hbm>>) target(%arg22 : memref<16xf32, #tpu.memory_space<vmem>>) target_semaphore(%run_scoped3A : memref<!tpu.dma_semaphore, #tpu.memory_space<semaphore_mem>>)
      tpu.wait_dma2 semaphore(%run_scoped3A : memref<!tpu.dma_semaphore, #tpu.memory_space<semaphore_mem>>) src(%arg6 : memref<16xf32, #tpu.memory_space<hbm>>) dst(%arg22 : memref<16xf32, #tpu.memory_space<vmem>>)
      tpu.yield
    }) : () -> ()
    %mul3A_3 = arith.constant 625 : i32
    %mul3A_4 = arith.muli %arg1, %mul3A_3 : i32
    "tpu.region"() ({
      %run_scoped3A = tpu.sem_alloc : memref<!tpu.dma_semaphore, #tpu.memory_space<semaphore_mem>>
      %dma_start3A_157 = arith.constant 0 : i32
      %dma_start3A_158 = tpu.memref_slice %arg10[%mul3A_4, %dma_start3A_157] : memref<10000x128xf32, #tpu.memory_space<vmem_shared>> -> memref<625x128xf32, #tpu.memory_space<vmem_shared>>
      tpu.enqueue_dma source(%arg7 : memref<625x128xf32, #tpu.memory_space<hbm>>) target(%dma_start3A_158 : memref<625x128xf32, #tpu.memory_space<vmem_shared>>) target_semaphore(%run_scoped3A : memref<!tpu.dma_semaphore, #tpu.memory_space<semaphore_mem>>)
      %dma_wait3A_159 = arith.constant 0 : i32
      %dma_wait3A_160 = tpu.memref_slice %arg10[%mul3A_4, %dma_wait3A_159] : memref<10000x128xf32, #tpu.memory_space<vmem_shared>> -> memref<625x128xf32, #tpu.memory_space<vmem_shared>>
      tpu.wait_dma2 semaphore(%run_scoped3A : memref<!tpu.dma_semaphore, #tpu.memory_space<semaphore_mem>>) src(%arg7 : memref<625x128xf32, #tpu.memory_space<hbm>>) dst(%dma_wait3A_160 : memref<625x128xf32, #tpu.memory_space<vmem_shared>>)
      tpu.yield
    }) : () -> ()
    %barrier3A = arith.constant 0 : index
    tpu.barrier barrier_id(%barrier3A)
    %iota3A = tpu.iota {dimensions = array<i32: 0>} : vector<16xi32>
    %broadcast_in_dim3A = arith.constant 0 : i32
    %broadcast_in_dim3A_5 = vector.broadcast %broadcast_in_dim3A : i32 to vector<16xi32>
    %eq3A = arith.constant 0 : i32
    %eq3A_6 = vector.broadcast %eq3A : i32 to vector<16xi32>
    %eq3A_7 = arith.cmpi eq, %iota3A, %eq3A_6 : vector<16xi32>
    %add3A_8 = arith.constant 2 : i32
    %add3A_9 = vector.broadcast %add3A_8 : i32 to vector<16xi32>
    %add3A_10 = arith.addi %broadcast_in_dim3A_5, %add3A_9 : vector<16xi32>
    %add3A_11 = arith.constant 0 : i32
    %add3A_12 = arith.addi %mul3A_2, %add3A_11 : i32
    %dma_start3A = arith.constant 0 : i32
    %dma_start3A_13 = arith.constant 0 : i32
    %dma_start3A_14 = tpu.memref_slice %arg3[%add3A_12, %dma_start3A, %dma_start3A_13] : memref<4000x3x80xi32, #tpu.memory_space<hbm>> -> memref<1x3x80xi32, #tpu.memory_space<hbm>>
    %dma_start3A_15 = tpu.memref_squeeze %dma_start3A_14 : memref<1x3x80xi32, #tpu.memory_space<hbm>> -> memref<3x80xi32, #tpu.memory_space<hbm>>
    %dma_start3A_16 = arith.constant 0 : i32
    %dma_start3A_17 = arith.constant 0 : i32
    %dma_start3A_18 = tpu.memref_slice %arg3[%add3A_12, %dma_start3A_16, %dma_start3A_17] : memref<4000x3x80xi32, #tpu.memory_space<hbm>> -> memref<1x3x80xi32, #tpu.memory_space<hbm>>
    %dma_start3A_19 = tpu.memref_squeeze %dma_start3A_18 : memref<1x3x80xi32, #tpu.memory_space<hbm>> -> memref<3x80xi32, #tpu.memory_space<hbm>>
    tpu.enqueue_dma source(%dma_start3A_19 : memref<3x80xi32, #tpu.memory_space<hbm>>) target(%arg11 : memref<3x80xi32, #tpu.memory_space<vmem>>) target_semaphore(%arg23 : memref<!tpu.dma_semaphore, #tpu.memory_space<semaphore_mem>>)
    %add3A_20 = arith.constant 1 : i32
    %add3A_21 = arith.addi %mul3A_2, %add3A_20 : i32
    %dma_start3A_22 = arith.constant 0 : i32
    %dma_start3A_23 = arith.constant 0 : i32
    %dma_start3A_24 = tpu.memref_slice %arg3[%add3A_21, %dma_start3A_22, %dma_start3A_23] : memref<4000x3x80xi32, #tpu.memory_space<hbm>> -> memref<1x3x80xi32, #tpu.memory_space<hbm>>
    %dma_start3A_25 = tpu.memref_squeeze %dma_start3A_24 : memref<1x3x80xi32, #tpu.memory_space<hbm>> -> memref<3x80xi32, #tpu.memory_space<hbm>>
    %dma_start3A_26 = arith.constant 0 : i32
    %dma_start3A_27 = arith.constant 0 : i32
    %dma_start3A_28 = tpu.memref_slice %arg3[%add3A_21, %dma_start3A_26, %dma_start3A_27] : memref<4000x3x80xi32, #tpu.memory_space<hbm>> -> memref<1x3x80xi32, #tpu.memory_space<hbm>>
    %dma_start3A_29 = tpu.memref_squeeze %dma_start3A_28 : memref<1x3x80xi32, #tpu.memory_space<hbm>> -> memref<3x80xi32, #tpu.memory_space<hbm>>
    tpu.enqueue_dma source(%dma_start3A_29 : memref<3x80xi32, #tpu.memory_space<hbm>>) target(%arg12 : memref<3x80xi32, #tpu.memory_space<vmem>>) target_semaphore(%arg23 : memref<!tpu.dma_semaphore, #tpu.memory_space<semaphore_mem>>)
    %dma_wait3A = arith.constant 0 : i32
    %dma_wait3A_30 = arith.constant 0 : i32
    %dma_wait3A_31 = arith.constant 0 : i32
    %dma_wait3A_32 = tpu.memref_slice %arg3[%dma_wait3A, %dma_wait3A_30, %dma_wait3A_31] : memref<4000x3x80xi32, #tpu.memory_space<hbm>> -> memref<1x3x80xi32, #tpu.memory_space<hbm>>
    %dma_wait3A_33 = tpu.memref_squeeze %dma_wait3A_32 : memref<1x3x80xi32, #tpu.memory_space<hbm>> -> memref<3x80xi32, #tpu.memory_space<hbm>>
    %dma_wait3A_34 = arith.constant 0 : i32
    %dma_wait3A_35 = arith.constant 0 : i32
    %dma_wait3A_36 = tpu.memref_slice %arg3[%dma_wait3A, %dma_wait3A_34, %dma_wait3A_35] : memref<4000x3x80xi32, #tpu.memory_space<hbm>> -> memref<1x3x80xi32, #tpu.memory_space<hbm>>
    %dma_wait3A_37 = tpu.memref_squeeze %dma_wait3A_36 : memref<1x3x80xi32, #tpu.memory_space<hbm>> -> memref<3x80xi32, #tpu.memory_space<hbm>>
    tpu.wait_dma2 semaphore(%arg23 : memref<!tpu.dma_semaphore, #tpu.memory_space<semaphore_mem>>) src(%dma_wait3A_37 : memref<3x80xi32, #tpu.memory_space<hbm>>) dst(%arg11 : memref<3x80xi32, #tpu.memory_space<vmem>>)
    %dma_wait3A_38 = arith.constant 0 : i32
    %dma_wait3A_39 = arith.constant 0 : i32
    %dma_wait3A_40 = arith.constant 0 : i32
    %dma_wait3A_41 = tpu.memref_slice %arg3[%dma_wait3A_38, %dma_wait3A_39, %dma_wait3A_40] : memref<4000x3x80xi32, #tpu.memory_space<hbm>> -> memref<1x3x80xi32, #tpu.memory_space<hbm>>
    %dma_wait3A_42 = tpu.memref_squeeze %dma_wait3A_41 : memref<1x3x80xi32, #tpu.memory_space<hbm>> -> memref<3x80xi32, #tpu.memory_space<hbm>>
    %dma_wait3A_43 = arith.constant 0 : i32
    %dma_wait3A_44 = arith.constant 0 : i32
    %dma_wait3A_45 = tpu.memref_slice %arg3[%dma_wait3A_38, %dma_wait3A_43, %dma_wait3A_44] : memref<4000x3x80xi32, #tpu.memory_space<hbm>> -> memref<1x3x80xi32, #tpu.memory_space<hbm>>
    %dma_wait3A_46 = tpu.memref_squeeze %dma_wait3A_45 : memref<1x3x80xi32, #tpu.memory_space<hbm>> -> memref<3x80xi32, #tpu.memory_space<hbm>>
    tpu.wait_dma2 semaphore(%arg23 : memref<!tpu.dma_semaphore, #tpu.memory_space<semaphore_mem>>) src(%dma_wait3A_46 : memref<3x80xi32, #tpu.memory_space<hbm>>) dst(%arg12 : memref<3x80xi32, #tpu.memory_space<vmem>>)
    %dma_start3A_47 = arith.constant 0 : i32
    %dma_start3A_48 = arith.constant 0 : i32
    %dma_start3A_49 = tpu.memref_slice %arg11[%dma_start3A_47, %dma_start3A_48] : memref<3x80xi32, #tpu.memory_space<vmem>> -> memref<1x80xi32, #tpu.memory_space<vmem>>
    %dma_start3A_50 = tpu.memref_squeeze %dma_start3A_49 : memref<1x80xi32, #tpu.memory_space<vmem>> -> memref<80xi32, #tpu.memory_space<vmem>>
    %dma_start3A_51 = arith.constant 0 : i32
    %dma_start3A_52 = arith.constant 0 : i32
    %dma_start3A_53 = tpu.memref_slice %arg2[%dma_start3A_51, %dma_start3A_52] : memref<10000x128xf32, #tpu.memory_space<hbm>> -> memref<10000x128xf32, #tpu.memory_space<hbm>>
    tpu.enqueue_indirect_dma source(%dma_start3A_53 : memref<10000x128xf32, #tpu.memory_space<hbm>>) target(%arg17 : memref<80x128xf32, #tpu.memory_space<vmem>>) offsets(%dma_start3A_50 : memref<80xi32, #tpu.memory_space<vmem>>) semaphore(%arg25 : memref<!tpu.dma_semaphore, #tpu.memory_space<semaphore_mem>>)
    %add3A_54 = arith.constant 0 : i32
    %add3A_55 = arith.addi %mul3A_2, %add3A_54 : i32
    %mul3A_56 = arith.constant 80 : i32
    %mul3A_57 = arith.muli %add3A_55, %mul3A_56 : i32
    %dma_start3A_58 = arith.constant 0 : i32
    %dma_start3A_59 = tpu.memref_slice %arg4[%mul3A_57, %dma_start3A_58] : memref<320000x128xf32, #tpu.memory_space<hbm>> -> memref<80x128xf32, #tpu.memory_space<hbm>>
    %dma_start3A_60 = arith.constant 0 : i32
    %dma_start3A_61 = tpu.memref_slice %arg4[%mul3A_57, %dma_start3A_60] : memref<320000x128xf32, #tpu.memory_space<hbm>> -> memref<80x128xf32, #tpu.memory_space<hbm>>
    tpu.enqueue_dma source(%dma_start3A_61 : memref<80x128xf32, #tpu.memory_space<hbm>>) target(%arg15 : memref<80x128xf32, #tpu.memory_space<vmem>>) target_semaphore(%arg27 : memref<!tpu.dma_semaphore, #tpu.memory_space<semaphore_mem>>)
    %scan3A = arith.constant 0 : i32
    %scan3A_62 = arith.constant 31 : i32
    %scan3A_63 = arith.addi %scan3A, %scan3A_62 : i32
    %scan3A_64 = arith.constant 1 : i32
    scf.for %scan3A_157 = %scan3A to %scan3A_63 step %scan3A_64  : i32 {
      %mul3A_158 = arith.constant 1 : i32
      %mul3A_159 = arith.muli %scan3A_157, %mul3A_158 : i32
      %add3A_160 = arith.constant 0 : i32
      %add3A_161 = arith.addi %add3A_160, %mul3A_159 : i32
      %mul3A_162 = arith.constant 4 : i32
      %mul3A_163 = arith.muli %mul3A_162, %add3A_161 : i32
      %add3A_164 = arith.constant 0 : i32
      %add3A_165 = arith.addi %mul3A_163, %add3A_164 : i32
      %ge3A = arith.constant 1 : i32
      %ge3A_166 = arith.cmpi sge, %add3A_161, %ge3A : i32
      %convert_element_type3A_167 = arith.extui %ge3A_166 : i1 to i32
      %cond3A_168 = arith.constant 0 : i32
      %cond3A_169 = arith.cmpi ne, %convert_element_type3A_167, %cond3A_168 : i32
      scf.if %cond3A_169 {
        %dma_wait3A_552 = arith.constant 0 : i32
        %dma_wait3A_553 = arith.constant 0 : i32
        %dma_wait3A_554 = tpu.memref_slice %arg10[%dma_wait3A_552, %dma_wait3A_553] : memref<10000x128xf32, #tpu.memory_space<vmem_shared>> -> memref<80x128xf32, #tpu.memory_space<vmem_shared>>
        %dma_wait3A_555 = arith.constant 0 : i32
        %dma_wait3A_556 = arith.constant 0 : i32
        %dma_wait3A_557 = tpu.memref_slice %arg10[%dma_wait3A_555, %dma_wait3A_556] : memref<10000x128xf32, #tpu.memory_space<vmem_shared>> -> memref<80x128xf32, #tpu.memory_space<vmem_shared>>
        tpu.wait_dma2 semaphore(%arg30 : memref<!tpu.dma_semaphore, #tpu.memory_space<semaphore_mem>>) src(%arg18 : memref<80x128xf32, #tpu.memory_space<vmem>>) dst(%dma_wait3A_557 : memref<80x128xf32, #tpu.memory_space<vmem_shared>>)
        %dma_wait3A_558 = arith.constant 0 : i32
        %dma_wait3A_559 = arith.constant 0 : i32
        %dma_wait3A_560 = arith.constant 0 : i32
        %dma_wait3A_561 = tpu.memref_slice %arg3[%dma_wait3A_558, %dma_wait3A_559, %dma_wait3A_560] : memref<4000x3x80xi32, #tpu.memory_space<hbm>> -> memref<1x3x80xi32, #tpu.memory_space<hbm>>
        %dma_wait3A_562 = tpu.memref_squeeze %dma_wait3A_561 : memref<1x3x80xi32, #tpu.memory_space<hbm>> -> memref<3x80xi32, #tpu.memory_space<hbm>>
        %dma_wait3A_563 = arith.constant 0 : i32
        %dma_wait3A_564 = arith.constant 0 : i32
        %dma_wait3A_565 = tpu.memref_slice %arg3[%dma_wait3A_558, %dma_wait3A_563, %dma_wait3A_564] : memref<4000x3x80xi32, #tpu.memory_space<hbm>> -> memref<1x3x80xi32, #tpu.memory_space<hbm>>
        %dma_wait3A_566 = tpu.memref_squeeze %dma_wait3A_565 : memref<1x3x80xi32, #tpu.memory_space<hbm>> -> memref<3x80xi32, #tpu.memory_space<hbm>>
        tpu.wait_dma2 semaphore(%arg24 : memref<!tpu.dma_semaphore, #tpu.memory_space<semaphore_mem>>) src(%dma_wait3A_566 : memref<3x80xi32, #tpu.memory_space<hbm>>) dst(%arg12 : memref<3x80xi32, #tpu.memory_space<vmem>>)
      } else {
      }
      %add3A_170 = arith.constant 1 : i32
      %add3A_171 = arith.addi %add3A_165, %add3A_170 : i32
      %dma_start3A_172 = arith.constant 0 : i32
      %dma_start3A_173 = arith.constant 0 : i32
      %dma_start3A_174 = tpu.memref_slice %arg12[%dma_start3A_172, %dma_start3A_173] : memref<3x80xi32, #tpu.memory_space<vmem>> -> memref<1x80xi32, #tpu.memory_space<vmem>>
      %dma_start3A_175 = tpu.memref_squeeze %dma_start3A_174 : memref<1x80xi32, #tpu.memory_space<vmem>> -> memref<80xi32, #tpu.memory_space<vmem>>
      %dma_start3A_176 = arith.constant 0 : i32
      %dma_start3A_177 = arith.constant 0 : i32
      %dma_start3A_178 = tpu.memref_slice %arg2[%dma_start3A_176, %dma_start3A_177] : memref<10000x128xf32, #tpu.memory_space<hbm>> -> memref<10000x128xf32, #tpu.memory_space<hbm>>
      tpu.enqueue_indirect_dma source(%dma_start3A_178 : memref<10000x128xf32, #tpu.memory_space<hbm>>) target(%arg18 : memref<80x128xf32, #tpu.memory_space<vmem>>) offsets(%dma_start3A_175 : memref<80xi32, #tpu.memory_space<vmem>>) semaphore(%arg26 : memref<!tpu.dma_semaphore, #tpu.memory_space<semaphore_mem>>)
      %add3A_179 = arith.addi %mul3A_2, %add3A_171 : i32
      %mul3A_180 = arith.constant 80 : i32
      %mul3A_181 = arith.muli %add3A_179, %mul3A_180 : i32
      %dma_start3A_182 = arith.constant 0 : i32
      %dma_start3A_183 = tpu.memref_slice %arg4[%mul3A_181, %dma_start3A_182] : memref<320000x128xf32, #tpu.memory_space<hbm>> -> memref<80x128xf32, #tpu.memory_space<hbm>>
      %dma_start3A_184 = arith.constant 0 : i32
      %dma_start3A_185 = tpu.memref_slice %arg4[%mul3A_181, %dma_start3A_184] : memref<320000x128xf32, #tpu.memory_space<hbm>> -> memref<80x128xf32, #tpu.memory_space<hbm>>
      tpu.enqueue_dma source(%dma_start3A_185 : memref<80x128xf32, #tpu.memory_space<hbm>>) target(%arg16 : memref<80x128xf32, #tpu.memory_space<vmem>>) target_semaphore(%arg28 : memref<!tpu.dma_semaphore, #tpu.memory_space<semaphore_mem>>)
      %add3A_186 = arith.constant 2 : i32
      %add3A_187 = arith.addi %add3A_165, %add3A_186 : i32
      %add3A_188 = arith.addi %mul3A_2, %add3A_187 : i32
      %dma_start3A_189 = arith.constant 0 : i32
      %dma_start3A_190 = arith.constant 0 : i32
      %dma_start3A_191 = tpu.memref_slice %arg3[%add3A_188, %dma_start3A_189, %dma_start3A_190] : memref<4000x3x80xi32, #tpu.memory_space<hbm>> -> memref<1x3x80xi32, #tpu.memory_space<hbm>>
      %dma_start3A_192 = tpu.memref_squeeze %dma_start3A_191 : memref<1x3x80xi32, #tpu.memory_space<hbm>> -> memref<3x80xi32, #tpu.memory_space<hbm>>
      %dma_start3A_193 = arith.constant 0 : i32
      %dma_start3A_194 = arith.constant 0 : i32
      %dma_start3A_195 = tpu.memref_slice %arg3[%add3A_188, %dma_start3A_193, %dma_start3A_194] : memref<4000x3x80xi32, #tpu.memory_space<hbm>> -> memref<1x3x80xi32, #tpu.memory_space<hbm>>
      %dma_start3A_196 = tpu.memref_squeeze %dma_start3A_195 : memref<1x3x80xi32, #tpu.memory_space<hbm>> -> memref<3x80xi32, #tpu.memory_space<hbm>>
      tpu.enqueue_dma source(%dma_start3A_196 : memref<3x80xi32, #tpu.memory_space<hbm>>) target(%arg13 : memref<3x80xi32, #tpu.memory_space<vmem>>) target_semaphore(%arg23 : memref<!tpu.dma_semaphore, #tpu.memory_space<semaphore_mem>>)
      %dma_wait3A_197 = arith.constant 0 : i32
      %dma_wait3A_198 = arith.constant 0 : i32
      %dma_wait3A_199 = tpu.memref_slice %arg4[%dma_wait3A_197, %dma_wait3A_198] : memref<320000x128xf32, #tpu.memory_space<hbm>> -> memref<80x128xf32, #tpu.memory_space<hbm>>
      %dma_wait3A_200 = arith.constant 0 : i32
      %dma_wait3A_201 = arith.constant 0 : i32
      %dma_wait3A_202 = tpu.memref_slice %arg4[%dma_wait3A_200, %dma_wait3A_201] : memref<320000x128xf32, #tpu.memory_space<hbm>> -> memref<80x128xf32, #tpu.memory_space<hbm>>
      tpu.wait_dma2 semaphore(%arg25 : memref<!tpu.dma_semaphore, #tpu.memory_space<semaphore_mem>>) src(%dma_wait3A_202 : memref<80x128xf32, #tpu.memory_space<hbm>>) dst(%arg17 : memref<80x128xf32, #tpu.memory_space<vmem>>)
      %dma_wait3A_203 = arith.constant 0 : i32
      %dma_wait3A_204 = arith.constant 0 : i32
      %dma_wait3A_205 = tpu.memref_slice %arg4[%dma_wait3A_203, %dma_wait3A_204] : memref<320000x128xf32, #tpu.memory_space<hbm>> -> memref<80x128xf32, #tpu.memory_space<hbm>>
      %dma_wait3A_206 = arith.constant 0 : i32
      %dma_wait3A_207 = arith.constant 0 : i32
      %dma_wait3A_208 = tpu.memref_slice %arg4[%dma_wait3A_206, %dma_wait3A_207] : memref<320000x128xf32, #tpu.memory_space<hbm>> -> memref<80x128xf32, #tpu.memory_space<hbm>>
      tpu.wait_dma2 semaphore(%arg27 : memref<!tpu.dma_semaphore, #tpu.memory_space<semaphore_mem>>) src(%dma_wait3A_208 : memref<80x128xf32, #tpu.memory_space<hbm>>) dst(%arg15 : memref<80x128xf32, #tpu.memory_space<vmem>>)
      %ge3A_209 = arith.constant 1 : i32
      %ge3A_210 = arith.cmpi sge, %add3A_161, %ge3A_209 : i32
      %convert_element_type3A_211 = arith.extui %ge3A_210 : i1 to i32
      %cond3A_212 = arith.constant 0 : i32
      %cond3A_213 = arith.cmpi ne, %convert_element_type3A_211, %cond3A_212 : i32
      scf.if %cond3A_213 {
        %dma_wait3A_552 = arith.constant 0 : i32
        %dma_wait3A_553 = arith.constant 0 : i32
        %dma_wait3A_554 = arith.constant 0 : i32
        %dma_wait3A_555 = tpu.memref_slice %arg9[%dma_wait3A_552, %dma_wait3A_553, %dma_wait3A_554] : memref<4000x1x80xf32, #tpu.memory_space<hbm>> -> memref<1x1x80xf32, #tpu.memory_space<hbm>>
        %dma_wait3A_556 = tpu.memref_squeeze %dma_wait3A_555 : memref<1x1x80xf32, #tpu.memory_space<hbm>> -> memref<1x80xf32, #tpu.memory_space<hbm>>
        %dma_wait3A_557 = arith.constant 0 : i32
        %dma_wait3A_558 = arith.constant 0 : i32
        %dma_wait3A_559 = tpu.memref_slice %arg9[%dma_wait3A_552, %dma_wait3A_557, %dma_wait3A_558] : memref<4000x1x80xf32, #tpu.memory_space<hbm>> -> memref<1x1x80xf32, #tpu.memory_space<hbm>>
        %dma_wait3A_560 = tpu.memref_squeeze %dma_wait3A_559 : memref<1x1x80xf32, #tpu.memory_space<hbm>> -> memref<1x80xf32, #tpu.memory_space<hbm>>
        tpu.wait_dma2 semaphore(%arg31 : memref<!tpu.dma_semaphore, #tpu.memory_space<semaphore_mem>>) src(%arg19 : memref<1x80xf32, #tpu.memory_space<vmem>>) dst(%dma_wait3A_560 : memref<1x80xf32, #tpu.memory_space<hbm>>)
      } else {
      }
      %get3A_214 = arith.constant 0 : index
      %get3A_215 = tpu.vector_load %arg21[%get3A_214] {strides = array<i32>} : memref<128xf32, #tpu.memory_space<vmem>>, vector<16xf32>,
      %get3A_216 = arith.constant 16 : index
      %get3A_217 = tpu.vector_load %arg21[%get3A_216] {strides = array<i32>} : memref<128xf32, #tpu.memory_space<vmem>>, vector<16xf32>,
      %get3A_218 = arith.constant 32 : index
      %get3A_219 = tpu.vector_load %arg21[%get3A_218] {strides = array<i32>} : memref<128xf32, #tpu.memory_space<vmem>>, vector<16xf32>,
      %get3A_220 = arith.constant 48 : index
      %get3A_221 = tpu.vector_load %arg21[%get3A_220] {strides = array<i32>} : memref<128xf32, #tpu.memory_space<vmem>>, vector<16xf32>,
      %get3A_222 = arith.constant 64 : index
      %get3A_223 = tpu.vector_load %arg21[%get3A_222] {strides = array<i32>} : memref<128xf32, #tpu.memory_space<vmem>>, vector<16xf32>,
      %get3A_224 = arith.constant 80 : index
      %get3A_225 = tpu.vector_load %arg21[%get3A_224] {strides = array<i32>} : memref<128xf32, #tpu.memory_space<vmem>>, vector<16xf32>,
      %get3A_226 = arith.constant 96 : index
      %get3A_227 = tpu.vector_load %arg21[%get3A_226] {strides = array<i32>} : memref<128xf32, #tpu.memory_space<vmem>>, vector<16xf32>,
      %get3A_228 = arith.constant 112 : index
      %get3A_229 = tpu.vector_load %arg21[%get3A_228] {strides = array<i32>} : memref<128xf32, #tpu.memory_space<vmem>>, vector<16xf32>,
      %get3A_230 = arith.constant 0 : index
      %get3A_231 = tpu.vector_load %arg22[%get3A_230] {strides = array<i32>} : memref<16xf32, #tpu.memory_space<vmem>>, vector<16xf32>,
      %parallel_loop3A_232 = arith.constant 0 : i32
      %parallel_loop3A_233 = arith.constant 80 : i32
      %parallel_loop3A_234 = arith.constant 1 : i32
      scf.for %parallel_loop3A_552 = %parallel_loop3A_232 to %parallel_loop3A_233 step %parallel_loop3A_234  : i32 {
        %parallel_loop3A_553 = vector.broadcast %parallel_loop3A_552 : i32 to vector<16xi32>
        %parallel_loop3A_554 = arith.addi %broadcast_in_dim3A_5, %parallel_loop3A_553 : vector<16xi32>
        %parallel_loop3A_555 = arith.index_cast %parallel_loop3A_552 : i32 to index
        %parallel_loop3A_556 = arith.constant 0 : index
        %parallel_loop3A_557 = tpu.vector_load %arg15[%parallel_loop3A_555, %parallel_loop3A_556] {strides = array<i32>} : memref<80x128xf32, #tpu.memory_space<vmem>>, vector<16xf32>,
        %parallel_loop3A_558 = arith.index_cast %parallel_loop3A_552 : i32 to index
        %parallel_loop3A_559 = arith.constant 16 : index
        %parallel_loop3A_560 = tpu.vector_load %arg15[%parallel_loop3A_558, %parallel_loop3A_559] {strides = array<i32>} : memref<80x128xf32, #tpu.memory_space<vmem>>, vector<16xf32>,
        %parallel_loop3A_561 = arith.index_cast %parallel_loop3A_552 : i32 to index
        %parallel_loop3A_562 = arith.constant 32 : index
        %parallel_loop3A_563 = tpu.vector_load %arg15[%parallel_loop3A_561, %parallel_loop3A_562] {strides = array<i32>} : memref<80x128xf32, #tpu.memory_space<vmem>>, vector<16xf32>,
        %parallel_loop3A_564 = arith.index_cast %parallel_loop3A_552 : i32 to index
        %parallel_loop3A_565 = arith.constant 48 : index
        %parallel_loop3A_566 = tpu.vector_load %arg15[%parallel_loop3A_564, %parallel_loop3A_565] {strides = array<i32>} : memref<80x128xf32, #tpu.memory_space<vmem>>, vector<16xf32>,
        %parallel_loop3A_567 = arith.index_cast %parallel_loop3A_552 : i32 to index
        %parallel_loop3A_568 = arith.constant 64 : index
        %parallel_loop3A_569 = tpu.vector_load %arg15[%parallel_loop3A_567, %parallel_loop3A_568] {strides = array<i32>} : memref<80x128xf32, #tpu.memory_space<vmem>>, vector<16xf32>,
        %parallel_loop3A_570 = arith.index_cast %parallel_loop3A_552 : i32 to index
        %parallel_loop3A_571 = arith.constant 80 : index
        %parallel_loop3A_572 = tpu.vector_load %arg15[%parallel_loop3A_570, %parallel_loop3A_571] {strides = array<i32>} : memref<80x128xf32, #tpu.memory_space<vmem>>, vector<16xf32>,
        %parallel_loop3A_573 = arith.index_cast %parallel_loop3A_552 : i32 to index
        %parallel_loop3A_574 = arith.constant 96 : index
        %parallel_loop3A_575 = tpu.vector_load %arg15[%parallel_loop3A_573, %parallel_loop3A_574] {strides = array<i32>} : memref<80x128xf32, #tpu.memory_space<vmem>>, vector<16xf32>,
        %parallel_loop3A_576 = arith.index_cast %parallel_loop3A_552 : i32 to index
        %parallel_loop3A_577 = arith.constant 112 : index
        %parallel_loop3A_578 = tpu.vector_load %arg15[%parallel_loop3A_576, %parallel_loop3A_577] {strides = array<i32>} : memref<80x128xf32, #tpu.memory_space<vmem>>, vector<16xf32>,
        %parallel_loop3A_579 = arith.mulf %parallel_loop3A_557, %get3A_215 : vector<16xf32>
        %parallel_loop3A_580 = arith.mulf %parallel_loop3A_560, %get3A_217 : vector<16xf32>
        %parallel_loop3A_581 = arith.mulf %parallel_loop3A_563, %get3A_219 : vector<16xf32>
        %parallel_loop3A_582 = arith.mulf %parallel_loop3A_566, %get3A_221 : vector<16xf32>
        %parallel_loop3A_583 = arith.mulf %parallel_loop3A_569, %get3A_223 : vector<16xf32>
        %parallel_loop3A_584 = arith.mulf %parallel_loop3A_572, %get3A_225 : vector<16xf32>
        %parallel_loop3A_585 = arith.mulf %parallel_loop3A_575, %get3A_227 : vector<16xf32>
        %parallel_loop3A_586 = arith.mulf %parallel_loop3A_578, %get3A_229 : vector<16xf32>
        %parallel_loop3A_587 = arith.addf %parallel_loop3A_579, %parallel_loop3A_580 : vector<16xf32>
        %parallel_loop3A_588 = arith.addf %parallel_loop3A_581, %parallel_loop3A_582 : vector<16xf32>
        %parallel_loop3A_589 = arith.addf %parallel_loop3A_587, %parallel_loop3A_588 : vector<16xf32>
        %parallel_loop3A_590 = arith.addf %parallel_loop3A_583, %parallel_loop3A_584 : vector<16xf32>
        %parallel_loop3A_591 = arith.addf %parallel_loop3A_585, %parallel_loop3A_586 : vector<16xf32>
        %parallel_loop3A_592 = arith.addf %parallel_loop3A_590, %parallel_loop3A_591 : vector<16xf32>
        %parallel_loop3A_593 = arith.addf %parallel_loop3A_589, %parallel_loop3A_592 : vector<16xf32>
        %parallel_loop3A_594 = arith.constant true
        %parallel_loop3A_595 = vector.broadcast %parallel_loop3A_594 : i1 to vector<16xi1>
        %parallel_loop3A_596 = tpu.scan <sum>, %parallel_loop3A_593 masked %parallel_loop3A_595 : vector<16xf32>, vector<16xi1> -> vector<16xf32>
        %parallel_loop3A_597 = vector.extract %parallel_loop3A_596[15] : f32 from vector<16xf32>
        %parallel_loop3A_598 = vector.broadcast %parallel_loop3A_597 : f32 to vector<16xf32>
        %parallel_loop3A_599 = arith.addf %parallel_loop3A_598, %get3A_231 : vector<16xf32>
        %parallel_loop3A_600 = tpu.vector_load_idx %arg11[%add3A_10, %parallel_loop3A_554] : memref<3x80xi32, #tpu.memory_space<vmem>>[vector<16xi32>, vector<16xi32>], vector<16xi32>,
        %parallel_loop3A_601 = vector.bitcast %parallel_loop3A_600 : vector<16xi32> to vector<16xf32>
        %parallel_loop3A_602 = arith.index_cast %parallel_loop3A_552 : i32 to index
        %parallel_loop3A_603 = arith.constant 0 : index
        %parallel_loop3A_604 = tpu.vector_load %arg17[%parallel_loop3A_602, %parallel_loop3A_603] {strides = array<i32>} : memref<80x128xf32, #tpu.memory_space<vmem>>, vector<16xf32>,
        %parallel_loop3A_605 = arith.mulf %parallel_loop3A_604, %parallel_loop3A_601 : vector<16xf32>
        %parallel_loop3A_606 = arith.mulf %parallel_loop3A_599, %parallel_loop3A_557 : vector<16xf32>
        %parallel_loop3A_607 = arith.addf %parallel_loop3A_605, %parallel_loop3A_606 : vector<16xf32>
        %parallel_loop3A_608 = arith.constant 0.000000e+00 : f32
        %parallel_loop3A_609 = vector.broadcast %parallel_loop3A_608 : f32 to vector<16xf32>
        %parallel_loop3A_610 = arith.maximumf %parallel_loop3A_607, %parallel_loop3A_609 : vector<16xf32>
        %parallel_loop3A_611 = arith.index_cast %parallel_loop3A_552 : i32 to index
        %parallel_loop3A_612 = arith.constant 0 : index
        %parallel_loop3A_613 = tpu.vector_load %arg17[%parallel_loop3A_611, %parallel_loop3A_612] {strides = array<i32>} : memref<80x128xf32, #tpu.memory_space<vmem>>, vector<16xf32>,
        tpu.vector_store %arg17[%parallel_loop3A_611, %parallel_loop3A_612], %parallel_loop3A_610 {strides = array<i32>} : memref<80x128xf32, #tpu.memory_space<vmem>>, vector<16xf32>,
        %parallel_loop3A_614 = arith.index_cast %parallel_loop3A_552 : i32 to index
        %parallel_loop3A_615 = arith.constant 16 : index
        %parallel_loop3A_616 = tpu.vector_load %arg17[%parallel_loop3A_614, %parallel_loop3A_615] {strides = array<i32>} : memref<80x128xf32, #tpu.memory_space<vmem>>, vector<16xf32>,
        %parallel_loop3A_617 = arith.mulf %parallel_loop3A_616, %parallel_loop3A_601 : vector<16xf32>
        %parallel_loop3A_618 = arith.mulf %parallel_loop3A_599, %parallel_loop3A_560 : vector<16xf32>
        %parallel_loop3A_619 = arith.addf %parallel_loop3A_617, %parallel_loop3A_618 : vector<16xf32>
        %parallel_loop3A_620 = arith.constant 0.000000e+00 : f32
        %parallel_loop3A_621 = vector.broadcast %parallel_loop3A_620 : f32 to vector<16xf32>
        %parallel_loop3A_622 = arith.maximumf %parallel_loop3A_619, %parallel_loop3A_621 : vector<16xf32>
        %parallel_loop3A_623 = arith.index_cast %parallel_loop3A_552 : i32 to index
        %parallel_loop3A_624 = arith.constant 16 : index
        %parallel_loop3A_625 = tpu.vector_load %arg17[%parallel_loop3A_623, %parallel_loop3A_624] {strides = array<i32>} : memref<80x128xf32, #tpu.memory_space<vmem>>, vector<16xf32>,
        tpu.vector_store %arg17[%parallel_loop3A_623, %parallel_loop3A_624], %parallel_loop3A_622 {strides = array<i32>} : memref<80x128xf32, #tpu.memory_space<vmem>>, vector<16xf32>,
        %parallel_loop3A_626 = arith.index_cast %parallel_loop3A_552 : i32 to index
        %parallel_loop3A_627 = arith.constant 32 : index
        %parallel_loop3A_628 = tpu.vector_load %arg17[%parallel_loop3A_626, %parallel_loop3A_627] {strides = array<i32>} : memref<80x128xf32, #tpu.memory_space<vmem>>, vector<16xf32>,
        %parallel_loop3A_629 = arith.mulf %parallel_loop3A_628, %parallel_loop3A_601 : vector<16xf32>
        %parallel_loop3A_630 = arith.mulf %parallel_loop3A_599, %parallel_loop3A_563 : vector<16xf32>
        %parallel_loop3A_631 = arith.addf %parallel_loop3A_629, %parallel_loop3A_630 : vector<16xf32>
        %parallel_loop3A_632 = arith.constant 0.000000e+00 : f32
        %parallel_loop3A_633 = vector.broadcast %parallel_loop3A_632 : f32 to vector<16xf32>
        %parallel_loop3A_634 = arith.maximumf %parallel_loop3A_631, %parallel_loop3A_633 : vector<16xf32>
        %parallel_loop3A_635 = arith.index_cast %parallel_loop3A_552 : i32 to index
        %parallel_loop3A_636 = arith.constant 32 : index
        %parallel_loop3A_637 = tpu.vector_load %arg17[%parallel_loop3A_635, %parallel_loop3A_636] {strides = array<i32>} : memref<80x128xf32, #tpu.memory_space<vmem>>, vector<16xf32>,
        tpu.vector_store %arg17[%parallel_loop3A_635, %parallel_loop3A_636], %parallel_loop3A_634 {strides = array<i32>} : memref<80x128xf32, #tpu.memory_space<vmem>>, vector<16xf32>,
        %parallel_loop3A_638 = arith.index_cast %parallel_loop3A_552 : i32 to index
        %parallel_loop3A_639 = arith.constant 48 : index
        %parallel_loop3A_640 = tpu.vector_load %arg17[%parallel_loop3A_638, %parallel_loop3A_639] {strides = array<i32>} : memref<80x128xf32, #tpu.memory_space<vmem>>, vector<16xf32>,
        %parallel_loop3A_641 = arith.mulf %parallel_loop3A_640, %parallel_loop3A_601 : vector<16xf32>
        %parallel_loop3A_642 = arith.mulf %parallel_loop3A_599, %parallel_loop3A_566 : vector<16xf32>
        %parallel_loop3A_643 = arith.addf %parallel_loop3A_641, %parallel_loop3A_642 : vector<16xf32>
        %parallel_loop3A_644 = arith.constant 0.000000e+00 : f32
        %parallel_loop3A_645 = vector.broadcast %parallel_loop3A_644 : f32 to vector<16xf32>
        %parallel_loop3A_646 = arith.maximumf %parallel_loop3A_643, %parallel_loop3A_645 : vector<16xf32>
        %parallel_loop3A_647 = arith.index_cast %parallel_loop3A_552 : i32 to index
        %parallel_loop3A_648 = arith.constant 48 : index
        %parallel_loop3A_649 = tpu.vector_load %arg17[%parallel_loop3A_647, %parallel_loop3A_648] {strides = array<i32>} : memref<80x128xf32, #tpu.memory_space<vmem>>, vector<16xf32>,
        tpu.vector_store %arg17[%parallel_loop3A_647, %parallel_loop3A_648], %parallel_loop3A_646 {strides = array<i32>} : memref<80x128xf32, #tpu.memory_space<vmem>>, vector<16xf32>,
        %parallel_loop3A_650 = arith.index_cast %parallel_loop3A_552 : i32 to index
        %parallel_loop3A_651 = arith.constant 64 : index
        %parallel_loop3A_652 = tpu.vector_load %arg17[%parallel_loop3A_650, %parallel_loop3A_651] {strides = array<i32>} : memref<80x128xf32, #tpu.memory_space<vmem>>, vector<16xf32>,
        %parallel_loop3A_653 = arith.mulf %parallel_loop3A_652, %parallel_loop3A_601 : vector<16xf32>
        %parallel_loop3A_654 = arith.mulf %parallel_loop3A_599, %parallel_loop3A_569 : vector<16xf32>
        %parallel_loop3A_655 = arith.addf %parallel_loop3A_653, %parallel_loop3A_654 : vector<16xf32>
        %parallel_loop3A_656 = arith.constant 0.000000e+00 : f32
        %parallel_loop3A_657 = vector.broadcast %parallel_loop3A_656 : f32 to vector<16xf32>
        %parallel_loop3A_658 = arith.maximumf %parallel_loop3A_655, %parallel_loop3A_657 : vector<16xf32>
        %parallel_loop3A_659 = arith.index_cast %parallel_loop3A_552 : i32 to index
        %parallel_loop3A_660 = arith.constant 64 : index
        %parallel_loop3A_661 = tpu.vector_load %arg17[%parallel_loop3A_659, %parallel_loop3A_660] {strides = array<i32>} : memref<80x128xf32, #tpu.memory_space<vmem>>, vector<16xf32>,
        tpu.vector_store %arg17[%parallel_loop3A_659, %parallel_loop3A_660], %parallel_loop3A_658 {strides = array<i32>} : memref<80x128xf32, #tpu.memory_space<vmem>>, vector<16xf32>,
        %parallel_loop3A_662 = arith.index_cast %parallel_loop3A_552 : i32 to index
        %parallel_loop3A_663 = arith.constant 80 : index
        %parallel_loop3A_664 = tpu.vector_load %arg17[%parallel_loop3A_662, %parallel_loop3A_663] {strides = array<i32>} : memref<80x128xf32, #tpu.memory_space<vmem>>, vector<16xf32>,
        %parallel_loop3A_665 = arith.mulf %parallel_loop3A_664, %parallel_loop3A_601 : vector<16xf32>
        %parallel_loop3A_666 = arith.mulf %parallel_loop3A_599, %parallel_loop3A_572 : vector<16xf32>
        %parallel_loop3A_667 = arith.addf %parallel_loop3A_665, %parallel_loop3A_666 : vector<16xf32>
        %parallel_loop3A_668 = arith.constant 0.000000e+00 : f32
        %parallel_loop3A_669 = vector.broadcast %parallel_loop3A_668 : f32 to vector<16xf32>
        %parallel_loop3A_670 = arith.maximumf %parallel_loop3A_667, %parallel_loop3A_669 : vector<16xf32>
        %parallel_loop3A_671 = arith.index_cast %parallel_loop3A_552 : i32 to index
        %parallel_loop3A_672 = arith.constant 80 : index
        %parallel_loop3A_673 = tpu.vector_load %arg17[%parallel_loop3A_671, %parallel_loop3A_672] {strides = array<i32>} : memref<80x128xf32, #tpu.memory_space<vmem>>, vector<16xf32>,
        tpu.vector_store %arg17[%parallel_loop3A_671, %parallel_loop3A_672], %parallel_loop3A_670 {strides = array<i32>} : memref<80x128xf32, #tpu.memory_space<vmem>>, vector<16xf32>,
        %parallel_loop3A_674 = arith.index_cast %parallel_loop3A_552 : i32 to index
        %parallel_loop3A_675 = arith.constant 96 : index
        %parallel_loop3A_676 = tpu.vector_load %arg17[%parallel_loop3A_674, %parallel_loop3A_675] {strides = array<i32>} : memref<80x128xf32, #tpu.memory_space<vmem>>, vector<16xf32>,
        %parallel_loop3A_677 = arith.mulf %parallel_loop3A_676, %parallel_loop3A_601 : vector<16xf32>
        %parallel_loop3A_678 = arith.mulf %parallel_loop3A_599, %parallel_loop3A_575 : vector<16xf32>
        %parallel_loop3A_679 = arith.addf %parallel_loop3A_677, %parallel_loop3A_678 : vector<16xf32>
        %parallel_loop3A_680 = arith.constant 0.000000e+00 : f32
        %parallel_loop3A_681 = vector.broadcast %parallel_loop3A_680 : f32 to vector<16xf32>
        %parallel_loop3A_682 = arith.maximumf %parallel_loop3A_679, %parallel_loop3A_681 : vector<16xf32>
        %parallel_loop3A_683 = arith.index_cast %parallel_loop3A_552 : i32 to index
        %parallel_loop3A_684 = arith.constant 96 : index
        %parallel_loop3A_685 = tpu.vector_load %arg17[%parallel_loop3A_683, %parallel_loop3A_684] {strides = array<i32>} : memref<80x128xf32, #tpu.memory_space<vmem>>, vector<16xf32>,
        tpu.vector_store %arg17[%parallel_loop3A_683, %parallel_loop3A_684], %parallel_loop3A_682 {strides = array<i32>} : memref<80x128xf32, #tpu.memory_space<vmem>>, vector<16xf32>,
        %parallel_loop3A_686 = arith.index_cast %parallel_loop3A_552 : i32 to index
        %parallel_loop3A_687 = arith.constant 112 : index
        %parallel_loop3A_688 = tpu.vector_load %arg17[%parallel_loop3A_686, %parallel_loop3A_687] {strides = array<i32>} : memref<80x128xf32, #tpu.memory_space<vmem>>, vector<16xf32>,
        %parallel_loop3A_689 = arith.mulf %parallel_loop3A_688, %parallel_loop3A_601 : vector<16xf32>
        %parallel_loop3A_690 = arith.mulf %parallel_loop3A_599, %parallel_loop3A_578 : vector<16xf32>
        %parallel_loop3A_691 = arith.addf %parallel_loop3A_689, %parallel_loop3A_690 : vector<16xf32>
        %parallel_loop3A_692 = arith.constant 0.000000e+00 : f32
        %parallel_loop3A_693 = vector.broadcast %parallel_loop3A_692 : f32 to vector<16xf32>
        %parallel_loop3A_694 = arith.maximumf %parallel_loop3A_691, %parallel_loop3A_693 : vector<16xf32>
        %parallel_loop3A_695 = arith.index_cast %parallel_loop3A_552 : i32 to index
        %parallel_loop3A_696 = arith.constant 112 : index
        %parallel_loop3A_697 = tpu.vector_load %arg17[%parallel_loop3A_695, %parallel_loop3A_696] {strides = array<i32>} : memref<80x128xf32, #tpu.memory_space<vmem>>, vector<16xf32>,
        tpu.vector_store %arg17[%parallel_loop3A_695, %parallel_loop3A_696], %parallel_loop3A_694 {strides = array<i32>} : memref<80x128xf32, #tpu.memory_space<vmem>>, vector<16xf32>,
        tpu.vector_store_idx %arg19[%broadcast_in_dim3A_5, %parallel_loop3A_554], %parallel_loop3A_599 masked %eq3A_7 : memref<1x80xf32, #tpu.memory_space<vmem>>[vector<16xi32>, vector<16xi32>], vector<16xf32>, vector<16xi1>
      } {sc.loop_unroll_factor = 2 : i64, sc.parallel_access}
      %dma_start3A_235 = arith.constant 1 : i32
      %dma_start3A_236 = arith.constant 0 : i32
      %dma_start3A_237 = tpu.memref_slice %arg11[%dma_start3A_235, %dma_start3A_236] : memref<3x80xi32, #tpu.memory_space<vmem>> -> memref<1x80xi32, #tpu.memory_space<vmem>>
      %dma_start3A_238 = tpu.memref_squeeze %dma_start3A_237 : memref<1x80xi32, #tpu.memory_space<vmem>> -> memref<80xi32, #tpu.memory_space<vmem>>
      %dma_start3A_239 = arith.constant 0 : i32
      %dma_start3A_240 = arith.constant 0 : i32
      %dma_start3A_241 = tpu.memref_slice %arg10[%dma_start3A_239, %dma_start3A_240] : memref<10000x128xf32, #tpu.memory_space<vmem_shared>> -> memref<10000x128xf32, #tpu.memory_space<vmem_shared>>
      tpu.enqueue_indirect_dma source(%arg17 : memref<80x128xf32, #tpu.memory_space<vmem>>) target(%dma_start3A_241 : memref<10000x128xf32, #tpu.memory_space<vmem_shared>>) offsets(%dma_start3A_238 : memref<80xi32, #tpu.memory_space<vmem>>) semaphore(%arg29 : memref<!tpu.dma_semaphore, #tpu.memory_space<semaphore_mem>>) {add = true}
      %add3A_242 = arith.addi %mul3A_2, %add3A_165 : i32
      %dma_start3A_243 = arith.constant 0 : i32
      %dma_start3A_244 = arith.constant 0 : i32
      %dma_start3A_245 = tpu.memref_slice %arg9[%add3A_242, %dma_start3A_243, %dma_start3A_244] : memref<4000x1x80xf32, #tpu.memory_space<hbm>> -> memref<1x1x80xf32, #tpu.memory_space<hbm>>
      %dma_start3A_246 = tpu.memref_squeeze %dma_start3A_245 : memref<1x1x80xf32, #tpu.memory_space<hbm>> -> memref<1x80xf32, #tpu.memory_space<hbm>>
      %dma_start3A_247 = arith.constant 0 : i32
      %dma_start3A_248 = arith.constant 0 : i32
      %dma_start3A_249 = tpu.memref_slice %arg9[%add3A_242, %dma_start3A_247, %dma_start3A_248] : memref<4000x1x80xf32, #tpu.memory_space<hbm>> -> memref<1x1x80xf32, #tpu.memory_space<hbm>>
      %dma_start3A_250 = tpu.memref_squeeze %dma_start3A_249 : memref<1x1x80xf32, #tpu.memory_space<hbm>> -> memref<1x80xf32, #tpu.memory_space<hbm>>
      tpu.enqueue_dma source(%arg19 : memref<1x80xf32, #tpu.memory_space<vmem>>) target(%dma_start3A_250 : memref<1x80xf32, #tpu.memory_space<hbm>>) target_semaphore(%arg31 : memref<!tpu.dma_semaphore, #tpu.memory_space<semaphore_mem>>)
      %mul3A_251 = arith.constant 4 : i32
      %mul3A_252 = arith.muli %mul3A_251, %add3A_161 : i32
      %add3A_253 = arith.constant 1 : i32
      %add3A_254 = arith.addi %mul3A_252, %add3A_253 : i32
      %dma_wait3A_255 = arith.constant 0 : i32
      %dma_wait3A_256 = arith.constant 0 : i32
      %dma_wait3A_257 = tpu.memref_slice %arg10[%dma_wait3A_255, %dma_wait3A_256] : memref<10000x128xf32, #tpu.memory_space<vmem_shared>> -> memref<80x128xf32, #tpu.memory_space<vmem_shared>>
      %dma_wait3A_258 = arith.constant 0 : i32
      %dma_wait3A_259 = arith.constant 0 : i32
      %dma_wait3A_260 = tpu.memref_slice %arg10[%dma_wait3A_258, %dma_wait3A_259] : memref<10000x128xf32, #tpu.memory_space<vmem_shared>> -> memref<80x128xf32, #tpu.memory_space<vmem_shared>>
      tpu.wait_dma2 semaphore(%arg29 : memref<!tpu.dma_semaphore, #tpu.memory_space<semaphore_mem>>) src(%arg17 : memref<80x128xf32, #tpu.memory_space<vmem>>) dst(%dma_wait3A_260 : memref<80x128xf32, #tpu.memory_space<vmem_shared>>)
      %dma_wait3A_261 = arith.constant 0 : i32
      %dma_wait3A_262 = arith.constant 0 : i32
      %dma_wait3A_263 = arith.constant 0 : i32
      %dma_wait3A_264 = tpu.memref_slice %arg3[%dma_wait3A_261, %dma_wait3A_262, %dma_wait3A_263] : memref<4000x3x80xi32, #tpu.memory_space<hbm>> -> memref<1x3x80xi32, #tpu.memory_space<hbm>>
      %dma_wait3A_265 = tpu.memref_squeeze %dma_wait3A_264 : memref<1x3x80xi32, #tpu.memory_space<hbm>> -> memref<3x80xi32, #tpu.memory_space<hbm>>
      %dma_wait3A_266 = arith.constant 0 : i32
      %dma_wait3A_267 = arith.constant 0 : i32
      %dma_wait3A_268 = tpu.memref_slice %arg3[%dma_wait3A_261, %dma_wait3A_266, %dma_wait3A_267] : memref<4000x3x80xi32, #tpu.memory_space<hbm>> -> memref<1x3x80xi32, #tpu.memory_space<hbm>>
      %dma_wait3A_269 = tpu.memref_squeeze %dma_wait3A_268 : memref<1x3x80xi32, #tpu.memory_space<hbm>> -> memref<3x80xi32, #tpu.memory_space<hbm>>
      tpu.wait_dma2 semaphore(%arg23 : memref<!tpu.dma_semaphore, #tpu.memory_space<semaphore_mem>>) src(%dma_wait3A_269 : memref<3x80xi32, #tpu.memory_space<hbm>>) dst(%arg13 : memref<3x80xi32, #tpu.memory_space<vmem>>)
      %add3A_270 = arith.constant 1 : i32
      %add3A_271 = arith.addi %add3A_254, %add3A_270 : i32
      %dma_start3A_272 = arith.constant 0 : i32
      %dma_start3A_273 = arith.constant 0 : i32
      %dma_start3A_274 = tpu.memref_slice %arg13[%dma_start3A_272, %dma_start3A_273] : memref<3x80xi32, #tpu.memory_space<vmem>> -> memref<1x80xi32, #tpu.memory_space<vmem>>
      %dma_start3A_275 = tpu.memref_squeeze %dma_start3A_274 : memref<1x80xi32, #tpu.memory_space<vmem>> -> memref<80xi32, #tpu.memory_space<vmem>>
      %dma_start3A_276 = arith.constant 0 : i32
      %dma_start3A_277 = arith.constant 0 : i32
      %dma_start3A_278 = tpu.memref_slice %arg2[%dma_start3A_276, %dma_start3A_277] : memref<10000x128xf32, #tpu.memory_space<hbm>> -> memref<10000x128xf32, #tpu.memory_space<hbm>>
      tpu.enqueue_indirect_dma source(%dma_start3A_278 : memref<10000x128xf32, #tpu.memory_space<hbm>>) target(%arg17 : memref<80x128xf32, #tpu.memory_space<vmem>>) offsets(%dma_start3A_275 : memref<80xi32, #tpu.memory_space<vmem>>) semaphore(%arg25 : memref<!tpu.dma_semaphore, #tpu.memory_space<semaphore_mem>>)
      %add3A_279 = arith.addi %mul3A_2, %add3A_271 : i32
      %mul3A_280 = arith.constant 80 : i32
      %mul3A_281 = arith.muli %add3A_279, %mul3A_280 : i32
      %dma_start3A_282 = arith.constant 0 : i32
      %dma_start3A_283 = tpu.memref_slice %arg4[%mul3A_281, %dma_start3A_282] : memref<320000x128xf32, #tpu.memory_space<hbm>> -> memref<80x128xf32, #tpu.memory_space<hbm>>
      %dma_start3A_284 = arith.constant 0 : i32
      %dma_start3A_285 = tpu.memref_slice %arg4[%mul3A_281, %dma_start3A_284] : memref<320000x128xf32, #tpu.memory_space<hbm>> -> memref<80x128xf32, #tpu.memory_space<hbm>>
      tpu.enqueue_dma source(%dma_start3A_285 : memref<80x128xf32, #tpu.memory_space<hbm>>) target(%arg15 : memref<80x128xf32, #tpu.memory_space<vmem>>) target_semaphore(%arg27 : memref<!tpu.dma_semaphore, #tpu.memory_space<semaphore_mem>>)
      %add3A_286 = arith.constant 2 : i32
      %add3A_287 = arith.addi %add3A_254, %add3A_286 : i32
      %add3A_288 = arith.addi %mul3A_2, %add3A_287 : i32
      %dma_start3A_289 = arith.constant 0 : i32
      %dma_start3A_290 = arith.constant 0 : i32
      %dma_start3A_291 = tpu.memref_slice %arg3[%add3A_288, %dma_start3A_289, %dma_start3A_290] : memref<4000x3x80xi32, #tpu.memory_space<hbm>> -> memref<1x3x80xi32, #tpu.memory_space<hbm>>
      %dma_start3A_292 = tpu.memref_squeeze %dma_start3A_291 : memref<1x3x80xi32, #tpu.memory_space<hbm>> -> memref<3x80xi32, #tpu.memory_space<hbm>>
      %dma_start3A_293 = arith.constant 0 : i32
      %dma_start3A_294 = arith.constant 0 : i32
      %dma_start3A_295 = tpu.memref_slice %arg3[%add3A_288, %dma_start3A_293, %dma_start3A_294] : memref<4000x3x80xi32, #tpu.memory_space<hbm>> -> memref<1x3x80xi32, #tpu.memory_space<hbm>>
      %dma_start3A_296 = tpu.memref_squeeze %dma_start3A_295 : memref<1x3x80xi32, #tpu.memory_space<hbm>> -> memref<3x80xi32, #tpu.memory_space<hbm>>
      tpu.enqueue_dma source(%dma_start3A_296 : memref<3x80xi32, #tpu.memory_space<hbm>>) target(%arg14 : memref<3x80xi32, #tpu.memory_space<vmem>>) target_semaphore(%arg24 : memref<!tpu.dma_semaphore, #tpu.memory_space<semaphore_mem>>)
      %dma_wait3A_297 = arith.constant 0 : i32
      %dma_wait3A_298 = arith.constant 0 : i32
      %dma_wait3A_299 = tpu.memref_slice %arg4[%dma_wait3A_297, %dma_wait3A_298] : memref<320000x128xf32, #tpu.memory_space<hbm>> -> memref<80x128xf32, #tpu.memory_space<hbm>>
      %dma_wait3A_300 = arith.constant 0 : i32
      %dma_wait3A_301 = arith.constant 0 : i32
      %dma_wait3A_302 = tpu.memref_slice %arg4[%dma_wait3A_300, %dma_wait3A_301] : memref<320000x128xf32, #tpu.memory_space<hbm>> -> memref<80x128xf32, #tpu.memory_space<hbm>>
      tpu.wait_dma2 semaphore(%arg26 : memref<!tpu.dma_semaphore, #tpu.memory_space<semaphore_mem>>) src(%dma_wait3A_302 : memref<80x128xf32, #tpu.memory_space<hbm>>) dst(%arg18 : memref<80x128xf32, #tpu.memory_space<vmem>>)
      %dma_wait3A_303 = arith.constant 0 : i32
      %dma_wait3A_304 = arith.constant 0 : i32
      %dma_wait3A_305 = tpu.memref_slice %arg4[%dma_wait3A_303, %dma_wait3A_304] : memref<320000x128xf32, #tpu.memory_space<hbm>> -> memref<80x128xf32, #tpu.memory_space<hbm>>
      %dma_wait3A_306 = arith.constant 0 : i32
      %dma_wait3A_307 = arith.constant 0 : i32
      %dma_wait3A_308 = tpu.memref_slice %arg4[%dma_wait3A_306, %dma_wait3A_307] : memref<320000x128xf32, #tpu.memory_space<hbm>> -> memref<80x128xf32, #tpu.memory_space<hbm>>
      tpu.wait_dma2 semaphore(%arg28 : memref<!tpu.dma_semaphore, #tpu.memory_space<semaphore_mem>>) src(%dma_wait3A_308 : memref<80x128xf32, #tpu.memory_space<hbm>>) dst(%arg16 : memref<80x128xf32, #tpu.memory_space<vmem>>)
      %ge3A_309 = arith.constant 1 : i32
      %ge3A_310 = arith.cmpi sge, %add3A_161, %ge3A_309 : i32
      %convert_element_type3A_311 = arith.extui %ge3A_310 : i1 to i32
      %cond3A_312 = arith.constant 0 : i32
      %cond3A_313 = arith.cmpi ne, %convert_element_type3A_311, %cond3A_312 : i32
      scf.if %cond3A_313 {
        %dma_wait3A_552 = arith.constant 0 : i32
        %dma_wait3A_553 = arith.constant 0 : i32
        %dma_wait3A_554 = arith.constant 0 : i32
        %dma_wait3A_555 = tpu.memref_slice %arg9[%dma_wait3A_552, %dma_wait3A_553, %dma_wait3A_554] : memref<4000x1x80xf32, #tpu.memory_space<hbm>> -> memref<1x1x80xf32, #tpu.memory_space<hbm>>
        %dma_wait3A_556 = tpu.memref_squeeze %dma_wait3A_555 : memref<1x1x80xf32, #tpu.memory_space<hbm>> -> memref<1x80xf32, #tpu.memory_space<hbm>>
        %dma_wait3A_557 = arith.constant 0 : i32
        %dma_wait3A_558 = arith.constant 0 : i32
        %dma_wait3A_559 = tpu.memref_slice %arg9[%dma_wait3A_552, %dma_wait3A_557, %dma_wait3A_558] : memref<4000x1x80xf32, #tpu.memory_space<hbm>> -> memref<1x1x80xf32, #tpu.memory_space<hbm>>
        %dma_wait3A_560 = tpu.memref_squeeze %dma_wait3A_559 : memref<1x1x80xf32, #tpu.memory_space<hbm>> -> memref<1x80xf32, #tpu.memory_space<hbm>>
        tpu.wait_dma2 semaphore(%arg32 : memref<!tpu.dma_semaphore, #tpu.memory_space<semaphore_mem>>) src(%arg20 : memref<1x80xf32, #tpu.memory_space<vmem>>) dst(%dma_wait3A_560 : memref<1x80xf32, #tpu.memory_space<hbm>>)
      } else {
      }
      %get3A_314 = arith.constant 0 : index
      %get3A_315 = tpu.vector_load %arg21[%get3A_314] {strides = array<i32>} : memref<128xf32, #tpu.memory_space<vmem>>, vector<16xf32>,
      %get3A_316 = arith.constant 16 : index
      %get3A_317 = tpu.vector_load %arg21[%get3A_316] {strides = array<i32>} : memref<128xf32, #tpu.memory_space<vmem>>, vector<16xf32>,
      %get3A_318 = arith.constant 32 : index
      %get3A_319 = tpu.vector_load %arg21[%get3A_318] {strides = array<i32>} : memref<128xf32, #tpu.memory_space<vmem>>, vector<16xf32>,
      %get3A_320 = arith.constant 48 : index
      %get3A_321 = tpu.vector_load %arg21[%get3A_320] {strides = array<i32>} : memref<128xf32, #tpu.memory_space<vmem>>, vector<16xf32>,
      %get3A_322 = arith.constant 64 : index
      %get3A_323 = tpu.vector_load %arg21[%get3A_322] {strides = array<i32>} : memref<128xf32, #tpu.memory_space<vmem>>, vector<16xf32>,
      %get3A_324 = arith.constant 80 : index
      %get3A_325 = tpu.vector_load %arg21[%get3A_324] {strides = array<i32>} : memref<128xf32, #tpu.memory_space<vmem>>, vector<16xf32>,
      %get3A_326 = arith.constant 96 : index
      %get3A_327 = tpu.vector_load %arg21[%get3A_326] {strides = array<i32>} : memref<128xf32, #tpu.memory_space<vmem>>, vector<16xf32>,
      %get3A_328 = arith.constant 112 : index
      %get3A_329 = tpu.vector_load %arg21[%get3A_328] {strides = array<i32>} : memref<128xf32, #tpu.memory_space<vmem>>, vector<16xf32>,
      %get3A_330 = arith.constant 0 : index
      %get3A_331 = tpu.vector_load %arg22[%get3A_330] {strides = array<i32>} : memref<16xf32, #tpu.memory_space<vmem>>, vector<16xf32>,
      %parallel_loop3A_332 = arith.constant 0 : i32
      %parallel_loop3A_333 = arith.constant 80 : i32
      %parallel_loop3A_334 = arith.constant 1 : i32
      scf.for %parallel_loop3A_552 = %parallel_loop3A_332 to %parallel_loop3A_333 step %parallel_loop3A_334  : i32 {
        %parallel_loop3A_553 = vector.broadcast %parallel_loop3A_552 : i32 to vector<16xi32>
        %parallel_loop3A_554 = arith.addi %broadcast_in_dim3A_5, %parallel_loop3A_553 : vector<16xi32>
        %parallel_loop3A_555 = arith.index_cast %parallel_loop3A_552 : i32 to index
        %parallel_loop3A_556 = arith.constant 0 : index
        %parallel_loop3A_557 = tpu.vector_load %arg16[%parallel_loop3A_555, %parallel_loop3A_556] {strides = array<i32>} : memref<80x128xf32, #tpu.memory_space<vmem>>, vector<16xf32>,
        %parallel_loop3A_558 = arith.index_cast %parallel_loop3A_552 : i32 to index
        %parallel_loop3A_559 = arith.constant 16 : index
        %parallel_loop3A_560 = tpu.vector_load %arg16[%parallel_loop3A_558, %parallel_loop3A_559] {strides = array<i32>} : memref<80x128xf32, #tpu.memory_space<vmem>>, vector<16xf32>,
        %parallel_loop3A_561 = arith.index_cast %parallel_loop3A_552 : i32 to index
        %parallel_loop3A_562 = arith.constant 32 : index
        %parallel_loop3A_563 = tpu.vector_load %arg16[%parallel_loop3A_561, %parallel_loop3A_562] {strides = array<i32>} : memref<80x128xf32, #tpu.memory_space<vmem>>, vector<16xf32>,
        %parallel_loop3A_564 = arith.index_cast %parallel_loop3A_552 : i32 to index
        %parallel_loop3A_565 = arith.constant 48 : index
        %parallel_loop3A_566 = tpu.vector_load %arg16[%parallel_loop3A_564, %parallel_loop3A_565] {strides = array<i32>} : memref<80x128xf32, #tpu.memory_space<vmem>>, vector<16xf32>,
        %parallel_loop3A_567 = arith.index_cast %parallel_loop3A_552 : i32 to index
        %parallel_loop3A_568 = arith.constant 64 : index
        %parallel_loop3A_569 = tpu.vector_load %arg16[%parallel_loop3A_567, %parallel_loop3A_568] {strides = array<i32>} : memref<80x128xf32, #tpu.memory_space<vmem>>, vector<16xf32>,
        %parallel_loop3A_570 = arith.index_cast %parallel_loop3A_552 : i32 to index
        %parallel_loop3A_571 = arith.constant 80 : index
        %parallel_loop3A_572 = tpu.vector_load %arg16[%parallel_loop3A_570, %parallel_loop3A_571] {strides = array<i32>} : memref<80x128xf32, #tpu.memory_space<vmem>>, vector<16xf32>,
        %parallel_loop3A_573 = arith.index_cast %parallel_loop3A_552 : i32 to index
        %parallel_loop3A_574 = arith.constant 96 : index
        %parallel_loop3A_575 = tpu.vector_load %arg16[%parallel_loop3A_573, %parallel_loop3A_574] {strides = array<i32>} : memref<80x128xf32, #tpu.memory_space<vmem>>, vector<16xf32>,
        %parallel_loop3A_576 = arith.index_cast %parallel_loop3A_552 : i32 to index
        %parallel_loop3A_577 = arith.constant 112 : index
        %parallel_loop3A_578 = tpu.vector_load %arg16[%parallel_loop3A_576, %parallel_loop3A_577] {strides = array<i32>} : memref<80x128xf32, #tpu.memory_space<vmem>>, vector<16xf32>,
        %parallel_loop3A_579 = arith.mulf %parallel_loop3A_557, %get3A_315 : vector<16xf32>
        %parallel_loop3A_580 = arith.mulf %parallel_loop3A_560, %get3A_317 : vector<16xf32>
        %parallel_loop3A_581 = arith.mulf %parallel_loop3A_563, %get3A_319 : vector<16xf32>
        %parallel_loop3A_582 = arith.mulf %parallel_loop3A_566, %get3A_321 : vector<16xf32>
        %parallel_loop3A_583 = arith.mulf %parallel_loop3A_569, %get3A_323 : vector<16xf32>
        %parallel_loop3A_584 = arith.mulf %parallel_loop3A_572, %get3A_325 : vector<16xf32>
        %parallel_loop3A_585 = arith.mulf %parallel_loop3A_575, %get3A_327 : vector<16xf32>
        %parallel_loop3A_586 = arith.mulf %parallel_loop3A_578, %get3A_329 : vector<16xf32>
        %parallel_loop3A_587 = arith.addf %parallel_loop3A_579, %parallel_loop3A_580 : vector<16xf32>
        %parallel_loop3A_588 = arith.addf %parallel_loop3A_581, %parallel_loop3A_582 : vector<16xf32>
        %parallel_loop3A_589 = arith.addf %parallel_loop3A_587, %parallel_loop3A_588 : vector<16xf32>
        %parallel_loop3A_590 = arith.addf %parallel_loop3A_583, %parallel_loop3A_584 : vector<16xf32>
        %parallel_loop3A_591 = arith.addf %parallel_loop3A_585, %parallel_loop3A_586 : vector<16xf32>
        %parallel_loop3A_592 = arith.addf %parallel_loop3A_590, %parallel_loop3A_591 : vector<16xf32>
        %parallel_loop3A_593 = arith.addf %parallel_loop3A_589, %parallel_loop3A_592 : vector<16xf32>
        %parallel_loop3A_594 = arith.constant true
        %parallel_loop3A_595 = vector.broadcast %parallel_loop3A_594 : i1 to vector<16xi1>
        %parallel_loop3A_596 = tpu.scan <sum>, %parallel_loop3A_593 masked %parallel_loop3A_595 : vector<16xf32>, vector<16xi1> -> vector<16xf32>
        %parallel_loop3A_597 = vector.extract %parallel_loop3A_596[15] : f32 from vector<16xf32>
        %parallel_loop3A_598 = vector.broadcast %parallel_loop3A_597 : f32 to vector<16xf32>
        %parallel_loop3A_599 = arith.addf %parallel_loop3A_598, %get3A_331 : vector<16xf32>
        %parallel_loop3A_600 = tpu.vector_load_idx %arg12[%add3A_10, %parallel_loop3A_554] : memref<3x80xi32, #tpu.memory_space<vmem>>[vector<16xi32>, vector<16xi32>], vector<16xi32>,
        %parallel_loop3A_601 = vector.bitcast %parallel_loop3A_600 : vector<16xi32> to vector<16xf32>
        %parallel_loop3A_602 = arith.index_cast %parallel_loop3A_552 : i32 to index
        %parallel_loop3A_603 = arith.constant 0 : index
        %parallel_loop3A_604 = tpu.vector_load %arg18[%parallel_loop3A_602, %parallel_loop3A_603] {strides = array<i32>} : memref<80x128xf32, #tpu.memory_space<vmem>>, vector<16xf32>,
        %parallel_loop3A_605 = arith.mulf %parallel_loop3A_604, %parallel_loop3A_601 : vector<16xf32>
        %parallel_loop3A_606 = arith.mulf %parallel_loop3A_599, %parallel_loop3A_557 : vector<16xf32>
        %parallel_loop3A_607 = arith.addf %parallel_loop3A_605, %parallel_loop3A_606 : vector<16xf32>
        %parallel_loop3A_608 = arith.constant 0.000000e+00 : f32
        %parallel_loop3A_609 = vector.broadcast %parallel_loop3A_608 : f32 to vector<16xf32>
        %parallel_loop3A_610 = arith.maximumf %parallel_loop3A_607, %parallel_loop3A_609 : vector<16xf32>
        %parallel_loop3A_611 = arith.index_cast %parallel_loop3A_552 : i32 to index
        %parallel_loop3A_612 = arith.constant 0 : index
        %parallel_loop3A_613 = tpu.vector_load %arg18[%parallel_loop3A_611, %parallel_loop3A_612] {strides = array<i32>} : memref<80x128xf32, #tpu.memory_space<vmem>>, vector<16xf32>,
        tpu.vector_store %arg18[%parallel_loop3A_611, %parallel_loop3A_612], %parallel_loop3A_610 {strides = array<i32>} : memref<80x128xf32, #tpu.memory_space<vmem>>, vector<16xf32>,
        %parallel_loop3A_614 = arith.index_cast %parallel_loop3A_552 : i32 to index
        %parallel_loop3A_615 = arith.constant 16 : index
        %parallel_loop3A_616 = tpu.vector_load %arg18[%parallel_loop3A_614, %parallel_loop3A_615] {strides = array<i32>} : memref<80x128xf32, #tpu.memory_space<vmem>>, vector<16xf32>,
        %parallel_loop3A_617 = arith.mulf %parallel_loop3A_616, %parallel_loop3A_601 : vector<16xf32>
        %parallel_loop3A_618 = arith.mulf %parallel_loop3A_599, %parallel_loop3A_560 : vector<16xf32>
        %parallel_loop3A_619 = arith.addf %parallel_loop3A_617, %parallel_loop3A_618 : vector<16xf32>
        %parallel_loop3A_620 = arith.constant 0.000000e+00 : f32
        %parallel_loop3A_621 = vector.broadcast %parallel_loop3A_620 : f32 to vector<16xf32>
        %parallel_loop3A_622 = arith.maximumf %parallel_loop3A_619, %parallel_loop3A_621 : vector<16xf32>
        %parallel_loop3A_623 = arith.index_cast %parallel_loop3A_552 : i32 to index
        %parallel_loop3A_624 = arith.constant 16 : index
        %parallel_loop3A_625 = tpu.vector_load %arg18[%parallel_loop3A_623, %parallel_loop3A_624] {strides = array<i32>} : memref<80x128xf32, #tpu.memory_space<vmem>>, vector<16xf32>,
        tpu.vector_store %arg18[%parallel_loop3A_623, %parallel_loop3A_624], %parallel_loop3A_622 {strides = array<i32>} : memref<80x128xf32, #tpu.memory_space<vmem>>, vector<16xf32>,
        %parallel_loop3A_626 = arith.index_cast %parallel_loop3A_552 : i32 to index
        %parallel_loop3A_627 = arith.constant 32 : index
        %parallel_loop3A_628 = tpu.vector_load %arg18[%parallel_loop3A_626, %parallel_loop3A_627] {strides = array<i32>} : memref<80x128xf32, #tpu.memory_space<vmem>>, vector<16xf32>,
        %parallel_loop3A_629 = arith.mulf %parallel_loop3A_628, %parallel_loop3A_601 : vector<16xf32>
        %parallel_loop3A_630 = arith.mulf %parallel_loop3A_599, %parallel_loop3A_563 : vector<16xf32>
        %parallel_loop3A_631 = arith.addf %parallel_loop3A_629, %parallel_loop3A_630 : vector<16xf32>
        %parallel_loop3A_632 = arith.constant 0.000000e+00 : f32
        %parallel_loop3A_633 = vector.broadcast %parallel_loop3A_632 : f32 to vector<16xf32>
        %parallel_loop3A_634 = arith.maximumf %parallel_loop3A_631, %parallel_loop3A_633 : vector<16xf32>
        %parallel_loop3A_635 = arith.index_cast %parallel_loop3A_552 : i32 to index
        %parallel_loop3A_636 = arith.constant 32 : index
        %parallel_loop3A_637 = tpu.vector_load %arg18[%parallel_loop3A_635, %parallel_loop3A_636] {strides = array<i32>} : memref<80x128xf32, #tpu.memory_space<vmem>>, vector<16xf32>,
        tpu.vector_store %arg18[%parallel_loop3A_635, %parallel_loop3A_636], %parallel_loop3A_634 {strides = array<i32>} : memref<80x128xf32, #tpu.memory_space<vmem>>, vector<16xf32>,
        %parallel_loop3A_638 = arith.index_cast %parallel_loop3A_552 : i32 to index
        %parallel_loop3A_639 = arith.constant 48 : index
        %parallel_loop3A_640 = tpu.vector_load %arg18[%parallel_loop3A_638, %parallel_loop3A_639] {strides = array<i32>} : memref<80x128xf32, #tpu.memory_space<vmem>>, vector<16xf32>,
        %parallel_loop3A_641 = arith.mulf %parallel_loop3A_640, %parallel_loop3A_601 : vector<16xf32>
        %parallel_loop3A_642 = arith.mulf %parallel_loop3A_599, %parallel_loop3A_566 : vector<16xf32>
        %parallel_loop3A_643 = arith.addf %parallel_loop3A_641, %parallel_loop3A_642 : vector<16xf32>
        %parallel_loop3A_644 = arith.constant 0.000000e+00 : f32
        %parallel_loop3A_645 = vector.broadcast %parallel_loop3A_644 : f32 to vector<16xf32>
        %parallel_loop3A_646 = arith.maximumf %parallel_loop3A_643, %parallel_loop3A_645 : vector<16xf32>
        %parallel_loop3A_647 = arith.index_cast %parallel_loop3A_552 : i32 to index
        %parallel_loop3A_648 = arith.constant 48 : index
        %parallel_loop3A_649 = tpu.vector_load %arg18[%parallel_loop3A_647, %parallel_loop3A_648] {strides = array<i32>} : memref<80x128xf32, #tpu.memory_space<vmem>>, vector<16xf32>,
        tpu.vector_store %arg18[%parallel_loop3A_647, %parallel_loop3A_648], %parallel_loop3A_646 {strides = array<i32>} : memref<80x128xf32, #tpu.memory_space<vmem>>, vector<16xf32>,
        %parallel_loop3A_650 = arith.index_cast %parallel_loop3A_552 : i32 to index
        %parallel_loop3A_651 = arith.constant 64 : index
        %parallel_loop3A_652 = tpu.vector_load %arg18[%parallel_loop3A_650, %parallel_loop3A_651] {strides = array<i32>} : memref<80x128xf32, #tpu.memory_space<vmem>>, vector<16xf32>,
        %parallel_loop3A_653 = arith.mulf %parallel_loop3A_652, %parallel_loop3A_601 : vector<16xf32>
        %parallel_loop3A_654 = arith.mulf %parallel_loop3A_599, %parallel_loop3A_569 : vector<16xf32>
        %parallel_loop3A_655 = arith.addf %parallel_loop3A_653, %parallel_loop3A_654 : vector<16xf32>
        %parallel_loop3A_656 = arith.constant 0.000000e+00 : f32
        %parallel_loop3A_657 = vector.broadcast %parallel_loop3A_656 : f32 to vector<16xf32>
        %parallel_loop3A_658 = arith.maximumf %parallel_loop3A_655, %parallel_loop3A_657 : vector<16xf32>
        %parallel_loop3A_659 = arith.index_cast %parallel_loop3A_552 : i32 to index
        %parallel_loop3A_660 = arith.constant 64 : index
        %parallel_loop3A_661 = tpu.vector_load %arg18[%parallel_loop3A_659, %parallel_loop3A_660] {strides = array<i32>} : memref<80x128xf32, #tpu.memory_space<vmem>>, vector<16xf32>,
        tpu.vector_store %arg18[%parallel_loop3A_659, %parallel_loop3A_660], %parallel_loop3A_658 {strides = array<i32>} : memref<80x128xf32, #tpu.memory_space<vmem>>, vector<16xf32>,
        %parallel_loop3A_662 = arith.index_cast %parallel_loop3A_552 : i32 to index
        %parallel_loop3A_663 = arith.constant 80 : index
        %parallel_loop3A_664 = tpu.vector_load %arg18[%parallel_loop3A_662, %parallel_loop3A_663] {strides = array<i32>} : memref<80x128xf32, #tpu.memory_space<vmem>>, vector<16xf32>,
        %parallel_loop3A_665 = arith.mulf %parallel_loop3A_664, %parallel_loop3A_601 : vector<16xf32>
        %parallel_loop3A_666 = arith.mulf %parallel_loop3A_599, %parallel_loop3A_572 : vector<16xf32>
        %parallel_loop3A_667 = arith.addf %parallel_loop3A_665, %parallel_loop3A_666 : vector<16xf32>
        %parallel_loop3A_668 = arith.constant 0.000000e+00 : f32
        %parallel_loop3A_669 = vector.broadcast %parallel_loop3A_668 : f32 to vector<16xf32>
        %parallel_loop3A_670 = arith.maximumf %parallel_loop3A_667, %parallel_loop3A_669 : vector<16xf32>
        %parallel_loop3A_671 = arith.index_cast %parallel_loop3A_552 : i32 to index
        %parallel_loop3A_672 = arith.constant 80 : index
        %parallel_loop3A_673 = tpu.vector_load %arg18[%parallel_loop3A_671, %parallel_loop3A_672] {strides = array<i32>} : memref<80x128xf32, #tpu.memory_space<vmem>>, vector<16xf32>,
        tpu.vector_store %arg18[%parallel_loop3A_671, %parallel_loop3A_672], %parallel_loop3A_670 {strides = array<i32>} : memref<80x128xf32, #tpu.memory_space<vmem>>, vector<16xf32>,
        %parallel_loop3A_674 = arith.index_cast %parallel_loop3A_552 : i32 to index
        %parallel_loop3A_675 = arith.constant 96 : index
        %parallel_loop3A_676 = tpu.vector_load %arg18[%parallel_loop3A_674, %parallel_loop3A_675] {strides = array<i32>} : memref<80x128xf32, #tpu.memory_space<vmem>>, vector<16xf32>,
        %parallel_loop3A_677 = arith.mulf %parallel_loop3A_676, %parallel_loop3A_601 : vector<16xf32>
        %parallel_loop3A_678 = arith.mulf %parallel_loop3A_599, %parallel_loop3A_575 : vector<16xf32>
        %parallel_loop3A_679 = arith.addf %parallel_loop3A_677, %parallel_loop3A_678 : vector<16xf32>
        %parallel_loop3A_680 = arith.constant 0.000000e+00 : f32
        %parallel_loop3A_681 = vector.broadcast %parallel_loop3A_680 : f32 to vector<16xf32>
        %parallel_loop3A_682 = arith.maximumf %parallel_loop3A_679, %parallel_loop3A_681 : vector<16xf32>
        %parallel_loop3A_683 = arith.index_cast %parallel_loop3A_552 : i32 to index
        %parallel_loop3A_684 = arith.constant 96 : index
        %parallel_loop3A_685 = tpu.vector_load %arg18[%parallel_loop3A_683, %parallel_loop3A_684] {strides = array<i32>} : memref<80x128xf32, #tpu.memory_space<vmem>>, vector<16xf32>,
        tpu.vector_store %arg18[%parallel_loop3A_683, %parallel_loop3A_684], %parallel_loop3A_682 {strides = array<i32>} : memref<80x128xf32, #tpu.memory_space<vmem>>, vector<16xf32>,
        %parallel_loop3A_686 = arith.index_cast %parallel_loop3A_552 : i32 to index
        %parallel_loop3A_687 = arith.constant 112 : index
        %parallel_loop3A_688 = tpu.vector_load %arg18[%parallel_loop3A_686, %parallel_loop3A_687] {strides = array<i32>} : memref<80x128xf32, #tpu.memory_space<vmem>>, vector<16xf32>,
        %parallel_loop3A_689 = arith.mulf %parallel_loop3A_688, %parallel_loop3A_601 : vector<16xf32>
        %parallel_loop3A_690 = arith.mulf %parallel_loop3A_599, %parallel_loop3A_578 : vector<16xf32>
        %parallel_loop3A_691 = arith.addf %parallel_loop3A_689, %parallel_loop3A_690 : vector<16xf32>
        %parallel_loop3A_692 = arith.constant 0.000000e+00 : f32
        %parallel_loop3A_693 = vector.broadcast %parallel_loop3A_692 : f32 to vector<16xf32>
        %parallel_loop3A_694 = arith.maximumf %parallel_loop3A_691, %parallel_loop3A_693 : vector<16xf32>
        %parallel_loop3A_695 = arith.index_cast %parallel_loop3A_552 : i32 to index
        %parallel_loop3A_696 = arith.constant 112 : index
        %parallel_loop3A_697 = tpu.vector_load %arg18[%parallel_loop3A_695, %parallel_loop3A_696] {strides = array<i32>} : memref<80x128xf32, #tpu.memory_space<vmem>>, vector<16xf32>,
        tpu.vector_store %arg18[%parallel_loop3A_695, %parallel_loop3A_696], %parallel_loop3A_694 {strides = array<i32>} : memref<80x128xf32, #tpu.memory_space<vmem>>, vector<16xf32>,
        tpu.vector_store_idx %arg20[%broadcast_in_dim3A_5, %parallel_loop3A_554], %parallel_loop3A_599 masked %eq3A_7 : memref<1x80xf32, #tpu.memory_space<vmem>>[vector<16xi32>, vector<16xi32>], vector<16xf32>, vector<16xi1>
      } {sc.loop_unroll_factor = 2 : i64, sc.parallel_access}
      %dma_start3A_335 = arith.constant 1 : i32
      %dma_start3A_336 = arith.constant 0 : i32
      %dma_start3A_337 = tpu.memref_slice %arg12[%dma_start3A_335, %dma_start3A_336] : memref<3x80xi32, #tpu.memory_space<vmem>> -> memref<1x80xi32, #tpu.memory_space<vmem>>
      %dma_start3A_338 = tpu.memref_squeeze %dma_start3A_337 : memref<1x80xi32, #tpu.memory_space<vmem>> -> memref<80xi32, #tpu.memory_space<vmem>>
      %dma_start3A_339 = arith.constant 0 : i32
      %dma_start3A_340 = arith.constant 0 : i32
      %dma_start3A_341 = tpu.memref_slice %arg10[%dma_start3A_339, %dma_start3A_340] : memref<10000x128xf32, #tpu.memory_space<vmem_shared>> -> memref<10000x128xf32, #tpu.memory_space<vmem_shared>>
      tpu.enqueue_indirect_dma source(%arg18 : memref<80x128xf32, #tpu.memory_space<vmem>>) target(%dma_start3A_341 : memref<10000x128xf32, #tpu.memory_space<vmem_shared>>) offsets(%dma_start3A_338 : memref<80xi32, #tpu.memory_space<vmem>>) semaphore(%arg30 : memref<!tpu.dma_semaphore, #tpu.memory_space<semaphore_mem>>) {add = true}
      %add3A_342 = arith.addi %mul3A_2, %add3A_254 : i32
      %dma_start3A_343 = arith.constant 0 : i32
      %dma_start3A_344 = arith.constant 0 : i32
      %dma_start3A_345 = tpu.memref_slice %arg9[%add3A_342, %dma_start3A_343, %dma_start3A_344] : memref<4000x1x80xf32, #tpu.memory_space<hbm>> -> memref<1x1x80xf32, #tpu.memory_space<hbm>>
      %dma_start3A_346 = tpu.memref_squeeze %dma_start3A_345 : memref<1x1x80xf32, #tpu.memory_space<hbm>> -> memref<1x80xf32, #tpu.memory_space<hbm>>
      %dma_start3A_347 = arith.constant 0 : i32
      %dma_start3A_348 = arith.constant 0 : i32
      %dma_start3A_349 = tpu.memref_slice %arg9[%add3A_342, %dma_start3A_347, %dma_start3A_348] : memref<4000x1x80xf32, #tpu.memory_space<hbm>> -> memref<1x1x80xf32, #tpu.memory_space<hbm>>
      %dma_start3A_350 = tpu.memref_squeeze %dma_start3A_349 : memref<1x1x80xf32, #tpu.memory_space<hbm>> -> memref<1x80xf32, #tpu.memory_space<hbm>>
      tpu.enqueue_dma source(%arg20 : memref<1x80xf32, #tpu.memory_space<vmem>>) target(%dma_start3A_350 : memref<1x80xf32, #tpu.memory_space<hbm>>) target_semaphore(%arg32 : memref<!tpu.dma_semaphore, #tpu.memory_space<semaphore_mem>>)
      %mul3A_351 = arith.constant 4 : i32
      %mul3A_352 = arith.muli %mul3A_351, %add3A_161 : i32
      %add3A_353 = arith.constant 2 : i32
      %add3A_354 = arith.addi %mul3A_352, %add3A_353 : i32
      %dma_wait3A_355 = arith.constant 0 : i32
      %dma_wait3A_356 = arith.constant 0 : i32
      %dma_wait3A_357 = tpu.memref_slice %arg10[%dma_wait3A_355, %dma_wait3A_356] : memref<10000x128xf32, #tpu.memory_space<vmem_shared>> -> memref<80x128xf32, #tpu.memory_space<vmem_shared>>
      %dma_wait3A_358 = arith.constant 0 : i32
      %dma_wait3A_359 = arith.constant 0 : i32
      %dma_wait3A_360 = tpu.memref_slice %arg10[%dma_wait3A_358, %dma_wait3A_359] : memref<10000x128xf32, #tpu.memory_space<vmem_shared>> -> memref<80x128xf32, #tpu.memory_space<vmem_shared>>
      tpu.wait_dma2 semaphore(%arg30 : memref<!tpu.dma_semaphore, #tpu.memory_space<semaphore_mem>>) src(%arg18 : memref<80x128xf32, #tpu.memory_space<vmem>>) dst(%dma_wait3A_360 : memref<80x128xf32, #tpu.memory_space<vmem_shared>>)
      %dma_wait3A_361 = arith.constant 0 : i32
      %dma_wait3A_362 = arith.constant 0 : i32
      %dma_wait3A_363 = arith.constant 0 : i32
      %dma_wait3A_364 = tpu.memref_slice %arg3[%dma_wait3A_361, %dma_wait3A_362, %dma_wait3A_363] : memref<4000x3x80xi32, #tpu.memory_space<hbm>> -> memref<1x3x80xi32, #tpu.memory_space<hbm>>
      %dma_wait3A_365 = tpu.memref_squeeze %dma_wait3A_364 : memref<1x3x80xi32, #tpu.memory_space<hbm>> -> memref<3x80xi32, #tpu.memory_space<hbm>>
      %dma_wait3A_366 = arith.constant 0 : i32
      %dma_wait3A_367 = arith.constant 0 : i32
      %dma_wait3A_368 = tpu.memref_slice %arg3[%dma_wait3A_361, %dma_wait3A_366, %dma_wait3A_367] : memref<4000x3x80xi32, #tpu.memory_space<hbm>> -> memref<1x3x80xi32, #tpu.memory_space<hbm>>
      %dma_wait3A_369 = tpu.memref_squeeze %dma_wait3A_368 : memref<1x3x80xi32, #tpu.memory_space<hbm>> -> memref<3x80xi32, #tpu.memory_space<hbm>>
      tpu.wait_dma2 semaphore(%arg24 : memref<!tpu.dma_semaphore, #tpu.memory_space<semaphore_mem>>) src(%dma_wait3A_369 : memref<3x80xi32, #tpu.memory_space<hbm>>) dst(%arg14 : memref<3x80xi32, #tpu.memory_space<vmem>>)
      %add3A_370 = arith.constant 1 : i32
      %add3A_371 = arith.addi %add3A_354, %add3A_370 : i32
      %dma_start3A_372 = arith.constant 0 : i32
      %dma_start3A_373 = arith.constant 0 : i32
      %dma_start3A_374 = tpu.memref_slice %arg14[%dma_start3A_372, %dma_start3A_373] : memref<3x80xi32, #tpu.memory_space<vmem>> -> memref<1x80xi32, #tpu.memory_space<vmem>>
      %dma_start3A_375 = tpu.memref_squeeze %dma_start3A_374 : memref<1x80xi32, #tpu.memory_space<vmem>> -> memref<80xi32, #tpu.memory_space<vmem>>
      %dma_start3A_376 = arith.constant 0 : i32
      %dma_start3A_377 = arith.constant 0 : i32
      %dma_start3A_378 = tpu.memref_slice %arg2[%dma_start3A_376, %dma_start3A_377] : memref<10000x128xf32, #tpu.memory_space<hbm>> -> memref<10000x128xf32, #tpu.memory_space<hbm>>
      tpu.enqueue_indirect_dma source(%dma_start3A_378 : memref<10000x128xf32, #tpu.memory_space<hbm>>) target(%arg18 : memref<80x128xf32, #tpu.memory_space<vmem>>) offsets(%dma_start3A_375 : memref<80xi32, #tpu.memory_space<vmem>>) semaphore(%arg26 : memref<!tpu.dma_semaphore, #tpu.memory_space<semaphore_mem>>)
      %add3A_379 = arith.addi %mul3A_2, %add3A_371 : i32
      %mul3A_380 = arith.constant 80 : i32
      %mul3A_381 = arith.muli %add3A_379, %mul3A_380 : i32
      %dma_start3A_382 = arith.constant 0 : i32
      %dma_start3A_383 = tpu.memref_slice %arg4[%mul3A_381, %dma_start3A_382] : memref<320000x128xf32, #tpu.memory_space<hbm>> -> memref<80x128xf32, #tpu.memory_space<hbm>>
      %dma_start3A_384 = arith.constant 0 : i32
      %dma_start3A_385 = tpu.memref_slice %arg4[%mul3A_381, %dma_start3A_384] : memref<320000x128xf32, #tpu.memory_space<hbm>> -> memref<80x128xf32, #tpu.memory_space<hbm>>
      tpu.enqueue_dma source(%dma_start3A_385 : memref<80x128xf32, #tpu.memory_space<hbm>>) target(%arg16 : memref<80x128xf32, #tpu.memory_space<vmem>>) target_semaphore(%arg28 : memref<!tpu.dma_semaphore, #tpu.memory_space<semaphore_mem>>)
      %add3A_386 = arith.constant 2 : i32
      %add3A_387 = arith.addi %add3A_354, %add3A_386 : i32
      %add3A_388 = arith.addi %mul3A_2, %add3A_387 : i32
      %dma_start3A_389 = arith.constant 0 : i32
      %dma_start3A_390 = arith.constant 0 : i32
      %dma_start3A_391 = tpu.memref_slice %arg3[%add3A_388, %dma_start3A_389, %dma_start3A_390] : memref<4000x3x80xi32, #tpu.memory_space<hbm>> -> memref<1x3x80xi32, #tpu.memory_space<hbm>>
      %dma_start3A_392 = tpu.memref_squeeze %dma_start3A_391 : memref<1x3x80xi32, #tpu.memory_space<hbm>> -> memref<3x80xi32, #tpu.memory_space<hbm>>
      %dma_start3A_393 = arith.constant 0 : i32
      %dma_start3A_394 = arith.constant 0 : i32
      %dma_start3A_395 = tpu.memref_slice %arg3[%add3A_388, %dma_start3A_393, %dma_start3A_394] : memref<4000x3x80xi32, #tpu.memory_space<hbm>> -> memref<1x3x80xi32, #tpu.memory_space<hbm>>
      %dma_start3A_396 = tpu.memref_squeeze %dma_start3A_395 : memref<1x3x80xi32, #tpu.memory_space<hbm>> -> memref<3x80xi32, #tpu.memory_space<hbm>>
      tpu.enqueue_dma source(%dma_start3A_396 : memref<3x80xi32, #tpu.memory_space<hbm>>) target(%arg11 : memref<3x80xi32, #tpu.memory_space<vmem>>) target_semaphore(%arg23 : memref<!tpu.dma_semaphore, #tpu.memory_space<semaphore_mem>>)
      %dma_wait3A_397 = arith.constant 0 : i32
      %dma_wait3A_398 = arith.constant 0 : i32
      %dma_wait3A_399 = tpu.memref_slice %arg4[%dma_wait3A_397, %dma_wait3A_398] : memref<320000x128xf32, #tpu.memory_space<hbm>> -> memref<80x128xf32, #tpu.memory_space<hbm>>
      %dma_wait3A_400 = arith.constant 0 : i32
      %dma_wait3A_401 = arith.constant 0 : i32
      %dma_wait3A_402 = tpu.memref_slice %arg4[%dma_wait3A_400, %dma_wait3A_401] : memref<320000x128xf32, #tpu.memory_space<hbm>> -> memref<80x128xf32, #tpu.memory_space<hbm>>
      tpu.wait_dma2 semaphore(%arg25 : memref<!tpu.dma_semaphore, #tpu.memory_space<semaphore_mem>>) src(%dma_wait3A_402 : memref<80x128xf32, #tpu.memory_space<hbm>>) dst(%arg17 : memref<80x128xf32, #tpu.memory_space<vmem>>)
      %dma_wait3A_403 = arith.constant 0 : i32
      %dma_wait3A_404 = arith.constant 0 : i32
      %dma_wait3A_405 = tpu.memref_slice %arg4[%dma_wait3A_403, %dma_wait3A_404] : memref<320000x128xf32, #tpu.memory_space<hbm>> -> memref<80x128xf32, #tpu.memory_space<hbm>>
      %dma_wait3A_406 = arith.constant 0 : i32
      %dma_wait3A_407 = arith.constant 0 : i32
      %dma_wait3A_408 = tpu.memref_slice %arg4[%dma_wait3A_406, %dma_wait3A_407] : memref<320000x128xf32, #tpu.memory_space<hbm>> -> memref<80x128xf32, #tpu.memory_space<hbm>>
      tpu.wait_dma2 semaphore(%arg27 : memref<!tpu.dma_semaphore, #tpu.memory_space<semaphore_mem>>) src(%dma_wait3A_408 : memref<80x128xf32, #tpu.memory_space<hbm>>) dst(%arg15 : memref<80x128xf32, #tpu.memory_space<vmem>>)
      %dma_wait3A_409 = arith.constant 0 : i32
      %dma_wait3A_410 = arith.constant 0 : i32
      %dma_wait3A_411 = arith.constant 0 : i32
      %dma_wait3A_412 = tpu.memref_slice %arg9[%dma_wait3A_409, %dma_wait3A_410, %dma_wait3A_411] : memref<4000x1x80xf32, #tpu.memory_space<hbm>> -> memref<1x1x80xf32, #tpu.memory_space<hbm>>
      %dma_wait3A_413 = tpu.memref_squeeze %dma_wait3A_412 : memref<1x1x80xf32, #tpu.memory_space<hbm>> -> memref<1x80xf32, #tpu.memory_space<hbm>>
      %dma_wait3A_414 = arith.constant 0 : i32
      %dma_wait3A_415 = arith.constant 0 : i32
      %dma_wait3A_416 = tpu.memref_slice %arg9[%dma_wait3A_409, %dma_wait3A_414, %dma_wait3A_415] : memref<4000x1x80xf32, #tpu.memory_space<hbm>> -> memref<1x1x80xf32, #tpu.memory_space<hbm>>
      %dma_wait3A_417 = tpu.memref_squeeze %dma_wait3A_416 : memref<1x1x80xf32, #tpu.memory_space<hbm>> -> memref<1x80xf32, #tpu.memory_space<hbm>>
      tpu.wait_dma2 semaphore(%arg31 : memref<!tpu.dma_semaphore, #tpu.memory_space<semaphore_mem>>) src(%arg19 : memref<1x80xf32, #tpu.memory_space<vmem>>) dst(%dma_wait3A_417 : memref<1x80xf32, #tpu.memory_space<hbm>>)
      %get3A_418 = arith.constant 0 : index
      %get3A_419 = tpu.vector_load %arg21[%get3A_418] {strides = array<i32>} : memref<128xf32, #tpu.memory_space<vmem>>, vector<16xf32>,
      %get3A_420 = arith.constant 16 : index
      %get3A_421 = tpu.vector_load %arg21[%get3A_420] {strides = array<i32>} : memref<128xf32, #tpu.memory_space<vmem>>, vector<16xf32>,
      %get3A_422 = arith.constant 32 : index
      %get3A_423 = tpu.vector_load %arg21[%get3A_422] {strides = array<i32>} : memref<128xf32, #tpu.memory_space<vmem>>, vector<16xf32>,
      %get3A_424 = arith.constant 48 : index
      %get3A_425 = tpu.vector_load %arg21[%get3A_424] {strides = array<i32>} : memref<128xf32, #tpu.memory_space<vmem>>, vector<16xf32>,
      %get3A_426 = arith.constant 64 : index
      %get3A_427 = tpu.vector_load %arg21[%get3A_426] {strides = array<i32>} : memref<128xf32, #tpu.memory_space<vmem>>, vector<16xf32>,
      %get3A_428 = arith.constant 80 : index
      %get3A_429 = tpu.vector_load %arg21[%get3A_428] {strides = array<i32>} : memref<128xf32, #tpu.memory_space<vmem>>, vector<16xf32>,
      %get3A_430 = arith.constant 96 : index
      %get3A_431 = tpu.vector_load %arg21[%get3A_430] {strides = array<i32>} : memref<128xf32, #tpu.memory_space<vmem>>, vector<16xf32>,
      %get3A_432 = arith.constant 112 : index
      %get3A_433 = tpu.vector_load %arg21[%get3A_432] {strides = array<i32>} : memref<128xf32, #tpu.memory_space<vmem>>, vector<16xf32>,
      %get3A_434 = arith.constant 0 : index
      %get3A_435 = tpu.vector_load %arg22[%get3A_434] {strides = array<i32>} : memref<16xf32, #tpu.memory_space<vmem>>, vector<16xf32>,
      %parallel_loop3A_436 = arith.constant 0 : i32
      %parallel_loop3A_437 = arith.constant 80 : i32
      %parallel_loop3A_438 = arith.constant 1 : i32
      scf.for %parallel_loop3A_552 = %parallel_loop3A_436 to %parallel_loop3A_437 step %parallel_loop3A_438  : i32 {
        %parallel_loop3A_553 = vector.broadcast %parallel_loop3A_552 : i32 to vector<16xi32>
        %parallel_loop3A_554 = arith.addi %broadcast_in_dim3A_5, %parallel_loop3A_553 : vector<16xi32>
        %parallel_loop3A_555 = arith.index_cast %parallel_loop3A_552 : i32 to index
        %parallel_loop3A_556 = arith.constant 0 : index
        %parallel_loop3A_557 = tpu.vector_load %arg15[%parallel_loop3A_555, %parallel_loop3A_556] {strides = array<i32>} : memref<80x128xf32, #tpu.memory_space<vmem>>, vector<16xf32>,
        %parallel_loop3A_558 = arith.index_cast %parallel_loop3A_552 : i32 to index
        %parallel_loop3A_559 = arith.constant 16 : index
        %parallel_loop3A_560 = tpu.vector_load %arg15[%parallel_loop3A_558, %parallel_loop3A_559] {strides = array<i32>} : memref<80x128xf32, #tpu.memory_space<vmem>>, vector<16xf32>,
        %parallel_loop3A_561 = arith.index_cast %parallel_loop3A_552 : i32 to index
        %parallel_loop3A_562 = arith.constant 32 : index
        %parallel_loop3A_563 = tpu.vector_load %arg15[%parallel_loop3A_561, %parallel_loop3A_562] {strides = array<i32>} : memref<80x128xf32, #tpu.memory_space<vmem>>, vector<16xf32>,
        %parallel_loop3A_564 = arith.index_cast %parallel_loop3A_552 : i32 to index
        %parallel_loop3A_565 = arith.constant 48 : index
        %parallel_loop3A_566 = tpu.vector_load %arg15[%parallel_loop3A_564, %parallel_loop3A_565] {strides = array<i32>} : memref<80x128xf32, #tpu.memory_space<vmem>>, vector<16xf32>,
        %parallel_loop3A_567 = arith.index_cast %parallel_loop3A_552 : i32 to index
        %parallel_loop3A_568 = arith.constant 64 : index
        %parallel_loop3A_569 = tpu.vector_load %arg15[%parallel_loop3A_567, %parallel_loop3A_568] {strides = array<i32>} : memref<80x128xf32, #tpu.memory_space<vmem>>, vector<16xf32>,
        %parallel_loop3A_570 = arith.index_cast %parallel_loop3A_552 : i32 to index
        %parallel_loop3A_571 = arith.constant 80 : index
        %parallel_loop3A_572 = tpu.vector_load %arg15[%parallel_loop3A_570, %parallel_loop3A_571] {strides = array<i32>} : memref<80x128xf32, #tpu.memory_space<vmem>>, vector<16xf32>,
        %parallel_loop3A_573 = arith.index_cast %parallel_loop3A_552 : i32 to index
        %parallel_loop3A_574 = arith.constant 96 : index
        %parallel_loop3A_575 = tpu.vector_load %arg15[%parallel_loop3A_573, %parallel_loop3A_574] {strides = array<i32>} : memref<80x128xf32, #tpu.memory_space<vmem>>, vector<16xf32>,
        %parallel_loop3A_576 = arith.index_cast %parallel_loop3A_552 : i32 to index
        %parallel_loop3A_577 = arith.constant 112 : index
        %parallel_loop3A_578 = tpu.vector_load %arg15[%parallel_loop3A_576, %parallel_loop3A_577] {strides = array<i32>} : memref<80x128xf32, #tpu.memory_space<vmem>>, vector<16xf32>,
        %parallel_loop3A_579 = arith.mulf %parallel_loop3A_557, %get3A_419 : vector<16xf32>
        %parallel_loop3A_580 = arith.mulf %parallel_loop3A_560, %get3A_421 : vector<16xf32>
        %parallel_loop3A_581 = arith.mulf %parallel_loop3A_563, %get3A_423 : vector<16xf32>
        %parallel_loop3A_582 = arith.mulf %parallel_loop3A_566, %get3A_425 : vector<16xf32>
        %parallel_loop3A_583 = arith.mulf %parallel_loop3A_569, %get3A_427 : vector<16xf32>
        %parallel_loop3A_584 = arith.mulf %parallel_loop3A_572, %get3A_429 : vector<16xf32>
        %parallel_loop3A_585 = arith.mulf %parallel_loop3A_575, %get3A_431 : vector<16xf32>
        %parallel_loop3A_586 = arith.mulf %parallel_loop3A_578, %get3A_433 : vector<16xf32>
        %parallel_loop3A_587 = arith.addf %parallel_loop3A_579, %parallel_loop3A_580 : vector<16xf32>
        %parallel_loop3A_588 = arith.addf %parallel_loop3A_581, %parallel_loop3A_582 : vector<16xf32>
        %parallel_loop3A_589 = arith.addf %parallel_loop3A_587, %parallel_loop3A_588 : vector<16xf32>
        %parallel_loop3A_590 = arith.addf %parallel_loop3A_583, %parallel_loop3A_584 : vector<16xf32>
        %parallel_loop3A_591 = arith.addf %parallel_loop3A_585, %parallel_loop3A_586 : vector<16xf32>
        %parallel_loop3A_592 = arith.addf %parallel_loop3A_590, %parallel_loop3A_591 : vector<16xf32>
        %parallel_loop3A_593 = arith.addf %parallel_loop3A_589, %parallel_loop3A_592 : vector<16xf32>
        %parallel_loop3A_594 = arith.constant true
        %parallel_loop3A_595 = vector.broadcast %parallel_loop3A_594 : i1 to vector<16xi1>
        %parallel_loop3A_596 = tpu.scan <sum>, %parallel_loop3A_593 masked %parallel_loop3A_595 : vector<16xf32>, vector<16xi1> -> vector<16xf32>
        %parallel_loop3A_597 = vector.extract %parallel_loop3A_596[15] : f32 from vector<16xf32>
        %parallel_loop3A_598 = vector.broadcast %parallel_loop3A_597 : f32 to vector<16xf32>
        %parallel_loop3A_599 = arith.addf %parallel_loop3A_598, %get3A_435 : vector<16xf32>
        %parallel_loop3A_600 = tpu.vector_load_idx %arg13[%add3A_10, %parallel_loop3A_554] : memref<3x80xi32, #tpu.memory_space<vmem>>[vector<16xi32>, vector<16xi32>], vector<16xi32>,
        %parallel_loop3A_601 = vector.bitcast %parallel_loop3A_600 : vector<16xi32> to vector<16xf32>
        %parallel_loop3A_602 = arith.index_cast %parallel_loop3A_552 : i32 to index
        %parallel_loop3A_603 = arith.constant 0 : index
        %parallel_loop3A_604 = tpu.vector_load %arg17[%parallel_loop3A_602, %parallel_loop3A_603] {strides = array<i32>} : memref<80x128xf32, #tpu.memory_space<vmem>>, vector<16xf32>,
        %parallel_loop3A_605 = arith.mulf %parallel_loop3A_604, %parallel_loop3A_601 : vector<16xf32>
        %parallel_loop3A_606 = arith.mulf %parallel_loop3A_599, %parallel_loop3A_557 : vector<16xf32>
        %parallel_loop3A_607 = arith.addf %parallel_loop3A_605, %parallel_loop3A_606 : vector<16xf32>
        %parallel_loop3A_608 = arith.constant 0.000000e+00 : f32
        %parallel_loop3A_609 = vector.broadcast %parallel_loop3A_608 : f32 to vector<16xf32>
        %parallel_loop3A_610 = arith.maximumf %parallel_loop3A_607, %parallel_loop3A_609 : vector<16xf32>
        %parallel_loop3A_611 = arith.index_cast %parallel_loop3A_552 : i32 to index
        %parallel_loop3A_612 = arith.constant 0 : index
        %parallel_loop3A_613 = tpu.vector_load %arg17[%parallel_loop3A_611, %parallel_loop3A_612] {strides = array<i32>} : memref<80x128xf32, #tpu.memory_space<vmem>>, vector<16xf32>,
        tpu.vector_store %arg17[%parallel_loop3A_611, %parallel_loop3A_612], %parallel_loop3A_610 {strides = array<i32>} : memref<80x128xf32, #tpu.memory_space<vmem>>, vector<16xf32>,
        %parallel_loop3A_614 = arith.index_cast %parallel_loop3A_552 : i32 to index
        %parallel_loop3A_615 = arith.constant 16 : index
        %parallel_loop3A_616 = tpu.vector_load %arg17[%parallel_loop3A_614, %parallel_loop3A_615] {strides = array<i32>} : memref<80x128xf32, #tpu.memory_space<vmem>>, vector<16xf32>,
        %parallel_loop3A_617 = arith.mulf %parallel_loop3A_616, %parallel_loop3A_601 : vector<16xf32>
        %parallel_loop3A_618 = arith.mulf %parallel_loop3A_599, %parallel_loop3A_560 : vector<16xf32>
        %parallel_loop3A_619 = arith.addf %parallel_loop3A_617, %parallel_loop3A_618 : vector<16xf32>
        %parallel_loop3A_620 = arith.constant 0.000000e+00 : f32
        %parallel_loop3A_621 = vector.broadcast %parallel_loop3A_620 : f32 to vector<16xf32>
        %parallel_loop3A_622 = arith.maximumf %parallel_loop3A_619, %parallel_loop3A_621 : vector<16xf32>
        %parallel_loop3A_623 = arith.index_cast %parallel_loop3A_552 : i32 to index
        %parallel_loop3A_624 = arith.constant 16 : index
        %parallel_loop3A_625 = tpu.vector_load %arg17[%parallel_loop3A_623, %parallel_loop3A_624] {strides = array<i32>} : memref<80x128xf32, #tpu.memory_space<vmem>>, vector<16xf32>,
        tpu.vector_store %arg17[%parallel_loop3A_623, %parallel_loop3A_624], %parallel_loop3A_622 {strides = array<i32>} : memref<80x128xf32, #tpu.memory_space<vmem>>, vector<16xf32>,
        %parallel_loop3A_626 = arith.index_cast %parallel_loop3A_552 : i32 to index
        %parallel_loop3A_627 = arith.constant 32 : index
        %parallel_loop3A_628 = tpu.vector_load %arg17[%parallel_loop3A_626, %parallel_loop3A_627] {strides = array<i32>} : memref<80x128xf32, #tpu.memory_space<vmem>>, vector<16xf32>,
        %parallel_loop3A_629 = arith.mulf %parallel_loop3A_628, %parallel_loop3A_601 : vector<16xf32>
        %parallel_loop3A_630 = arith.mulf %parallel_loop3A_599, %parallel_loop3A_563 : vector<16xf32>
        %parallel_loop3A_631 = arith.addf %parallel_loop3A_629, %parallel_loop3A_630 : vector<16xf32>
        %parallel_loop3A_632 = arith.constant 0.000000e+00 : f32
        %parallel_loop3A_633 = vector.broadcast %parallel_loop3A_632 : f32 to vector<16xf32>
        %parallel_loop3A_634 = arith.maximumf %parallel_loop3A_631, %parallel_loop3A_633 : vector<16xf32>
        %parallel_loop3A_635 = arith.index_cast %parallel_loop3A_552 : i32 to index
        %parallel_loop3A_636 = arith.constant 32 : index
        %parallel_loop3A_637 = tpu.vector_load %arg17[%parallel_loop3A_635, %parallel_loop3A_636] {strides = array<i32>} : memref<80x128xf32, #tpu.memory_space<vmem>>, vector<16xf32>,
        tpu.vector_store %arg17[%parallel_loop3A_635, %parallel_loop3A_636], %parallel_loop3A_634 {strides = array<i32>} : memref<80x128xf32, #tpu.memory_space<vmem>>, vector<16xf32>,
        %parallel_loop3A_638 = arith.index_cast %parallel_loop3A_552 : i32 to index
        %parallel_loop3A_639 = arith.constant 48 : index
        %parallel_loop3A_640 = tpu.vector_load %arg17[%parallel_loop3A_638, %parallel_loop3A_639] {strides = array<i32>} : memref<80x128xf32, #tpu.memory_space<vmem>>, vector<16xf32>,
        %parallel_loop3A_641 = arith.mulf %parallel_loop3A_640, %parallel_loop3A_601 : vector<16xf32>
        %parallel_loop3A_642 = arith.mulf %parallel_loop3A_599, %parallel_loop3A_566 : vector<16xf32>
        %parallel_loop3A_643 = arith.addf %parallel_loop3A_641, %parallel_loop3A_642 : vector<16xf32>
        %parallel_loop3A_644 = arith.constant 0.000000e+00 : f32
        %parallel_loop3A_645 = vector.broadcast %parallel_loop3A_644 : f32 to vector<16xf32>
        %parallel_loop3A_646 = arith.maximumf %parallel_loop3A_643, %parallel_loop3A_645 : vector<16xf32>
        %parallel_loop3A_647 = arith.index_cast %parallel_loop3A_552 : i32 to index
        %parallel_loop3A_648 = arith.constant 48 : index
        %parallel_loop3A_649 = tpu.vector_load %arg17[%parallel_loop3A_647, %parallel_loop3A_648] {strides = array<i32>} : memref<80x128xf32, #tpu.memory_space<vmem>>, vector<16xf32>,
        tpu.vector_store %arg17[%parallel_loop3A_647, %parallel_loop3A_648], %parallel_loop3A_646 {strides = array<i32>} : memref<80x128xf32, #tpu.memory_space<vmem>>, vector<16xf32>,
        %parallel_loop3A_650 = arith.index_cast %parallel_loop3A_552 : i32 to index
        %parallel_loop3A_651 = arith.constant 64 : index
        %parallel_loop3A_652 = tpu.vector_load %arg17[%parallel_loop3A_650, %parallel_loop3A_651] {strides = array<i32>} : memref<80x128xf32, #tpu.memory_space<vmem>>, vector<16xf32>,
        %parallel_loop3A_653 = arith.mulf %parallel_loop3A_652, %parallel_loop3A_601 : vector<16xf32>
        %parallel_loop3A_654 = arith.mulf %parallel_loop3A_599, %parallel_loop3A_569 : vector<16xf32>
        %parallel_loop3A_655 = arith.addf %parallel_loop3A_653, %parallel_loop3A_654 : vector<16xf32>
        %parallel_loop3A_656 = arith.constant 0.000000e+00 : f32
        %parallel_loop3A_657 = vector.broadcast %parallel_loop3A_656 : f32 to vector<16xf32>
        %parallel_loop3A_658 = arith.maximumf %parallel_loop3A_655, %parallel_loop3A_657 : vector<16xf32>
        %parallel_loop3A_659 = arith.index_cast %parallel_loop3A_552 : i32 to index
        %parallel_loop3A_660 = arith.constant 64 : index
        %parallel_loop3A_661 = tpu.vector_load %arg17[%parallel_loop3A_659, %parallel_loop3A_660] {strides = array<i32>} : memref<80x128xf32, #tpu.memory_space<vmem>>, vector<16xf32>,
        tpu.vector_store %arg17[%parallel_loop3A_659, %parallel_loop3A_660], %parallel_loop3A_658 {strides = array<i32>} : memref<80x128xf32, #tpu.memory_space<vmem>>, vector<16xf32>,
        %parallel_loop3A_662 = arith.index_cast %parallel_loop3A_552 : i32 to index
        %parallel_loop3A_663 = arith.constant 80 : index
        %parallel_loop3A_664 = tpu.vector_load %arg17[%parallel_loop3A_662, %parallel_loop3A_663] {strides = array<i32>} : memref<80x128xf32, #tpu.memory_space<vmem>>, vector<16xf32>,
        %parallel_loop3A_665 = arith.mulf %parallel_loop3A_664, %parallel_loop3A_601 : vector<16xf32>
        %parallel_loop3A_666 = arith.mulf %parallel_loop3A_599, %parallel_loop3A_572 : vector<16xf32>
        %parallel_loop3A_667 = arith.addf %parallel_loop3A_665, %parallel_loop3A_666 : vector<16xf32>
        %parallel_loop3A_668 = arith.constant 0.000000e+00 : f32
        %parallel_loop3A_669 = vector.broadcast %parallel_loop3A_668 : f32 to vector<16xf32>
        %parallel_loop3A_670 = arith.maximumf %parallel_loop3A_667, %parallel_loop3A_669 : vector<16xf32>
        %parallel_loop3A_671 = arith.index_cast %parallel_loop3A_552 : i32 to index
        %parallel_loop3A_672 = arith.constant 80 : index
        %parallel_loop3A_673 = tpu.vector_load %arg17[%parallel_loop3A_671, %parallel_loop3A_672] {strides = array<i32>} : memref<80x128xf32, #tpu.memory_space<vmem>>, vector<16xf32>,
        tpu.vector_store %arg17[%parallel_loop3A_671, %parallel_loop3A_672], %parallel_loop3A_670 {strides = array<i32>} : memref<80x128xf32, #tpu.memory_space<vmem>>, vector<16xf32>,
        %parallel_loop3A_674 = arith.index_cast %parallel_loop3A_552 : i32 to index
        %parallel_loop3A_675 = arith.constant 96 : index
        %parallel_loop3A_676 = tpu.vector_load %arg17[%parallel_loop3A_674, %parallel_loop3A_675] {strides = array<i32>} : memref<80x128xf32, #tpu.memory_space<vmem>>, vector<16xf32>,
        %parallel_loop3A_677 = arith.mulf %parallel_loop3A_676, %parallel_loop3A_601 : vector<16xf32>
        %parallel_loop3A_678 = arith.mulf %parallel_loop3A_599, %parallel_loop3A_575 : vector<16xf32>
        %parallel_loop3A_679 = arith.addf %parallel_loop3A_677, %parallel_loop3A_678 : vector<16xf32>
        %parallel_loop3A_680 = arith.constant 0.000000e+00 : f32
        %parallel_loop3A_681 = vector.broadcast %parallel_loop3A_680 : f32 to vector<16xf32>
        %parallel_loop3A_682 = arith.maximumf %parallel_loop3A_679, %parallel_loop3A_681 : vector<16xf32>
        %parallel_loop3A_683 = arith.index_cast %parallel_loop3A_552 : i32 to index
        %parallel_loop3A_684 = arith.constant 96 : index
        %parallel_loop3A_685 = tpu.vector_load %arg17[%parallel_loop3A_683, %parallel_loop3A_684] {strides = array<i32>} : memref<80x128xf32, #tpu.memory_space<vmem>>, vector<16xf32>,
        tpu.vector_store %arg17[%parallel_loop3A_683, %parallel_loop3A_684], %parallel_loop3A_682 {strides = array<i32>} : memref<80x128xf32, #tpu.memory_space<vmem>>, vector<16xf32>,
        %parallel_loop3A_686 = arith.index_cast %parallel_loop3A_552 : i32 to index
        %parallel_loop3A_687 = arith.constant 112 : index
        %parallel_loop3A_688 = tpu.vector_load %arg17[%parallel_loop3A_686, %parallel_loop3A_687] {strides = array<i32>} : memref<80x128xf32, #tpu.memory_space<vmem>>, vector<16xf32>,
        %parallel_loop3A_689 = arith.mulf %parallel_loop3A_688, %parallel_loop3A_601 : vector<16xf32>
        %parallel_loop3A_690 = arith.mulf %parallel_loop3A_599, %parallel_loop3A_578 : vector<16xf32>
        %parallel_loop3A_691 = arith.addf %parallel_loop3A_689, %parallel_loop3A_690 : vector<16xf32>
        %parallel_loop3A_692 = arith.constant 0.000000e+00 : f32
        %parallel_loop3A_693 = vector.broadcast %parallel_loop3A_692 : f32 to vector<16xf32>
        %parallel_loop3A_694 = arith.maximumf %parallel_loop3A_691, %parallel_loop3A_693 : vector<16xf32>
        %parallel_loop3A_695 = arith.index_cast %parallel_loop3A_552 : i32 to index
        %parallel_loop3A_696 = arith.constant 112 : index
        %parallel_loop3A_697 = tpu.vector_load %arg17[%parallel_loop3A_695, %parallel_loop3A_696] {strides = array<i32>} : memref<80x128xf32, #tpu.memory_space<vmem>>, vector<16xf32>,
        tpu.vector_store %arg17[%parallel_loop3A_695, %parallel_loop3A_696], %parallel_loop3A_694 {strides = array<i32>} : memref<80x128xf32, #tpu.memory_space<vmem>>, vector<16xf32>,
        tpu.vector_store_idx %arg19[%broadcast_in_dim3A_5, %parallel_loop3A_554], %parallel_loop3A_599 masked %eq3A_7 : memref<1x80xf32, #tpu.memory_space<vmem>>[vector<16xi32>, vector<16xi32>], vector<16xf32>, vector<16xi1>
      } {sc.loop_unroll_factor = 2 : i64, sc.parallel_access}
      %dma_start3A_439 = arith.constant 1 : i32
      %dma_start3A_440 = arith.constant 0 : i32
      %dma_start3A_441 = tpu.memref_slice %arg13[%dma_start3A_439, %dma_start3A_440] : memref<3x80xi32, #tpu.memory_space<vmem>> -> memref<1x80xi32, #tpu.memory_space<vmem>>
      %dma_start3A_442 = tpu.memref_squeeze %dma_start3A_441 : memref<1x80xi32, #tpu.memory_space<vmem>> -> memref<80xi32, #tpu.memory_space<vmem>>
      %dma_start3A_443 = arith.constant 0 : i32
      %dma_start3A_444 = arith.constant 0 : i32
      %dma_start3A_445 = tpu.memref_slice %arg10[%dma_start3A_443, %dma_start3A_444] : memref<10000x128xf32, #tpu.memory_space<vmem_shared>> -> memref<10000x128xf32, #tpu.memory_space<vmem_shared>>
      tpu.enqueue_indirect_dma source(%arg17 : memref<80x128xf32, #tpu.memory_space<vmem>>) target(%dma_start3A_445 : memref<10000x128xf32, #tpu.memory_space<vmem_shared>>) offsets(%dma_start3A_442 : memref<80xi32, #tpu.memory_space<vmem>>) semaphore(%arg29 : memref<!tpu.dma_semaphore, #tpu.memory_space<semaphore_mem>>) {add = true}
      %add3A_446 = arith.addi %mul3A_2, %add3A_354 : i32
      %dma_start3A_447 = arith.constant 0 : i32
      %dma_start3A_448 = arith.constant 0 : i32
      %dma_start3A_449 = tpu.memref_slice %arg9[%add3A_446, %dma_start3A_447, %dma_start3A_448] : memref<4000x1x80xf32, #tpu.memory_space<hbm>> -> memref<1x1x80xf32, #tpu.memory_space<hbm>>
      %dma_start3A_450 = tpu.memref_squeeze %dma_start3A_449 : memref<1x1x80xf32, #tpu.memory_space<hbm>> -> memref<1x80xf32, #tpu.memory_space<hbm>>
      %dma_start3A_451 = arith.constant 0 : i32
      %dma_start3A_452 = arith.constant 0 : i32
      %dma_start3A_453 = tpu.memref_slice %arg9[%add3A_446, %dma_start3A_451, %dma_start3A_452] : memref<4000x1x80xf32, #tpu.memory_space<hbm>> -> memref<1x1x80xf32, #tpu.memory_space<hbm>>
      %dma_start3A_454 = tpu.memref_squeeze %dma_start3A_453 : memref<1x1x80xf32, #tpu.memory_space<hbm>> -> memref<1x80xf32, #tpu.memory_space<hbm>>
      tpu.enqueue_dma source(%arg19 : memref<1x80xf32, #tpu.memory_space<vmem>>) target(%dma_start3A_454 : memref<1x80xf32, #tpu.memory_space<hbm>>) target_semaphore(%arg31 : memref<!tpu.dma_semaphore, #tpu.memory_space<semaphore_mem>>)
      %mul3A_455 = arith.constant 4 : i32
      %mul3A_456 = arith.muli %mul3A_455, %add3A_161 : i32
      %add3A_457 = arith.constant 3 : i32
      %add3A_458 = arith.addi %mul3A_456, %add3A_457 : i32
      %dma_wait3A_459 = arith.constant 0 : i32
      %dma_wait3A_460 = arith.constant 0 : i32
      %dma_wait3A_461 = tpu.memref_slice %arg10[%dma_wait3A_459, %dma_wait3A_460] : memref<10000x128xf32, #tpu.memory_space<vmem_shared>> -> memref<80x128xf32, #tpu.memory_space<vmem_shared>>
      %dma_wait3A_462 = arith.constant 0 : i32
      %dma_wait3A_463 = arith.constant 0 : i32
      %dma_wait3A_464 = tpu.memref_slice %arg10[%dma_wait3A_462, %dma_wait3A_463] : memref<10000x128xf32, #tpu.memory_space<vmem_shared>> -> memref<80x128xf32, #tpu.memory_space<vmem_shared>>
      tpu.wait_dma2 semaphore(%arg29 : memref<!tpu.dma_semaphore, #tpu.memory_space<semaphore_mem>>) src(%arg17 : memref<80x128xf32, #tpu.memory_space<vmem>>) dst(%dma_wait3A_464 : memref<80x128xf32, #tpu.memory_space<vmem_shared>>)
      %dma_wait3A_465 = arith.constant 0 : i32
      %dma_wait3A_466 = arith.constant 0 : i32
      %dma_wait3A_467 = arith.constant 0 : i32
      %dma_wait3A_468 = tpu.memref_slice %arg3[%dma_wait3A_465, %dma_wait3A_466, %dma_wait3A_467] : memref<4000x3x80xi32, #tpu.memory_space<hbm>> -> memref<1x3x80xi32, #tpu.memory_space<hbm>>
      %dma_wait3A_469 = tpu.memref_squeeze %dma_wait3A_468 : memref<1x3x80xi32, #tpu.memory_space<hbm>> -> memref<3x80xi32, #tpu.memory_space<hbm>>
      %dma_wait3A_470 = arith.constant 0 : i32
      %dma_wait3A_471 = arith.constant 0 : i32
      %dma_wait3A_472 = tpu.memref_slice %arg3[%dma_wait3A_465, %dma_wait3A_470, %dma_wait3A_471] : memref<4000x3x80xi32, #tpu.memory_space<hbm>> -> memref<1x3x80xi32, #tpu.memory_space<hbm>>
      %dma_wait3A_473 = tpu.memref_squeeze %dma_wait3A_472 : memref<1x3x80xi32, #tpu.memory_space<hbm>> -> memref<3x80xi32, #tpu.memory_space<hbm>>
      tpu.wait_dma2 semaphore(%arg23 : memref<!tpu.dma_semaphore, #tpu.memory_space<semaphore_mem>>) src(%dma_wait3A_473 : memref<3x80xi32, #tpu.memory_space<hbm>>) dst(%arg11 : memref<3x80xi32, #tpu.memory_space<vmem>>)
      %add3A_474 = arith.constant 1 : i32
      %add3A_475 = arith.addi %add3A_458, %add3A_474 : i32
      %dma_start3A_476 = arith.constant 0 : i32
      %dma_start3A_477 = arith.constant 0 : i32
      %dma_start3A_478 = tpu.memref_slice %arg11[%dma_start3A_476, %dma_start3A_477] : memref<3x80xi32, #tpu.memory_space<vmem>> -> memref<1x80xi32, #tpu.memory_space<vmem>>
      %dma_start3A_479 = tpu.memref_squeeze %dma_start3A_478 : memref<1x80xi32, #tpu.memory_space<vmem>> -> memref<80xi32, #tpu.memory_space<vmem>>
      %dma_start3A_480 = arith.constant 0 : i32
      %dma_start3A_481 = arith.constant 0 : i32
      %dma_start3A_482 = tpu.memref_slice %arg2[%dma_start3A_480, %dma_start3A_481] : memref<10000x128xf32, #tpu.memory_space<hbm>> -> memref<10000x128xf32, #tpu.memory_space<hbm>>
      tpu.enqueue_indirect_dma source(%dma_start3A_482 : memref<10000x128xf32, #tpu.memory_space<hbm>>) target(%arg17 : memref<80x128xf32, #tpu.memory_space<vmem>>) offsets(%dma_start3A_479 : memref<80xi32, #tpu.memory_space<vmem>>) semaphore(%arg25 : memref<!tpu.dma_semaphore, #tpu.memory_space<semaphore_mem>>)
      %add3A_483 = arith.addi %mul3A_2, %add3A_475 : i32
      %mul3A_484 = arith.constant 80 : i32
      %mul3A_485 = arith.muli %add3A_483, %mul3A_484 : i32
      %dma_start3A_486 = arith.constant 0 : i32
      %dma_start3A_487 = tpu.memref_slice %arg4[%mul3A_485, %dma_start3A_486] : memref<320000x128xf32, #tpu.memory_space<hbm>> -> memref<80x128xf32, #tpu.memory_space<hbm>>
      %dma_start3A_488 = arith.constant 0 : i32
      %dma_start3A_489 = tpu.memref_slice %arg4[%mul3A_485, %dma_start3A_488] : memref<320000x128xf32, #tpu.memory_space<hbm>> -> memref<80x128xf32, #tpu.memory_space<hbm>>
      tpu.enqueue_dma source(%dma_start3A_489 : memref<80x128xf32, #tpu.memory_space<hbm>>) target(%arg15 : memref<80x128xf32, #tpu.memory_space<vmem>>) target_semaphore(%arg27 : memref<!tpu.dma_semaphore, #tpu.memory_space<semaphore_mem>>)
      %lt3A = arith.constant 30 : i32
      %lt3A_490 = arith.cmpi slt, %add3A_161, %lt3A : i32
      %convert_element_type3A_491 = arith.extui %lt3A_490 : i1 to i32
      %cond3A_492 = arith.constant 0 : i32
      %cond3A_493 = arith.cmpi ne, %convert_element_type3A_491, %cond3A_492 : i32
      scf.if %cond3A_493 {
        %add3A_552 = arith.constant 2 : i32
        %add3A_553 = arith.addi %add3A_458, %add3A_552 : i32
        %add3A_554 = arith.addi %mul3A_2, %add3A_553 : i32
        %dma_start3A_555 = arith.constant 0 : i32
        %dma_start3A_556 = arith.constant 0 : i32
        %dma_start3A_557 = tpu.memref_slice %arg3[%add3A_554, %dma_start3A_555, %dma_start3A_556] : memref<4000x3x80xi32, #tpu.memory_space<hbm>> -> memref<1x3x80xi32, #tpu.memory_space<hbm>>
        %dma_start3A_558 = tpu.memref_squeeze %dma_start3A_557 : memref<1x3x80xi32, #tpu.memory_space<hbm>> -> memref<3x80xi32, #tpu.memory_space<hbm>>
        %dma_start3A_559 = arith.constant 0 : i32
        %dma_start3A_560 = arith.constant 0 : i32
        %dma_start3A_561 = tpu.memref_slice %arg3[%add3A_554, %dma_start3A_559, %dma_start3A_560] : memref<4000x3x80xi32, #tpu.memory_space<hbm>> -> memref<1x3x80xi32, #tpu.memory_space<hbm>>
        %dma_start3A_562 = tpu.memref_squeeze %dma_start3A_561 : memref<1x3x80xi32, #tpu.memory_space<hbm>> -> memref<3x80xi32, #tpu.memory_space<hbm>>
        tpu.enqueue_dma source(%dma_start3A_562 : memref<3x80xi32, #tpu.memory_space<hbm>>) target(%arg12 : memref<3x80xi32, #tpu.memory_space<vmem>>) target_semaphore(%arg24 : memref<!tpu.dma_semaphore, #tpu.memory_space<semaphore_mem>>)
      } else {
      }
      %dma_wait3A_494 = arith.constant 0 : i32
      %dma_wait3A_495 = arith.constant 0 : i32
      %dma_wait3A_496 = tpu.memref_slice %arg4[%dma_wait3A_494, %dma_wait3A_495] : memref<320000x128xf32, #tpu.memory_space<hbm>> -> memref<80x128xf32, #tpu.memory_space<hbm>>
      %dma_wait3A_497 = arith.constant 0 : i32
      %dma_wait3A_498 = arith.constant 0 : i32
      %dma_wait3A_499 = tpu.memref_slice %arg4[%dma_wait3A_497, %dma_wait3A_498] : memref<320000x128xf32, #tpu.memory_space<hbm>> -> memref<80x128xf32, #tpu.memory_space<hbm>>
      tpu.wait_dma2 semaphore(%arg26 : memref<!tpu.dma_semaphore, #tpu.memory_space<semaphore_mem>>) src(%dma_wait3A_499 : memref<80x128xf32, #tpu.memory_space<hbm>>) dst(%arg18 : memref<80x128xf32, #tpu.memory_space<vmem>>)
      %dma_wait3A_500 = arith.constant 0 : i32
      %dma_wait3A_501 = arith.constant 0 : i32
      %dma_wait3A_502 = tpu.memref_slice %arg4[%dma_wait3A_500, %dma_wait3A_501] : memref<320000x128xf32, #tpu.memory_space<hbm>> -> memref<80x128xf32, #tpu.memory_space<hbm>>
      %dma_wait3A_503 = arith.constant 0 : i32
      %dma_wait3A_504 = arith.constant 0 : i32
      %dma_wait3A_505 = tpu.memref_slice %arg4[%dma_wait3A_503, %dma_wait3A_504] : memref<320000x128xf32, #tpu.memory_space<hbm>> -> memref<80x128xf32, #tpu.memory_space<hbm>>
      tpu.wait_dma2 semaphore(%arg28 : memref<!tpu.dma_semaphore, #tpu.memory_space<semaphore_mem>>) src(%dma_wait3A_505 : memref<80x128xf32, #tpu.memory_space<hbm>>) dst(%arg16 : memref<80x128xf32, #tpu.memory_space<vmem>>)
      %dma_wait3A_506 = arith.constant 0 : i32
      %dma_wait3A_507 = arith.constant 0 : i32
      %dma_wait3A_508 = arith.constant 0 : i32
      %dma_wait3A_509 = tpu.memref_slice %arg9[%dma_wait3A_506, %dma_wait3A_507, %dma_wait3A_508] : memref<4000x1x80xf32, #tpu.memory_space<hbm>> -> memref<1x1x80xf32, #tpu.memory_space<hbm>>
      %dma_wait3A_510 = tpu.memref_squeeze %dma_wait3A_509 : memref<1x1x80xf32, #tpu.memory_space<hbm>> -> memref<1x80xf32, #tpu.memory_space<hbm>>
      %dma_wait3A_511 = arith.constant 0 : i32
      %dma_wait3A_512 = arith.constant 0 : i32
      %dma_wait3A_513 = tpu.memref_slice %arg9[%dma_wait3A_506, %dma_wait3A_511, %dma_wait3A_512] : memref<4000x1x80xf32, #tpu.memory_space<hbm>> -> memref<1x1x80xf32, #tpu.memory_space<hbm>>
      %dma_wait3A_514 = tpu.memref_squeeze %dma_wait3A_513 : memref<1x1x80xf32, #tpu.memory_space<hbm>> -> memref<1x80xf32, #tpu.memory_space<hbm>>
      tpu.wait_dma2 semaphore(%arg32 : memref<!tpu.dma_semaphore, #tpu.memory_space<semaphore_mem>>) src(%arg20 : memref<1x80xf32, #tpu.memory_space<vmem>>) dst(%dma_wait3A_514 : memref<1x80xf32, #tpu.memory_space<hbm>>)
      %get3A_515 = arith.constant 0 : index
      %get3A_516 = tpu.vector_load %arg21[%get3A_515] {strides = array<i32>} : memref<128xf32, #tpu.memory_space<vmem>>, vector<16xf32>,
      %get3A_517 = arith.constant 16 : index
      %get3A_518 = tpu.vector_load %arg21[%get3A_517] {strides = array<i32>} : memref<128xf32, #tpu.memory_space<vmem>>, vector<16xf32>,
      %get3A_519 = arith.constant 32 : index
      %get3A_520 = tpu.vector_load %arg21[%get3A_519] {strides = array<i32>} : memref<128xf32, #tpu.memory_space<vmem>>, vector<16xf32>,
      %get3A_521 = arith.constant 48 : index
      %get3A_522 = tpu.vector_load %arg21[%get3A_521] {strides = array<i32>} : memref<128xf32, #tpu.memory_space<vmem>>, vector<16xf32>,
      %get3A_523 = arith.constant 64 : index
      %get3A_524 = tpu.vector_load %arg21[%get3A_523] {strides = array<i32>} : memref<128xf32, #tpu.memory_space<vmem>>, vector<16xf32>,
      %get3A_525 = arith.constant 80 : index
      %get3A_526 = tpu.vector_load %arg21[%get3A_525] {strides = array<i32>} : memref<128xf32, #tpu.memory_space<vmem>>, vector<16xf32>,
      %get3A_527 = arith.constant 96 : index
      %get3A_528 = tpu.vector_load %arg21[%get3A_527] {strides = array<i32>} : memref<128xf32, #tpu.memory_space<vmem>>, vector<16xf32>,
      %get3A_529 = arith.constant 112 : index
      %get3A_530 = tpu.vector_load %arg21[%get3A_529] {strides = array<i32>} : memref<128xf32, #tpu.memory_space<vmem>>, vector<16xf32>,
      %get3A_531 = arith.constant 0 : index
      %get3A_532 = tpu.vector_load %arg22[%get3A_531] {strides = array<i32>} : memref<16xf32, #tpu.memory_space<vmem>>, vector<16xf32>,
      %parallel_loop3A_533 = arith.constant 0 : i32
      %parallel_loop3A_534 = arith.constant 80 : i32
      %parallel_loop3A_535 = arith.constant 1 : i32
      scf.for %parallel_loop3A_552 = %parallel_loop3A_533 to %parallel_loop3A_534 step %parallel_loop3A_535  : i32 {
        %parallel_loop3A_553 = vector.broadcast %parallel_loop3A_552 : i32 to vector<16xi32>
        %parallel_loop3A_554 = arith.addi %broadcast_in_dim3A_5, %parallel_loop3A_553 : vector<16xi32>
        %parallel_loop3A_555 = arith.index_cast %parallel_loop3A_552 : i32 to index
        %parallel_loop3A_556 = arith.constant 0 : index
        %parallel_loop3A_557 = tpu.vector_load %arg16[%parallel_loop3A_555, %parallel_loop3A_556] {strides = array<i32>} : memref<80x128xf32, #tpu.memory_space<vmem>>, vector<16xf32>,
        %parallel_loop3A_558 = arith.index_cast %parallel_loop3A_552 : i32 to index
        %parallel_loop3A_559 = arith.constant 16 : index
        %parallel_loop3A_560 = tpu.vector_load %arg16[%parallel_loop3A_558, %parallel_loop3A_559] {strides = array<i32>} : memref<80x128xf32, #tpu.memory_space<vmem>>, vector<16xf32>,
        %parallel_loop3A_561 = arith.index_cast %parallel_loop3A_552 : i32 to index
        %parallel_loop3A_562 = arith.constant 32 : index
        %parallel_loop3A_563 = tpu.vector_load %arg16[%parallel_loop3A_561, %parallel_loop3A_562] {strides = array<i32>} : memref<80x128xf32, #tpu.memory_space<vmem>>, vector<16xf32>,
        %parallel_loop3A_564 = arith.index_cast %parallel_loop3A_552 : i32 to index
        %parallel_loop3A_565 = arith.constant 48 : index
        %parallel_loop3A_566 = tpu.vector_load %arg16[%parallel_loop3A_564, %parallel_loop3A_565] {strides = array<i32>} : memref<80x128xf32, #tpu.memory_space<vmem>>, vector<16xf32>,
        %parallel_loop3A_567 = arith.index_cast %parallel_loop3A_552 : i32 to index
        %parallel_loop3A_568 = arith.constant 64 : index
        %parallel_loop3A_569 = tpu.vector_load %arg16[%parallel_loop3A_567, %parallel_loop3A_568] {strides = array<i32>} : memref<80x128xf32, #tpu.memory_space<vmem>>, vector<16xf32>,
        %parallel_loop3A_570 = arith.index_cast %parallel_loop3A_552 : i32 to index
        %parallel_loop3A_571 = arith.constant 80 : index
        %parallel_loop3A_572 = tpu.vector_load %arg16[%parallel_loop3A_570, %parallel_loop3A_571] {strides = array<i32>} : memref<80x128xf32, #tpu.memory_space<vmem>>, vector<16xf32>,
        %parallel_loop3A_573 = arith.index_cast %parallel_loop3A_552 : i32 to index
        %parallel_loop3A_574 = arith.constant 96 : index
        %parallel_loop3A_575 = tpu.vector_load %arg16[%parallel_loop3A_573, %parallel_loop3A_574] {strides = array<i32>} : memref<80x128xf32, #tpu.memory_space<vmem>>, vector<16xf32>,
        %parallel_loop3A_576 = arith.index_cast %parallel_loop3A_552 : i32 to index
        %parallel_loop3A_577 = arith.constant 112 : index
        %parallel_loop3A_578 = tpu.vector_load %arg16[%parallel_loop3A_576, %parallel_loop3A_577] {strides = array<i32>} : memref<80x128xf32, #tpu.memory_space<vmem>>, vector<16xf32>,
        %parallel_loop3A_579 = arith.mulf %parallel_loop3A_557, %get3A_516 : vector<16xf32>
        %parallel_loop3A_580 = arith.mulf %parallel_loop3A_560, %get3A_518 : vector<16xf32>
        %parallel_loop3A_581 = arith.mulf %parallel_loop3A_563, %get3A_520 : vector<16xf32>
        %parallel_loop3A_582 = arith.mulf %parallel_loop3A_566, %get3A_522 : vector<16xf32>
        %parallel_loop3A_583 = arith.mulf %parallel_loop3A_569, %get3A_524 : vector<16xf32>
        %parallel_loop3A_584 = arith.mulf %parallel_loop3A_572, %get3A_526 : vector<16xf32>
        %parallel_loop3A_585 = arith.mulf %parallel_loop3A_575, %get3A_528 : vector<16xf32>
        %parallel_loop3A_586 = arith.mulf %parallel_loop3A_578, %get3A_530 : vector<16xf32>
        %parallel_loop3A_587 = arith.addf %parallel_loop3A_579, %parallel_loop3A_580 : vector<16xf32>
        %parallel_loop3A_588 = arith.addf %parallel_loop3A_581, %parallel_loop3A_582 : vector<16xf32>
        %parallel_loop3A_589 = arith.addf %parallel_loop3A_587, %parallel_loop3A_588 : vector<16xf32>
        %parallel_loop3A_590 = arith.addf %parallel_loop3A_583, %parallel_loop3A_584 : vector<16xf32>
        %parallel_loop3A_591 = arith.addf %parallel_loop3A_585, %parallel_loop3A_586 : vector<16xf32>
        %parallel_loop3A_592 = arith.addf %parallel_loop3A_590, %parallel_loop3A_591 : vector<16xf32>
        %parallel_loop3A_593 = arith.addf %parallel_loop3A_589, %parallel_loop3A_592 : vector<16xf32>
        %parallel_loop3A_594 = arith.constant true
        %parallel_loop3A_595 = vector.broadcast %parallel_loop3A_594 : i1 to vector<16xi1>
        %parallel_loop3A_596 = tpu.scan <sum>, %parallel_loop3A_593 masked %parallel_loop3A_595 : vector<16xf32>, vector<16xi1> -> vector<16xf32>
        %parallel_loop3A_597 = vector.extract %parallel_loop3A_596[15] : f32 from vector<16xf32>
        %parallel_loop3A_598 = vector.broadcast %parallel_loop3A_597 : f32 to vector<16xf32>
        %parallel_loop3A_599 = arith.addf %parallel_loop3A_598, %get3A_532 : vector<16xf32>
        %parallel_loop3A_600 = tpu.vector_load_idx %arg14[%add3A_10, %parallel_loop3A_554] : memref<3x80xi32, #tpu.memory_space<vmem>>[vector<16xi32>, vector<16xi32>], vector<16xi32>,
        %parallel_loop3A_601 = vector.bitcast %parallel_loop3A_600 : vector<16xi32> to vector<16xf32>
        %parallel_loop3A_602 = arith.index_cast %parallel_loop3A_552 : i32 to index
        %parallel_loop3A_603 = arith.constant 0 : index
        %parallel_loop3A_604 = tpu.vector_load %arg18[%parallel_loop3A_602, %parallel_loop3A_603] {strides = array<i32>} : memref<80x128xf32, #tpu.memory_space<vmem>>, vector<16xf32>,
        %parallel_loop3A_605 = arith.mulf %parallel_loop3A_604, %parallel_loop3A_601 : vector<16xf32>
        %parallel_loop3A_606 = arith.mulf %parallel_loop3A_599, %parallel_loop3A_557 : vector<16xf32>
        %parallel_loop3A_607 = arith.addf %parallel_loop3A_605, %parallel_loop3A_606 : vector<16xf32>
        %parallel_loop3A_608 = arith.constant 0.000000e+00 : f32
        %parallel_loop3A_609 = vector.broadcast %parallel_loop3A_608 : f32 to vector<16xf32>
        %parallel_loop3A_610 = arith.maximumf %parallel_loop3A_607, %parallel_loop3A_609 : vector<16xf32>
        %parallel_loop3A_611 = arith.index_cast %parallel_loop3A_552 : i32 to index
        %parallel_loop3A_612 = arith.constant 0 : index
        %parallel_loop3A_613 = tpu.vector_load %arg18[%parallel_loop3A_611, %parallel_loop3A_612] {strides = array<i32>} : memref<80x128xf32, #tpu.memory_space<vmem>>, vector<16xf32>,
        tpu.vector_store %arg18[%parallel_loop3A_611, %parallel_loop3A_612], %parallel_loop3A_610 {strides = array<i32>} : memref<80x128xf32, #tpu.memory_space<vmem>>, vector<16xf32>,
        %parallel_loop3A_614 = arith.index_cast %parallel_loop3A_552 : i32 to index
        %parallel_loop3A_615 = arith.constant 16 : index
        %parallel_loop3A_616 = tpu.vector_load %arg18[%parallel_loop3A_614, %parallel_loop3A_615] {strides = array<i32>} : memref<80x128xf32, #tpu.memory_space<vmem>>, vector<16xf32>,
        %parallel_loop3A_617 = arith.mulf %parallel_loop3A_616, %parallel_loop3A_601 : vector<16xf32>
        %parallel_loop3A_618 = arith.mulf %parallel_loop3A_599, %parallel_loop3A_560 : vector<16xf32>
        %parallel_loop3A_619 = arith.addf %parallel_loop3A_617, %parallel_loop3A_618 : vector<16xf32>
        %parallel_loop3A_620 = arith.constant 0.000000e+00 : f32
        %parallel_loop3A_621 = vector.broadcast %parallel_loop3A_620 : f32 to vector<16xf32>
        %parallel_loop3A_622 = arith.maximumf %parallel_loop3A_619, %parallel_loop3A_621 : vector<16xf32>
        %parallel_loop3A_623 = arith.index_cast %parallel_loop3A_552 : i32 to index
        %parallel_loop3A_624 = arith.constant 16 : index
        %parallel_loop3A_625 = tpu.vector_load %arg18[%parallel_loop3A_623, %parallel_loop3A_624] {strides = array<i32>} : memref<80x128xf32, #tpu.memory_space<vmem>>, vector<16xf32>,
        tpu.vector_store %arg18[%parallel_loop3A_623, %parallel_loop3A_624], %parallel_loop3A_622 {strides = array<i32>} : memref<80x128xf32, #tpu.memory_space<vmem>>, vector<16xf32>,
        %parallel_loop3A_626 = arith.index_cast %parallel_loop3A_552 : i32 to index
        %parallel_loop3A_627 = arith.constant 32 : index
        %parallel_loop3A_628 = tpu.vector_load %arg18[%parallel_loop3A_626, %parallel_loop3A_627] {strides = array<i32>} : memref<80x128xf32, #tpu.memory_space<vmem>>, vector<16xf32>,
        %parallel_loop3A_629 = arith.mulf %parallel_loop3A_628, %parallel_loop3A_601 : vector<16xf32>
        %parallel_loop3A_630 = arith.mulf %parallel_loop3A_599, %parallel_loop3A_563 : vector<16xf32>
        %parallel_loop3A_631 = arith.addf %parallel_loop3A_629, %parallel_loop3A_630 : vector<16xf32>
        %parallel_loop3A_632 = arith.constant 0.000000e+00 : f32
        %parallel_loop3A_633 = vector.broadcast %parallel_loop3A_632 : f32 to vector<16xf32>
        %parallel_loop3A_634 = arith.maximumf %parallel_loop3A_631, %parallel_loop3A_633 : vector<16xf32>
        %parallel_loop3A_635 = arith.index_cast %parallel_loop3A_552 : i32 to index
        %parallel_loop3A_636 = arith.constant 32 : index
        %parallel_loop3A_637 = tpu.vector_load %arg18[%parallel_loop3A_635, %parallel_loop3A_636] {strides = array<i32>} : memref<80x128xf32, #tpu.memory_space<vmem>>, vector<16xf32>,
        tpu.vector_store %arg18[%parallel_loop3A_635, %parallel_loop3A_636], %parallel_loop3A_634 {strides = array<i32>} : memref<80x128xf32, #tpu.memory_space<vmem>>, vector<16xf32>,
        %parallel_loop3A_638 = arith.index_cast %parallel_loop3A_552 : i32 to index
        %parallel_loop3A_639 = arith.constant 48 : index
        %parallel_loop3A_640 = tpu.vector_load %arg18[%parallel_loop3A_638, %parallel_loop3A_639] {strides = array<i32>} : memref<80x128xf32, #tpu.memory_space<vmem>>, vector<16xf32>,
        %parallel_loop3A_641 = arith.mulf %parallel_loop3A_640, %parallel_loop3A_601 : vector<16xf32>
        %parallel_loop3A_642 = arith.mulf %parallel_loop3A_599, %parallel_loop3A_566 : vector<16xf32>
        %parallel_loop3A_643 = arith.addf %parallel_loop3A_641, %parallel_loop3A_642 : vector<16xf32>
        %parallel_loop3A_644 = arith.constant 0.000000e+00 : f32
        %parallel_loop3A_645 = vector.broadcast %parallel_loop3A_644 : f32 to vector<16xf32>
        %parallel_loop3A_646 = arith.maximumf %parallel_loop3A_643, %parallel_loop3A_645 : vector<16xf32>
        %parallel_loop3A_647 = arith.index_cast %parallel_loop3A_552 : i32 to index
        %parallel_loop3A_648 = arith.constant 48 : index
        %parallel_loop3A_649 = tpu.vector_load %arg18[%parallel_loop3A_647, %parallel_loop3A_648] {strides = array<i32>} : memref<80x128xf32, #tpu.memory_space<vmem>>, vector<16xf32>,
        tpu.vector_store %arg18[%parallel_loop3A_647, %parallel_loop3A_648], %parallel_loop3A_646 {strides = array<i32>} : memref<80x128xf32, #tpu.memory_space<vmem>>, vector<16xf32>,
        %parallel_loop3A_650 = arith.index_cast %parallel_loop3A_552 : i32 to index
        %parallel_loop3A_651 = arith.constant 64 : index
        %parallel_loop3A_652 = tpu.vector_load %arg18[%parallel_loop3A_650, %parallel_loop3A_651] {strides = array<i32>} : memref<80x128xf32, #tpu.memory_space<vmem>>, vector<16xf32>,
        %parallel_loop3A_653 = arith.mulf %parallel_loop3A_652, %parallel_loop3A_601 : vector<16xf32>
        %parallel_loop3A_654 = arith.mulf %parallel_loop3A_599, %parallel_loop3A_569 : vector<16xf32>
        %parallel_loop3A_655 = arith.addf %parallel_loop3A_653, %parallel_loop3A_654 : vector<16xf32>
        %parallel_loop3A_656 = arith.constant 0.000000e+00 : f32
        %parallel_loop3A_657 = vector.broadcast %parallel_loop3A_656 : f32 to vector<16xf32>
        %parallel_loop3A_658 = arith.maximumf %parallel_loop3A_655, %parallel_loop3A_657 : vector<16xf32>
        %parallel_loop3A_659 = arith.index_cast %parallel_loop3A_552 : i32 to index
        %parallel_loop3A_660 = arith.constant 64 : index
        %parallel_loop3A_661 = tpu.vector_load %arg18[%parallel_loop3A_659, %parallel_loop3A_660] {strides = array<i32>} : memref<80x128xf32, #tpu.memory_space<vmem>>, vector<16xf32>,
        tpu.vector_store %arg18[%parallel_loop3A_659, %parallel_loop3A_660], %parallel_loop3A_658 {strides = array<i32>} : memref<80x128xf32, #tpu.memory_space<vmem>>, vector<16xf32>,
        %parallel_loop3A_662 = arith.index_cast %parallel_loop3A_552 : i32 to index
        %parallel_loop3A_663 = arith.constant 80 : index
        %parallel_loop3A_664 = tpu.vector_load %arg18[%parallel_loop3A_662, %parallel_loop3A_663] {strides = array<i32>} : memref<80x128xf32, #tpu.memory_space<vmem>>, vector<16xf32>,
        %parallel_loop3A_665 = arith.mulf %parallel_loop3A_664, %parallel_loop3A_601 : vector<16xf32>
        %parallel_loop3A_666 = arith.mulf %parallel_loop3A_599, %parallel_loop3A_572 : vector<16xf32>
        %parallel_loop3A_667 = arith.addf %parallel_loop3A_665, %parallel_loop3A_666 : vector<16xf32>
        %parallel_loop3A_668 = arith.constant 0.000000e+00 : f32
        %parallel_loop3A_669 = vector.broadcast %parallel_loop3A_668 : f32 to vector<16xf32>
        %parallel_loop3A_670 = arith.maximumf %parallel_loop3A_667, %parallel_loop3A_669 : vector<16xf32>
        %parallel_loop3A_671 = arith.index_cast %parallel_loop3A_552 : i32 to index
        %parallel_loop3A_672 = arith.constant 80 : index
        %parallel_loop3A_673 = tpu.vector_load %arg18[%parallel_loop3A_671, %parallel_loop3A_672] {strides = array<i32>} : memref<80x128xf32, #tpu.memory_space<vmem>>, vector<16xf32>,
        tpu.vector_store %arg18[%parallel_loop3A_671, %parallel_loop3A_672], %parallel_loop3A_670 {strides = array<i32>} : memref<80x128xf32, #tpu.memory_space<vmem>>, vector<16xf32>,
        %parallel_loop3A_674 = arith.index_cast %parallel_loop3A_552 : i32 to index
        %parallel_loop3A_675 = arith.constant 96 : index
        %parallel_loop3A_676 = tpu.vector_load %arg18[%parallel_loop3A_674, %parallel_loop3A_675] {strides = array<i32>} : memref<80x128xf32, #tpu.memory_space<vmem>>, vector<16xf32>,
        %parallel_loop3A_677 = arith.mulf %parallel_loop3A_676, %parallel_loop3A_601 : vector<16xf32>
        %parallel_loop3A_678 = arith.mulf %parallel_loop3A_599, %parallel_loop3A_575 : vector<16xf32>
        %parallel_loop3A_679 = arith.addf %parallel_loop3A_677, %parallel_loop3A_678 : vector<16xf32>
        %parallel_loop3A_680 = arith.constant 0.000000e+00 : f32
        %parallel_loop3A_681 = vector.broadcast %parallel_loop3A_680 : f32 to vector<16xf32>
        %parallel_loop3A_682 = arith.maximumf %parallel_loop3A_679, %parallel_loop3A_681 : vector<16xf32>
        %parallel_loop3A_683 = arith.index_cast %parallel_loop3A_552 : i32 to index
        %parallel_loop3A_684 = arith.constant 96 : index
        %parallel_loop3A_685 = tpu.vector_load %arg18[%parallel_loop3A_683, %parallel_loop3A_684] {strides = array<i32>} : memref<80x128xf32, #tpu.memory_space<vmem>>, vector<16xf32>,
        tpu.vector_store %arg18[%parallel_loop3A_683, %parallel_loop3A_684], %parallel_loop3A_682 {strides = array<i32>} : memref<80x128xf32, #tpu.memory_space<vmem>>, vector<16xf32>,
        %parallel_loop3A_686 = arith.index_cast %parallel_loop3A_552 : i32 to index
        %parallel_loop3A_687 = arith.constant 112 : index
        %parallel_loop3A_688 = tpu.vector_load %arg18[%parallel_loop3A_686, %parallel_loop3A_687] {strides = array<i32>} : memref<80x128xf32, #tpu.memory_space<vmem>>, vector<16xf32>,
        %parallel_loop3A_689 = arith.mulf %parallel_loop3A_688, %parallel_loop3A_601 : vector<16xf32>
        %parallel_loop3A_690 = arith.mulf %parallel_loop3A_599, %parallel_loop3A_578 : vector<16xf32>
        %parallel_loop3A_691 = arith.addf %parallel_loop3A_689, %parallel_loop3A_690 : vector<16xf32>
        %parallel_loop3A_692 = arith.constant 0.000000e+00 : f32
        %parallel_loop3A_693 = vector.broadcast %parallel_loop3A_692 : f32 to vector<16xf32>
        %parallel_loop3A_694 = arith.maximumf %parallel_loop3A_691, %parallel_loop3A_693 : vector<16xf32>
        %parallel_loop3A_695 = arith.index_cast %parallel_loop3A_552 : i32 to index
        %parallel_loop3A_696 = arith.constant 112 : index
        %parallel_loop3A_697 = tpu.vector_load %arg18[%parallel_loop3A_695, %parallel_loop3A_696] {strides = array<i32>} : memref<80x128xf32, #tpu.memory_space<vmem>>, vector<16xf32>,
        tpu.vector_store %arg18[%parallel_loop3A_695, %parallel_loop3A_696], %parallel_loop3A_694 {strides = array<i32>} : memref<80x128xf32, #tpu.memory_space<vmem>>, vector<16xf32>,
        tpu.vector_store_idx %arg20[%broadcast_in_dim3A_5, %parallel_loop3A_554], %parallel_loop3A_599 masked %eq3A_7 : memref<1x80xf32, #tpu.memory_space<vmem>>[vector<16xi32>, vector<16xi32>], vector<16xf32>, vector<16xi1>
      } {sc.loop_unroll_factor = 2 : i64, sc.parallel_access}
      %dma_start3A_536 = arith.constant 1 : i32
      %dma_start3A_537 = arith.constant 0 : i32
      %dma_start3A_538 = tpu.memref_slice %arg14[%dma_start3A_536, %dma_start3A_537] : memref<3x80xi32, #tpu.memory_space<vmem>> -> memref<1x80xi32, #tpu.memory_space<vmem>>
      %dma_start3A_539 = tpu.memref_squeeze %dma_start3A_538 : memref<1x80xi32, #tpu.memory_space<vmem>> -> memref<80xi32, #tpu.memory_space<vmem>>
      %dma_start3A_540 = arith.constant 0 : i32
      %dma_start3A_541 = arith.constant 0 : i32
      %dma_start3A_542 = tpu.memref_slice %arg10[%dma_start3A_540, %dma_start3A_541] : memref<10000x128xf32, #tpu.memory_space<vmem_shared>> -> memref<10000x128xf32, #tpu.memory_space<vmem_shared>>
      tpu.enqueue_indirect_dma source(%arg18 : memref<80x128xf32, #tpu.memory_space<vmem>>) target(%dma_start3A_542 : memref<10000x128xf32, #tpu.memory_space<vmem_shared>>) offsets(%dma_start3A_539 : memref<80xi32, #tpu.memory_space<vmem>>) semaphore(%arg30 : memref<!tpu.dma_semaphore, #tpu.memory_space<semaphore_mem>>) {add = true}
      %add3A_543 = arith.addi %mul3A_2, %add3A_458 : i32
      %dma_start3A_544 = arith.constant 0 : i32
      %dma_start3A_545 = arith.constant 0 : i32
      %dma_start3A_546 = tpu.memref_slice %arg9[%add3A_543, %dma_start3A_544, %dma_start3A_545] : memref<4000x1x80xf32, #tpu.memory_space<hbm>> -> memref<1x1x80xf32, #tpu.memory_space<hbm>>
      %dma_start3A_547 = tpu.memref_squeeze %dma_start3A_546 : memref<1x1x80xf32, #tpu.memory_space<hbm>> -> memref<1x80xf32, #tpu.memory_space<hbm>>
      %dma_start3A_548 = arith.constant 0 : i32
      %dma_start3A_549 = arith.constant 0 : i32
      %dma_start3A_550 = tpu.memref_slice %arg9[%add3A_543, %dma_start3A_548, %dma_start3A_549] : memref<4000x1x80xf32, #tpu.memory_space<hbm>> -> memref<1x1x80xf32, #tpu.memory_space<hbm>>
      %dma_start3A_551 = tpu.memref_squeeze %dma_start3A_550 : memref<1x1x80xf32, #tpu.memory_space<hbm>> -> memref<1x80xf32, #tpu.memory_space<hbm>>
      tpu.enqueue_dma source(%arg20 : memref<1x80xf32, #tpu.memory_space<vmem>>) target(%dma_start3A_551 : memref<1x80xf32, #tpu.memory_space<hbm>>) target_semaphore(%arg32 : memref<!tpu.dma_semaphore, #tpu.memory_space<semaphore_mem>>)
    }
    %scan3A_65 = arith.constant 31 : i32
    %dma_wait3A_66 = arith.constant 0 : i32
    %dma_wait3A_67 = arith.constant 0 : i32
    %dma_wait3A_68 = tpu.memref_slice %arg10[%dma_wait3A_66, %dma_wait3A_67] : memref<10000x128xf32, #tpu.memory_space<vmem_shared>> -> memref<80x128xf32, #tpu.memory_space<vmem_shared>>
    %dma_wait3A_69 = arith.constant 0 : i32
    %dma_wait3A_70 = arith.constant 0 : i32
    %dma_wait3A_71 = tpu.memref_slice %arg10[%dma_wait3A_69, %dma_wait3A_70] : memref<10000x128xf32, #tpu.memory_space<vmem_shared>> -> memref<80x128xf32, #tpu.memory_space<vmem_shared>>
    tpu.wait_dma2 semaphore(%arg30 : memref<!tpu.dma_semaphore, #tpu.memory_space<semaphore_mem>>) src(%arg18 : memref<80x128xf32, #tpu.memory_space<vmem>>) dst(%dma_wait3A_71 : memref<80x128xf32, #tpu.memory_space<vmem_shared>>)
    %dma_wait3A_72 = arith.constant 0 : i32
    %dma_wait3A_73 = arith.constant 0 : i32
    %dma_wait3A_74 = tpu.memref_slice %arg4[%dma_wait3A_72, %dma_wait3A_73] : memref<320000x128xf32, #tpu.memory_space<hbm>> -> memref<80x128xf32, #tpu.memory_space<hbm>>
    %dma_wait3A_75 = arith.constant 0 : i32
    %dma_wait3A_76 = arith.constant 0 : i32
    %dma_wait3A_77 = tpu.memref_slice %arg4[%dma_wait3A_75, %dma_wait3A_76] : memref<320000x128xf32, #tpu.memory_space<hbm>> -> memref<80x128xf32, #tpu.memory_space<hbm>>
    tpu.wait_dma2 semaphore(%arg25 : memref<!tpu.dma_semaphore, #tpu.memory_space<semaphore_mem>>) src(%dma_wait3A_77 : memref<80x128xf32, #tpu.memory_space<hbm>>) dst(%arg17 : memref<80x128xf32, #tpu.memory_space<vmem>>)
    %dma_wait3A_78 = arith.constant 0 : i32
    %dma_wait3A_79 = arith.constant 0 : i32
    %dma_wait3A_80 = tpu.memref_slice %arg4[%dma_wait3A_78, %dma_wait3A_79] : memref<320000x128xf32, #tpu.memory_space<hbm>> -> memref<80x128xf32, #tpu.memory_space<hbm>>
    %dma_wait3A_81 = arith.constant 0 : i32
    %dma_wait3A_82 = arith.constant 0 : i32
    %dma_wait3A_83 = tpu.memref_slice %arg4[%dma_wait3A_81, %dma_wait3A_82] : memref<320000x128xf32, #tpu.memory_space<hbm>> -> memref<80x128xf32, #tpu.memory_space<hbm>>
    tpu.wait_dma2 semaphore(%arg27 : memref<!tpu.dma_semaphore, #tpu.memory_space<semaphore_mem>>) src(%dma_wait3A_83 : memref<80x128xf32, #tpu.memory_space<hbm>>) dst(%arg15 : memref<80x128xf32, #tpu.memory_space<vmem>>)
    %dma_wait3A_84 = arith.constant 0 : i32
    %dma_wait3A_85 = arith.constant 0 : i32
    %dma_wait3A_86 = arith.constant 0 : i32
    %dma_wait3A_87 = tpu.memref_slice %arg9[%dma_wait3A_84, %dma_wait3A_85, %dma_wait3A_86] : memref<4000x1x80xf32, #tpu.memory_space<hbm>> -> memref<1x1x80xf32, #tpu.memory_space<hbm>>
    %dma_wait3A_88 = tpu.memref_squeeze %dma_wait3A_87 : memref<1x1x80xf32, #tpu.memory_space<hbm>> -> memref<1x80xf32, #tpu.memory_space<hbm>>
    %dma_wait3A_89 = arith.constant 0 : i32
    %dma_wait3A_90 = arith.constant 0 : i32
    %dma_wait3A_91 = tpu.memref_slice %arg9[%dma_wait3A_84, %dma_wait3A_89, %dma_wait3A_90] : memref<4000x1x80xf32, #tpu.memory_space<hbm>> -> memref<1x1x80xf32, #tpu.memory_space<hbm>>
    %dma_wait3A_92 = tpu.memref_squeeze %dma_wait3A_91 : memref<1x1x80xf32, #tpu.memory_space<hbm>> -> memref<1x80xf32, #tpu.memory_space<hbm>>
    tpu.wait_dma2 semaphore(%arg31 : memref<!tpu.dma_semaphore, #tpu.memory_space<semaphore_mem>>) src(%arg19 : memref<1x80xf32, #tpu.memory_space<vmem>>) dst(%dma_wait3A_92 : memref<1x80xf32, #tpu.memory_space<hbm>>)
    %get3A = arith.constant 0 : index
    %get3A_93 = tpu.vector_load %arg21[%get3A] {strides = array<i32>} : memref<128xf32, #tpu.memory_space<vmem>>, vector<16xf32>,
    %get3A_94 = arith.constant 16 : index
    %get3A_95 = tpu.vector_load %arg21[%get3A_94] {strides = array<i32>} : memref<128xf32, #tpu.memory_space<vmem>>, vector<16xf32>,
    %get3A_96 = arith.constant 32 : index
    %get3A_97 = tpu.vector_load %arg21[%get3A_96] {strides = array<i32>} : memref<128xf32, #tpu.memory_space<vmem>>, vector<16xf32>,
    %get3A_98 = arith.constant 48 : index
    %get3A_99 = tpu.vector_load %arg21[%get3A_98] {strides = array<i32>} : memref<128xf32, #tpu.memory_space<vmem>>, vector<16xf32>,
    %get3A_100 = arith.constant 64 : index
    %get3A_101 = tpu.vector_load %arg21[%get3A_100] {strides = array<i32>} : memref<128xf32, #tpu.memory_space<vmem>>, vector<16xf32>,
    %get3A_102 = arith.constant 80 : index
    %get3A_103 = tpu.vector_load %arg21[%get3A_102] {strides = array<i32>} : memref<128xf32, #tpu.memory_space<vmem>>, vector<16xf32>,
    %get3A_104 = arith.constant 96 : index
    %get3A_105 = tpu.vector_load %arg21[%get3A_104] {strides = array<i32>} : memref<128xf32, #tpu.memory_space<vmem>>, vector<16xf32>,
    %get3A_106 = arith.constant 112 : index
    %get3A_107 = tpu.vector_load %arg21[%get3A_106] {strides = array<i32>} : memref<128xf32, #tpu.memory_space<vmem>>, vector<16xf32>,
    %get3A_108 = arith.constant 0 : index
    %get3A_109 = tpu.vector_load %arg22[%get3A_108] {strides = array<i32>} : memref<16xf32, #tpu.memory_space<vmem>>, vector<16xf32>,
    %parallel_loop3A = arith.constant 0 : i32
    %parallel_loop3A_110 = arith.constant 80 : i32
    %parallel_loop3A_111 = arith.constant 1 : i32
    scf.for %parallel_loop3A_157 = %parallel_loop3A to %parallel_loop3A_110 step %parallel_loop3A_111  : i32 {
      %parallel_loop3A_158 = vector.broadcast %parallel_loop3A_157 : i32 to vector<16xi32>
      %parallel_loop3A_159 = arith.addi %broadcast_in_dim3A_5, %parallel_loop3A_158 : vector<16xi32>
      %parallel_loop3A_160 = arith.index_cast %parallel_loop3A_157 : i32 to index
      %parallel_loop3A_161 = arith.constant 0 : index
      %parallel_loop3A_162 = tpu.vector_load %arg15[%parallel_loop3A_160, %parallel_loop3A_161] {strides = array<i32>} : memref<80x128xf32, #tpu.memory_space<vmem>>, vector<16xf32>,
      %parallel_loop3A_163 = arith.index_cast %parallel_loop3A_157 : i32 to index
      %parallel_loop3A_164 = arith.constant 16 : index
      %parallel_loop3A_165 = tpu.vector_load %arg15[%parallel_loop3A_163, %parallel_loop3A_164] {strides = array<i32>} : memref<80x128xf32, #tpu.memory_space<vmem>>, vector<16xf32>,
      %parallel_loop3A_166 = arith.index_cast %parallel_loop3A_157 : i32 to index
      %parallel_loop3A_167 = arith.constant 32 : index
      %parallel_loop3A_168 = tpu.vector_load %arg15[%parallel_loop3A_166, %parallel_loop3A_167] {strides = array<i32>} : memref<80x128xf32, #tpu.memory_space<vmem>>, vector<16xf32>,
      %parallel_loop3A_169 = arith.index_cast %parallel_loop3A_157 : i32 to index
      %parallel_loop3A_170 = arith.constant 48 : index
      %parallel_loop3A_171 = tpu.vector_load %arg15[%parallel_loop3A_169, %parallel_loop3A_170] {strides = array<i32>} : memref<80x128xf32, #tpu.memory_space<vmem>>, vector<16xf32>,
      %parallel_loop3A_172 = arith.index_cast %parallel_loop3A_157 : i32 to index
      %parallel_loop3A_173 = arith.constant 64 : index
      %parallel_loop3A_174 = tpu.vector_load %arg15[%parallel_loop3A_172, %parallel_loop3A_173] {strides = array<i32>} : memref<80x128xf32, #tpu.memory_space<vmem>>, vector<16xf32>,
      %parallel_loop3A_175 = arith.index_cast %parallel_loop3A_157 : i32 to index
      %parallel_loop3A_176 = arith.constant 80 : index
      %parallel_loop3A_177 = tpu.vector_load %arg15[%parallel_loop3A_175, %parallel_loop3A_176] {strides = array<i32>} : memref<80x128xf32, #tpu.memory_space<vmem>>, vector<16xf32>,
      %parallel_loop3A_178 = arith.index_cast %parallel_loop3A_157 : i32 to index
      %parallel_loop3A_179 = arith.constant 96 : index
      %parallel_loop3A_180 = tpu.vector_load %arg15[%parallel_loop3A_178, %parallel_loop3A_179] {strides = array<i32>} : memref<80x128xf32, #tpu.memory_space<vmem>>, vector<16xf32>,
      %parallel_loop3A_181 = arith.index_cast %parallel_loop3A_157 : i32 to index
      %parallel_loop3A_182 = arith.constant 112 : index
      %parallel_loop3A_183 = tpu.vector_load %arg15[%parallel_loop3A_181, %parallel_loop3A_182] {strides = array<i32>} : memref<80x128xf32, #tpu.memory_space<vmem>>, vector<16xf32>,
      %parallel_loop3A_184 = arith.mulf %parallel_loop3A_162, %get3A_93 : vector<16xf32>
      %parallel_loop3A_185 = arith.mulf %parallel_loop3A_165, %get3A_95 : vector<16xf32>
      %parallel_loop3A_186 = arith.mulf %parallel_loop3A_168, %get3A_97 : vector<16xf32>
      %parallel_loop3A_187 = arith.mulf %parallel_loop3A_171, %get3A_99 : vector<16xf32>
      %parallel_loop3A_188 = arith.mulf %parallel_loop3A_174, %get3A_101 : vector<16xf32>
      %parallel_loop3A_189 = arith.mulf %parallel_loop3A_177, %get3A_103 : vector<16xf32>
      %parallel_loop3A_190 = arith.mulf %parallel_loop3A_180, %get3A_105 : vector<16xf32>
      %parallel_loop3A_191 = arith.mulf %parallel_loop3A_183, %get3A_107 : vector<16xf32>
      %parallel_loop3A_192 = arith.addf %parallel_loop3A_184, %parallel_loop3A_185 : vector<16xf32>
      %parallel_loop3A_193 = arith.addf %parallel_loop3A_186, %parallel_loop3A_187 : vector<16xf32>
      %parallel_loop3A_194 = arith.addf %parallel_loop3A_192, %parallel_loop3A_193 : vector<16xf32>
      %parallel_loop3A_195 = arith.addf %parallel_loop3A_188, %parallel_loop3A_189 : vector<16xf32>
      %parallel_loop3A_196 = arith.addf %parallel_loop3A_190, %parallel_loop3A_191 : vector<16xf32>
      %parallel_loop3A_197 = arith.addf %parallel_loop3A_195, %parallel_loop3A_196 : vector<16xf32>
      %parallel_loop3A_198 = arith.addf %parallel_loop3A_194, %parallel_loop3A_197 : vector<16xf32>
      %parallel_loop3A_199 = arith.constant true
      %parallel_loop3A_200 = vector.broadcast %parallel_loop3A_199 : i1 to vector<16xi1>
      %parallel_loop3A_201 = tpu.scan <sum>, %parallel_loop3A_198 masked %parallel_loop3A_200 : vector<16xf32>, vector<16xi1> -> vector<16xf32>
      %parallel_loop3A_202 = vector.extract %parallel_loop3A_201[15] : f32 from vector<16xf32>
      %parallel_loop3A_203 = vector.broadcast %parallel_loop3A_202 : f32 to vector<16xf32>
      %parallel_loop3A_204 = arith.addf %parallel_loop3A_203, %get3A_109 : vector<16xf32>
      %parallel_loop3A_205 = tpu.vector_load_idx %arg11[%add3A_10, %parallel_loop3A_159] : memref<3x80xi32, #tpu.memory_space<vmem>>[vector<16xi32>, vector<16xi32>], vector<16xi32>,
      %parallel_loop3A_206 = vector.bitcast %parallel_loop3A_205 : vector<16xi32> to vector<16xf32>
      %parallel_loop3A_207 = arith.index_cast %parallel_loop3A_157 : i32 to index
      %parallel_loop3A_208 = arith.constant 0 : index
      %parallel_loop3A_209 = tpu.vector_load %arg17[%parallel_loop3A_207, %parallel_loop3A_208] {strides = array<i32>} : memref<80x128xf32, #tpu.memory_space<vmem>>, vector<16xf32>,
      %parallel_loop3A_210 = arith.mulf %parallel_loop3A_209, %parallel_loop3A_206 : vector<16xf32>
      %parallel_loop3A_211 = arith.mulf %parallel_loop3A_204, %parallel_loop3A_162 : vector<16xf32>
      %parallel_loop3A_212 = arith.addf %parallel_loop3A_210, %parallel_loop3A_211 : vector<16xf32>
      %parallel_loop3A_213 = arith.constant 0.000000e+00 : f32
      %parallel_loop3A_214 = vector.broadcast %parallel_loop3A_213 : f32 to vector<16xf32>
      %parallel_loop3A_215 = arith.maximumf %parallel_loop3A_212, %parallel_loop3A_214 : vector<16xf32>
      %parallel_loop3A_216 = arith.index_cast %parallel_loop3A_157 : i32 to index
      %parallel_loop3A_217 = arith.constant 0 : index
      %parallel_loop3A_218 = tpu.vector_load %arg17[%parallel_loop3A_216, %parallel_loop3A_217] {strides = array<i32>} : memref<80x128xf32, #tpu.memory_space<vmem>>, vector<16xf32>,
      tpu.vector_store %arg17[%parallel_loop3A_216, %parallel_loop3A_217], %parallel_loop3A_215 {strides = array<i32>} : memref<80x128xf32, #tpu.memory_space<vmem>>, vector<16xf32>,
      %parallel_loop3A_219 = arith.index_cast %parallel_loop3A_157 : i32 to index
      %parallel_loop3A_220 = arith.constant 16 : index
      %parallel_loop3A_221 = tpu.vector_load %arg17[%parallel_loop3A_219, %parallel_loop3A_220] {strides = array<i32>} : memref<80x128xf32, #tpu.memory_space<vmem>>, vector<16xf32>,
      %parallel_loop3A_222 = arith.mulf %parallel_loop3A_221, %parallel_loop3A_206 : vector<16xf32>
      %parallel_loop3A_223 = arith.mulf %parallel_loop3A_204, %parallel_loop3A_165 : vector<16xf32>
      %parallel_loop3A_224 = arith.addf %parallel_loop3A_222, %parallel_loop3A_223 : vector<16xf32>
      %parallel_loop3A_225 = arith.constant 0.000000e+00 : f32
      %parallel_loop3A_226 = vector.broadcast %parallel_loop3A_225 : f32 to vector<16xf32>
      %parallel_loop3A_227 = arith.maximumf %parallel_loop3A_224, %parallel_loop3A_226 : vector<16xf32>
      %parallel_loop3A_228 = arith.index_cast %parallel_loop3A_157 : i32 to index
      %parallel_loop3A_229 = arith.constant 16 : index
      %parallel_loop3A_230 = tpu.vector_load %arg17[%parallel_loop3A_228, %parallel_loop3A_229] {strides = array<i32>} : memref<80x128xf32, #tpu.memory_space<vmem>>, vector<16xf32>,
      tpu.vector_store %arg17[%parallel_loop3A_228, %parallel_loop3A_229], %parallel_loop3A_227 {strides = array<i32>} : memref<80x128xf32, #tpu.memory_space<vmem>>, vector<16xf32>,
      %parallel_loop3A_231 = arith.index_cast %parallel_loop3A_157 : i32 to index
      %parallel_loop3A_232 = arith.constant 32 : index
      %parallel_loop3A_233 = tpu.vector_load %arg17[%parallel_loop3A_231, %parallel_loop3A_232] {strides = array<i32>} : memref<80x128xf32, #tpu.memory_space<vmem>>, vector<16xf32>,
      %parallel_loop3A_234 = arith.mulf %parallel_loop3A_233, %parallel_loop3A_206 : vector<16xf32>
      %parallel_loop3A_235 = arith.mulf %parallel_loop3A_204, %parallel_loop3A_168 : vector<16xf32>
      %parallel_loop3A_236 = arith.addf %parallel_loop3A_234, %parallel_loop3A_235 : vector<16xf32>
      %parallel_loop3A_237 = arith.constant 0.000000e+00 : f32
      %parallel_loop3A_238 = vector.broadcast %parallel_loop3A_237 : f32 to vector<16xf32>
      %parallel_loop3A_239 = arith.maximumf %parallel_loop3A_236, %parallel_loop3A_238 : vector<16xf32>
      %parallel_loop3A_240 = arith.index_cast %parallel_loop3A_157 : i32 to index
      %parallel_loop3A_241 = arith.constant 32 : index
      %parallel_loop3A_242 = tpu.vector_load %arg17[%parallel_loop3A_240, %parallel_loop3A_241] {strides = array<i32>} : memref<80x128xf32, #tpu.memory_space<vmem>>, vector<16xf32>,
      tpu.vector_store %arg17[%parallel_loop3A_240, %parallel_loop3A_241], %parallel_loop3A_239 {strides = array<i32>} : memref<80x128xf32, #tpu.memory_space<vmem>>, vector<16xf32>,
      %parallel_loop3A_243 = arith.index_cast %parallel_loop3A_157 : i32 to index
      %parallel_loop3A_244 = arith.constant 48 : index
      %parallel_loop3A_245 = tpu.vector_load %arg17[%parallel_loop3A_243, %parallel_loop3A_244] {strides = array<i32>} : memref<80x128xf32, #tpu.memory_space<vmem>>, vector<16xf32>,
      %parallel_loop3A_246 = arith.mulf %parallel_loop3A_245, %parallel_loop3A_206 : vector<16xf32>
      %parallel_loop3A_247 = arith.mulf %parallel_loop3A_204, %parallel_loop3A_171 : vector<16xf32>
      %parallel_loop3A_248 = arith.addf %parallel_loop3A_246, %parallel_loop3A_247 : vector<16xf32>
      %parallel_loop3A_249 = arith.constant 0.000000e+00 : f32
      %parallel_loop3A_250 = vector.broadcast %parallel_loop3A_249 : f32 to vector<16xf32>
      %parallel_loop3A_251 = arith.maximumf %parallel_loop3A_248, %parallel_loop3A_250 : vector<16xf32>
      %parallel_loop3A_252 = arith.index_cast %parallel_loop3A_157 : i32 to index
      %parallel_loop3A_253 = arith.constant 48 : index
      %parallel_loop3A_254 = tpu.vector_load %arg17[%parallel_loop3A_252, %parallel_loop3A_253] {strides = array<i32>} : memref<80x128xf32, #tpu.memory_space<vmem>>, vector<16xf32>,
      tpu.vector_store %arg17[%parallel_loop3A_252, %parallel_loop3A_253], %parallel_loop3A_251 {strides = array<i32>} : memref<80x128xf32, #tpu.memory_space<vmem>>, vector<16xf32>,
      %parallel_loop3A_255 = arith.index_cast %parallel_loop3A_157 : i32 to index
      %parallel_loop3A_256 = arith.constant 64 : index
      %parallel_loop3A_257 = tpu.vector_load %arg17[%parallel_loop3A_255, %parallel_loop3A_256] {strides = array<i32>} : memref<80x128xf32, #tpu.memory_space<vmem>>, vector<16xf32>,
      %parallel_loop3A_258 = arith.mulf %parallel_loop3A_257, %parallel_loop3A_206 : vector<16xf32>
      %parallel_loop3A_259 = arith.mulf %parallel_loop3A_204, %parallel_loop3A_174 : vector<16xf32>
      %parallel_loop3A_260 = arith.addf %parallel_loop3A_258, %parallel_loop3A_259 : vector<16xf32>
      %parallel_loop3A_261 = arith.constant 0.000000e+00 : f32
      %parallel_loop3A_262 = vector.broadcast %parallel_loop3A_261 : f32 to vector<16xf32>
      %parallel_loop3A_263 = arith.maximumf %parallel_loop3A_260, %parallel_loop3A_262 : vector<16xf32>
      %parallel_loop3A_264 = arith.index_cast %parallel_loop3A_157 : i32 to index
      %parallel_loop3A_265 = arith.constant 64 : index
      %parallel_loop3A_266 = tpu.vector_load %arg17[%parallel_loop3A_264, %parallel_loop3A_265] {strides = array<i32>} : memref<80x128xf32, #tpu.memory_space<vmem>>, vector<16xf32>,
      tpu.vector_store %arg17[%parallel_loop3A_264, %parallel_loop3A_265], %parallel_loop3A_263 {strides = array<i32>} : memref<80x128xf32, #tpu.memory_space<vmem>>, vector<16xf32>,
      %parallel_loop3A_267 = arith.index_cast %parallel_loop3A_157 : i32 to index
      %parallel_loop3A_268 = arith.constant 80 : index
      %parallel_loop3A_269 = tpu.vector_load %arg17[%parallel_loop3A_267, %parallel_loop3A_268] {strides = array<i32>} : memref<80x128xf32, #tpu.memory_space<vmem>>, vector<16xf32>,
      %parallel_loop3A_270 = arith.mulf %parallel_loop3A_269, %parallel_loop3A_206 : vector<16xf32>
      %parallel_loop3A_271 = arith.mulf %parallel_loop3A_204, %parallel_loop3A_177 : vector<16xf32>
      %parallel_loop3A_272 = arith.addf %parallel_loop3A_270, %parallel_loop3A_271 : vector<16xf32>
      %parallel_loop3A_273 = arith.constant 0.000000e+00 : f32
      %parallel_loop3A_274 = vector.broadcast %parallel_loop3A_273 : f32 to vector<16xf32>
      %parallel_loop3A_275 = arith.maximumf %parallel_loop3A_272, %parallel_loop3A_274 : vector<16xf32>
      %parallel_loop3A_276 = arith.index_cast %parallel_loop3A_157 : i32 to index
      %parallel_loop3A_277 = arith.constant 80 : index
      %parallel_loop3A_278 = tpu.vector_load %arg17[%parallel_loop3A_276, %parallel_loop3A_277] {strides = array<i32>} : memref<80x128xf32, #tpu.memory_space<vmem>>, vector<16xf32>,
      tpu.vector_store %arg17[%parallel_loop3A_276, %parallel_loop3A_277], %parallel_loop3A_275 {strides = array<i32>} : memref<80x128xf32, #tpu.memory_space<vmem>>, vector<16xf32>,
      %parallel_loop3A_279 = arith.index_cast %parallel_loop3A_157 : i32 to index
      %parallel_loop3A_280 = arith.constant 96 : index
      %parallel_loop3A_281 = tpu.vector_load %arg17[%parallel_loop3A_279, %parallel_loop3A_280] {strides = array<i32>} : memref<80x128xf32, #tpu.memory_space<vmem>>, vector<16xf32>,
      %parallel_loop3A_282 = arith.mulf %parallel_loop3A_281, %parallel_loop3A_206 : vector<16xf32>
      %parallel_loop3A_283 = arith.mulf %parallel_loop3A_204, %parallel_loop3A_180 : vector<16xf32>
      %parallel_loop3A_284 = arith.addf %parallel_loop3A_282, %parallel_loop3A_283 : vector<16xf32>
      %parallel_loop3A_285 = arith.constant 0.000000e+00 : f32
      %parallel_loop3A_286 = vector.broadcast %parallel_loop3A_285 : f32 to vector<16xf32>
      %parallel_loop3A_287 = arith.maximumf %parallel_loop3A_284, %parallel_loop3A_286 : vector<16xf32>
      %parallel_loop3A_288 = arith.index_cast %parallel_loop3A_157 : i32 to index
      %parallel_loop3A_289 = arith.constant 96 : index
      %parallel_loop3A_290 = tpu.vector_load %arg17[%parallel_loop3A_288, %parallel_loop3A_289] {strides = array<i32>} : memref<80x128xf32, #tpu.memory_space<vmem>>, vector<16xf32>,
      tpu.vector_store %arg17[%parallel_loop3A_288, %parallel_loop3A_289], %parallel_loop3A_287 {strides = array<i32>} : memref<80x128xf32, #tpu.memory_space<vmem>>, vector<16xf32>,
      %parallel_loop3A_291 = arith.index_cast %parallel_loop3A_157 : i32 to index
      %parallel_loop3A_292 = arith.constant 112 : index
      %parallel_loop3A_293 = tpu.vector_load %arg17[%parallel_loop3A_291, %parallel_loop3A_292] {strides = array<i32>} : memref<80x128xf32, #tpu.memory_space<vmem>>, vector<16xf32>,
      %parallel_loop3A_294 = arith.mulf %parallel_loop3A_293, %parallel_loop3A_206 : vector<16xf32>
      %parallel_loop3A_295 = arith.mulf %parallel_loop3A_204, %parallel_loop3A_183 : vector<16xf32>
      %parallel_loop3A_296 = arith.addf %parallel_loop3A_294, %parallel_loop3A_295 : vector<16xf32>
      %parallel_loop3A_297 = arith.constant 0.000000e+00 : f32
      %parallel_loop3A_298 = vector.broadcast %parallel_loop3A_297 : f32 to vector<16xf32>
      %parallel_loop3A_299 = arith.maximumf %parallel_loop3A_296, %parallel_loop3A_298 : vector<16xf32>
      %parallel_loop3A_300 = arith.index_cast %parallel_loop3A_157 : i32 to index
      %parallel_loop3A_301 = arith.constant 112 : index
      %parallel_loop3A_302 = tpu.vector_load %arg17[%parallel_loop3A_300, %parallel_loop3A_301] {strides = array<i32>} : memref<80x128xf32, #tpu.memory_space<vmem>>, vector<16xf32>,
      tpu.vector_store %arg17[%parallel_loop3A_300, %parallel_loop3A_301], %parallel_loop3A_299 {strides = array<i32>} : memref<80x128xf32, #tpu.memory_space<vmem>>, vector<16xf32>,
      tpu.vector_store_idx %arg19[%broadcast_in_dim3A_5, %parallel_loop3A_159], %parallel_loop3A_204 masked %eq3A_7 : memref<1x80xf32, #tpu.memory_space<vmem>>[vector<16xi32>, vector<16xi32>], vector<16xf32>, vector<16xi1>
    } {sc.loop_unroll_factor = 2 : i64, sc.parallel_access}
    %dma_start3A_112 = arith.constant 1 : i32
    %dma_start3A_113 = arith.constant 0 : i32
    %dma_start3A_114 = tpu.memref_slice %arg11[%dma_start3A_112, %dma_start3A_113] : memref<3x80xi32, #tpu.memory_space<vmem>> -> memref<1x80xi32, #tpu.memory_space<vmem>>
    %dma_start3A_115 = tpu.memref_squeeze %dma_start3A_114 : memref<1x80xi32, #tpu.memory_space<vmem>> -> memref<80xi32, #tpu.memory_space<vmem>>
    %dma_start3A_116 = arith.constant 0 : i32
    %dma_start3A_117 = arith.constant 0 : i32
    %dma_start3A_118 = tpu.memref_slice %arg10[%dma_start3A_116, %dma_start3A_117] : memref<10000x128xf32, #tpu.memory_space<vmem_shared>> -> memref<10000x128xf32, #tpu.memory_space<vmem_shared>>
    tpu.enqueue_indirect_dma source(%arg17 : memref<80x128xf32, #tpu.memory_space<vmem>>) target(%dma_start3A_118 : memref<10000x128xf32, #tpu.memory_space<vmem_shared>>) offsets(%dma_start3A_115 : memref<80xi32, #tpu.memory_space<vmem>>) semaphore(%arg29 : memref<!tpu.dma_semaphore, #tpu.memory_space<semaphore_mem>>) {add = true}
    %add3A_119 = arith.constant 124 : i32
    %add3A_120 = arith.addi %mul3A_2, %add3A_119 : i32
    %dma_start3A_121 = arith.constant 0 : i32
    %dma_start3A_122 = arith.constant 0 : i32
    %dma_start3A_123 = tpu.memref_slice %arg9[%add3A_120, %dma_start3A_121, %dma_start3A_122] : memref<4000x1x80xf32, #tpu.memory_space<hbm>> -> memref<1x1x80xf32, #tpu.memory_space<hbm>>
    %dma_start3A_124 = tpu.memref_squeeze %dma_start3A_123 : memref<1x1x80xf32, #tpu.memory_space<hbm>> -> memref<1x80xf32, #tpu.memory_space<hbm>>
    %dma_start3A_125 = arith.constant 0 : i32
    %dma_start3A_126 = arith.constant 0 : i32
    %dma_start3A_127 = tpu.memref_slice %arg9[%add3A_120, %dma_start3A_125, %dma_start3A_126] : memref<4000x1x80xf32, #tpu.memory_space<hbm>> -> memref<1x1x80xf32, #tpu.memory_space<hbm>>
    %dma_start3A_128 = tpu.memref_squeeze %dma_start3A_127 : memref<1x1x80xf32, #tpu.memory_space<hbm>> -> memref<1x80xf32, #tpu.memory_space<hbm>>
    tpu.enqueue_dma source(%arg19 : memref<1x80xf32, #tpu.memory_space<vmem>>) target(%dma_start3A_128 : memref<1x80xf32, #tpu.memory_space<hbm>>) target_semaphore(%arg31 : memref<!tpu.dma_semaphore, #tpu.memory_space<semaphore_mem>>)
    %dma_wait3A_129 = arith.constant 0 : i32
    %dma_wait3A_130 = arith.constant 0 : i32
    %dma_wait3A_131 = tpu.memref_slice %arg10[%dma_wait3A_129, %dma_wait3A_130] : memref<10000x128xf32, #tpu.memory_space<vmem_shared>> -> memref<80x128xf32, #tpu.memory_space<vmem_shared>>
    %dma_wait3A_132 = arith.constant 0 : i32
    %dma_wait3A_133 = arith.constant 0 : i32
    %dma_wait3A_134 = tpu.memref_slice %arg10[%dma_wait3A_132, %dma_wait3A_133] : memref<10000x128xf32, #tpu.memory_space<vmem_shared>> -> memref<80x128xf32, #tpu.memory_space<vmem_shared>>
    tpu.wait_dma2 semaphore(%arg29 : memref<!tpu.dma_semaphore, #tpu.memory_space<semaphore_mem>>) src(%arg17 : memref<80x128xf32, #tpu.memory_space<vmem>>) dst(%dma_wait3A_134 : memref<80x128xf32, #tpu.memory_space<vmem_shared>>)
    %dma_wait3A_135 = arith.constant 0 : i32
    %dma_wait3A_136 = arith.constant 0 : i32
    %dma_wait3A_137 = arith.constant 0 : i32
    %dma_wait3A_138 = tpu.memref_slice %arg9[%dma_wait3A_135, %dma_wait3A_136, %dma_wait3A_137] : memref<4000x1x80xf32, #tpu.memory_space<hbm>> -> memref<1x1x80xf32, #tpu.memory_space<hbm>>
    %dma_wait3A_139 = tpu.memref_squeeze %dma_wait3A_138 : memref<1x1x80xf32, #tpu.memory_space<hbm>> -> memref<1x80xf32, #tpu.memory_space<hbm>>
    %dma_wait3A_140 = arith.constant 0 : i32
    %dma_wait3A_141 = arith.constant 0 : i32
    %dma_wait3A_142 = tpu.memref_slice %arg9[%dma_wait3A_135, %dma_wait3A_140, %dma_wait3A_141] : memref<4000x1x80xf32, #tpu.memory_space<hbm>> -> memref<1x1x80xf32, #tpu.memory_space<hbm>>
    %dma_wait3A_143 = tpu.memref_squeeze %dma_wait3A_142 : memref<1x1x80xf32, #tpu.memory_space<hbm>> -> memref<1x80xf32, #tpu.memory_space<hbm>>
    tpu.wait_dma2 semaphore(%arg32 : memref<!tpu.dma_semaphore, #tpu.memory_space<semaphore_mem>>) src(%arg20 : memref<1x80xf32, #tpu.memory_space<vmem>>) dst(%dma_wait3A_143 : memref<1x80xf32, #tpu.memory_space<hbm>>)
    %dma_wait3A_144 = arith.constant 0 : i32
    %dma_wait3A_145 = arith.constant 0 : i32
    %dma_wait3A_146 = arith.constant 0 : i32
    %dma_wait3A_147 = tpu.memref_slice %arg9[%dma_wait3A_144, %dma_wait3A_145, %dma_wait3A_146] : memref<4000x1x80xf32, #tpu.memory_space<hbm>> -> memref<1x1x80xf32, #tpu.memory_space<hbm>>
    %dma_wait3A_148 = tpu.memref_squeeze %dma_wait3A_147 : memref<1x1x80xf32, #tpu.memory_space<hbm>> -> memref<1x80xf32, #tpu.memory_space<hbm>>
    %dma_wait3A_149 = arith.constant 0 : i32
    %dma_wait3A_150 = arith.constant 0 : i32
    %dma_wait3A_151 = tpu.memref_slice %arg9[%dma_wait3A_144, %dma_wait3A_149, %dma_wait3A_150] : memref<4000x1x80xf32, #tpu.memory_space<hbm>> -> memref<1x1x80xf32, #tpu.memory_space<hbm>>
    %dma_wait3A_152 = tpu.memref_squeeze %dma_wait3A_151 : memref<1x1x80xf32, #tpu.memory_space<hbm>> -> memref<1x80xf32, #tpu.memory_space<hbm>>
    tpu.wait_dma2 semaphore(%arg31 : memref<!tpu.dma_semaphore, #tpu.memory_space<semaphore_mem>>) src(%arg19 : memref<1x80xf32, #tpu.memory_space<vmem>>) dst(%dma_wait3A_152 : memref<1x80xf32, #tpu.memory_space<hbm>>)
    %barrier3A_153 = arith.constant 0 : index
    tpu.barrier barrier_id(%barrier3A_153)
    %eq3A_154 = arith.constant 0 : i32
    %eq3A_155 = arith.cmpi eq, %arg1, %eq3A_154 : i32
    %convert_element_type3A = arith.extui %eq3A_155 : i1 to i32
    %cond3A = arith.constant 0 : i32
    %cond3A_156 = arith.cmpi ne, %convert_element_type3A, %cond3A : i32
    scf.if %cond3A_156 {
      "tpu.region"() ({
        %run_scoped3A = tpu.sem_alloc : memref<!tpu.dma_semaphore, #tpu.memory_space<semaphore_mem>>
        %dma_start3A_157 = arith.constant 0 : i32
        %dma_start3A_158 = arith.constant 0 : i32
        %dma_start3A_159 = tpu.memref_slice %arg8[%arg0, %dma_start3A_157, %dma_start3A_158] : memref<2x10000x128xf32, #tpu.memory_space<hbm>> -> memref<1x10000x128xf32, #tpu.memory_space<hbm>>
        %dma_start3A_160 = tpu.memref_squeeze %dma_start3A_159 : memref<1x10000x128xf32, #tpu.memory_space<hbm>> -> memref<10000x128xf32, #tpu.memory_space<hbm>>
        tpu.enqueue_dma source(%arg10 : memref<10000x128xf32, #tpu.memory_space<vmem_shared>>) target(%dma_start3A_160 : memref<10000x128xf32, #tpu.memory_space<hbm>>) target_semaphore(%run_scoped3A : memref<!tpu.dma_semaphore, #tpu.memory_space<semaphore_mem>>)
        %dma_wait3A_161 = arith.constant 0 : i32
        %dma_wait3A_162 = arith.constant 0 : i32
        %dma_wait3A_163 = tpu.memref_slice %arg8[%arg0, %dma_wait3A_161, %dma_wait3A_162] : memref<2x10000x128xf32, #tpu.memory_space<hbm>> -> memref<1x10000x128xf32, #tpu.memory_space<hbm>>
        %dma_wait3A_164 = tpu.memref_squeeze %dma_wait3A_163 : memref<1x10000x128xf32, #tpu.memory_space<hbm>> -> memref<10000x128xf32, #tpu.memory_space<hbm>>
        tpu.wait_dma2 semaphore(%run_scoped3A : memref<!tpu.dma_semaphore, #tpu.memory_space<semaphore_mem>>) src(%arg10 : memref<10000x128xf32, #tpu.memory_space<vmem_shared>>) dst(%dma_wait3A_164 : memref<10000x128xf32, #tpu.memory_space<hbm>>)
        tpu.yield
      }) : () -> ()
    } else {
    }
    return
  }
}

module attributes {stable_mosaic.version = 14 : i64} {
  func.func @body(%arg0: i32, %arg1: memref<1000x128xf32, #tpu.memory_space<vmem>>, %arg2: memref<1000x128xf32, #tpu.memory_space<vmem>>, %arg3: memref<1000x128xf32, #tpu.memory_space<vmem>>, %arg4: memref<128x128xf32, #tpu.memory_space<vmem>>, %arg5: memref<1x128xf32, #tpu.memory_space<vmem>>, %arg6: memref<1000x128xf32, #tpu.memory_space<vmem>>) attributes {dimension_semantics = [#tpu.dimension_semantics<arbitrary>], iteration_bounds = array<i64: 10>, scalar_prefetch = 0 : i64, scratch_operands = 0 : i64, tpu.core_type = #tpu.core_type<tc>, window_params = [{transform_indices = @transform_0, window_bounds = array<i64: 1000, 128>}, {transform_indices = @transform_1, window_bounds = array<i64: 1000, 128>}, {transform_indices = @transform_2, window_bounds = array<i64: 1000, 128>}, {pipeline_mode = #tpu.pipeline_mode<synchronous>, transform_indices = @transform_3, window_bounds = array<i64: 128, 128>}, {pipeline_mode = #tpu.pipeline_mode<synchronous>, transform_indices = @transform_4, window_bounds = array<i64: 1, 128>}, {transform_indices = @transform_5, window_bounds = array<i64: 1000, 128>}]} {
    %get3A = arith.constant 0 : index
    %get3A_0 = arith.constant 0 : index
    %get3A_1 = vector.load %arg1[%get3A, %get3A_0] : memref<1000x128xf32, #tpu.memory_space<vmem>>, vector<1000x128xf32>
    %get3A_2 = arith.constant 0 : index
    %get3A_3 = arith.constant 0 : index
    %get3A_4 = vector.load %arg2[%get3A_2, %get3A_3] : memref<1000x128xf32, #tpu.memory_space<vmem>>, vector<1000x128xf32>
    %add3A = arith.addf %get3A_1, %get3A_4 : vector<1000x128xf32>
    %get3A_5 = arith.constant 0 : index
    %get3A_6 = arith.constant 0 : index
    %get3A_7 = vector.load %arg3[%get3A_5, %get3A_6] : memref<1000x128xf32, #tpu.memory_space<vmem>>, vector<1000x128xf32>
    %add3A_8 = arith.addf %add3A, %get3A_7 : vector<1000x128xf32>
    %get3A_9 = arith.constant 0 : index
    %get3A_10 = arith.constant 0 : index
    %get3A_11 = vector.load %arg4[%get3A_9, %get3A_10] : memref<128x128xf32, #tpu.memory_space<vmem>>, vector<128x128xf32>
    %dot_general3A = arith.constant dense<0.000000e+00> : vector<1000x128xf32>
    %dot_general3A_12 = tpu.matmul %add3A_8, %get3A_11, %dot_general3A {dimension_numbers = #tpu.dot_dimension_numbers<[1], [0], [0], [1], [0, 0, 1, 1], [], []>, transpose_lhs_hint = false} : vector<1000x128xf32>, vector<128x128xf32>, vector<1000x128xf32> -> vector<1000x128xf32>
    %get3A_13 = arith.constant 0 : index
    %get3A_14 = arith.constant 0 : index
    %get3A_15 = vector.load %arg5[%get3A_13, %get3A_14] : memref<1x128xf32, #tpu.memory_space<vmem>>, vector<1x128xf32>
    %add3A_16 = vector.broadcast %get3A_15 : vector<1x128xf32> to vector<1000x128xf32>
    %add3A_17 = arith.addf %dot_general3A_12, %add3A_16 : vector<1000x128xf32>
    %swap3A = arith.constant 0 : index
    %swap3A_18 = arith.constant 0 : index
    %swap3A_19 = vector.load %arg6[%swap3A, %swap3A_18] : memref<1000x128xf32, #tpu.memory_space<vmem>>, vector<1000x128xf32>
    tpu.vector_store %arg6[%swap3A, %swap3A_18], %add3A_17 {strides = array<i32>} : memref<1000x128xf32, #tpu.memory_space<vmem>>, vector<1000x128xf32>,
    return
  }
  func.func @transform_0(%arg0: i32) -> (i32, i32) {
    %c0_i32 = arith.constant 0 : i32
    %c0_i32_0 = arith.constant 0 : i32
    return %arg0, %c0_i32 : i32, i32
  }
  func.func @transform_1(%arg0: i32) -> (i32, i32) {
    %c0_i32 = arith.constant 0 : i32
    %c0_i32_0 = arith.constant 0 : i32
    return %arg0, %c0_i32 : i32, i32
  }
  func.func @transform_2(%arg0: i32) -> (i32, i32) {
    %c0_i32 = arith.constant 0 : i32
    %c0_i32_0 = arith.constant 0 : i32
    return %arg0, %c0_i32 : i32, i32
  }
  func.func @transform_3(%arg0: i32) -> (i32, i32) {
    %c0_i32 = arith.constant 0 : i32
    %c0_i32_0 = arith.constant 0 : i32
    %c0_i32_1 = arith.constant 0 : i32
    return %c0_i32, %c0_i32_0 : i32, i32
  }
  func.func @transform_4(%arg0: i32) -> (i32, i32) {
    %c0_i32 = arith.constant 0 : i32
    %c0_i32_0 = arith.constant 0 : i32
    %c0_i32_1 = arith.constant 0 : i32
    return %c0_i32, %c0_i32_0 : i32, i32
  }
  func.func @transform_5(%arg0: i32) -> (i32, i32) {
    %c0_i32 = arith.constant 0 : i32
    %c0_i32_0 = arith.constant 0 : i32
    return %arg0, %c0_i32 : i32, i32
  }
}

</mosaic_0001>

<sc_bundles>
// kernel: kernel.4.cloned.1.call-start
scs
__scs_entry_jumppad:
0x0: {  	(pc) =	sbr.rel $0x88, $3  }
0x1: {  	(tag) =	ssettag $0x0;
	lr =	simm.s32 $0x1  }
0x2: {  	[smem:$0x3F99] =	sst lr;
	_ =	strace $0xD0000000  }
0x3: {  	_ = 	snop  }
0x4: {  	_ = 	snop  }
0x5: {  	_ = 	snop  }
0x6: {  	_ = 	snop  }
0x7: {  	_ = 	snop  }
__scs_overlays_trampoline_lowered:
0x8: {  	[smem:$0x3FA8] =	sst s0  }
0x9: {  	[smem:$0x3FA9] =	sst s1  }
0xa: {  	[smem:$0x3FAA] =	sst s2  }
0xb: {  	[smem:$0x3FAB] =	sst s3  }
0xc: {  	[smem:$0x3FAC] =	sst s4  }
0xd: {  	[smem:$0x3FAD] =	sst s5  }
0xe: {  	[smem:$0x3FAE] =	sst s6  }
0xf: {  	[smem:$0x3FAF] =	sst s7  }
0x10: {  	[smem:$0x3FB0] =	sst s8  }
0x11: {  	[smem:$0x3FB1] =	sst s9;
	s0 =	simm.s32 @!p0 $0x0  }
0x12: {  	s1 =	sld [smem:$0x3F97];
	s0 =	simm.s32 @p0 $0x1  }
0x13: {  	[smem:$0x3FB2] =	sst s0;
	s0 =	simm.s32 @!p1 $0x0  }
0x14: {  	s2 =	sld [smem:$0x3F96];
	s0 =	simm.s32 @p1 $0x1  }
0x15: {  	[smem:$0x3FB3] =	sst s0;
	s0 =	simm.s32 @!p2 $0x0  }
0x16: {  	s3 =	sld [smem:$0x3FDB];
	s0 =	simm.s32 @p2 $0x1  }
0x17: {  	s4 =	simm.s32 $0x1BF5;
	[smem:$0x3FB5] =	sst s0  }
0x18: {  	s0 =	sld [smem:$0x3F98];
	_ =	swait.ge [sflag:s4], $0x0  }
0x19: {  	s7 =	sld [smem:$0x3F99]  }
0x1a: {  	s8 =	sadd.s32 $0xFFFFE003, lr  }
0x1b: {  	s9 =	sadd.s32 $0xFFFFFEF7, lr;
	s5 =	simm.s32 $0xFFFFFFFF;
	p2 =	slt.u32 s8, $0xFFFFF086  }
0x1c: {  	p1 =	slt.u32 s9, $0xF7A;
	s5 =	simm.s32 @!p2 $0x0  }
0x1d: {  	s5 =	simm.s32 @p1 $0x1;
	p0 =	seq.s32 s7, s2  }
0x1e: {  	s7 =	smul.u32 @!p0 $0xF7A, s2;
	p2 =	seq.s32 @!p0 s5, $0x0  }
0x1f: {  	s9 =	smul.u32 $0xF7A, s1;
	s8 =	simm.s32 @!p0 $0x1BF5;
	p2 =	por !p2, p0  }
0x20: {  	[sflag:s8] =	ssyncset.s32 @!p0 $0xFFFFF086;
	s6 =	sadd.s32 @!p0 s3, s7;
	s7 =	simm.s32 @!p0 $0x108  }
0x21: {  	s3 =	sadd.s32 s3, s9;
	s6 =	sadd.s32 @!p0 $0x88, s6;
	s7 =	simm.s32 @p2 $0x1082  }
0x22: {  	[simem:s7], [sflag:s8] =	dma.local @!p0 [hbm:s6], $0xF7A  }
0x23: {  	s9 =	sor.u32 $0xD0000000, s2;
	s6 =	simm.s32 $0x108;
	_ =	swait.ge @!p0 [sflag:s8], $0x0  }
0x24: {  	s3 =	sadd.s32 $0x88, s3;
	s6 =	simm.s32 @!p1 $0x1082;
	[sflag:s4] =	ssyncset.s32 $0xFFFFF086  }
0x25: {  	[simem:s6], [sflag:s4] =	dma.local [hbm:s3], $0xF7A  }
0x26: {  	[smem:$0x3F99] =	sst s1;
	(tag) =	ssettag s2;
	_ =	strace s9  }
0x27: {  	s1 =	sld [smem:$0x3FA9]  }
0x28: {  	s2 =	sld [smem:$0x3FAA]  }
0x29: {  	s4 =	sld [smem:$0x3FAC]  }
0x2a: {  	p0 =	seq.s32 s5, $0x0;
	s5 =	sld [smem:$0x3FAD]  }
0x2b: {  	s6 =	sld [smem:$0x3FAE]  }
0x2c: {  	s7 =	sld [smem:$0x3FAF]  }
0x2d: {  	s3 =	simm.s32 $0x108;
	s8 =	sld [smem:$0x3FB0]  }
0x2e: {  	s3 =	simm.s32 @!p0 $0x1082;
	s9 =	sld [smem:$0x3FB1]  }
0x2f: {  	lr =	sadd.s32 s0, s3;
	s0 =	sld [smem:$0x3FA8]  }
0x30: {  	s3 =	sld [smem:$0x3FAB]  }
0x31: {  	[smem:$0x3FB4] =	sst s10  }
0x32: {  	s10 =	sld [smem:$0x3FB2];
	_ =	sdelay $0x3  }
0x33: {  	p0 =	seq.s32 s10, $0x1;
	s10 =	sld [smem:$0x3FB4];
	_ =	sdelay $0x3  }
0x34: {  	[smem:$0x3FB4] =	sst s10  }
0x35: {  	s10 =	sld [smem:$0x3FB3];
	_ =	sdelay $0x3  }
0x36: {  	p1 =	seq.s32 s10, $0x1;
	s10 =	sld [smem:$0x3FB4];
	_ =	sdelay $0x3  }
0x37: {  	[smem:$0x3FB4] =	sst s10  }
0x38: {  	s10 =	sld [smem:$0x3FB5]  }
0x39: {  	_ = 	snop;
	(pc) =	sbr.ind lr, $3  }
0x3a: {  	_ = 	snop  }
0x3b: {  	_ = 	snop  }
0x3c: {  	p2 =	seq.s32 s10, $0x1;
	s10 =	sld [smem:$0x3FB4]  }
0x3d: {  	_ =	shalt  }
0x3e: {  	_ =	shalt  }
0x3f: {  	_ =	shalt  }
0x40: {  	_ =	shalt  }
0x41: {  	_ =	shalt  }
0x42: {  	_ =	shalt  }
0x43: {  	_ =	shalt  }
0x44: {  	_ =	shalt  }
0x45: {  	_ =	shalt  }
0x46: {  	_ =	shalt  }
0x47: {  	_ =	shalt  }
0x48: {  	_ =	shalt  }
0x49: {  	_ =	shalt  }
0x4a: {  	_ =	shalt  }
0x4b: {  	_ =	shalt  }
0x4c: {  	_ =	shalt  }
0x4d: {  	_ =	shalt  }
0x4e: {  	_ =	shalt  }
0x4f: {  	_ =	shalt  }
0x50: {  	_ =	shalt  }
0x51: {  	_ =	shalt  }
0x52: {  	_ =	shalt  }
0x53: {  	_ =	shalt  }
0x54: {  	_ =	shalt  }
0x55: {  	_ =	shalt  }
0x56: {  	_ =	shalt  }
0x57: {  	_ =	shalt  }
0x58: {  	_ =	shalt  }
0x59: {  	_ =	shalt  }
0x5a: {  	_ =	shalt  }
0x5b: {  	_ =	shalt  }
0x5c: {  	_ =	shalt  }
0x5d: {  	_ =	shalt  }
0x5e: {  	_ =	shalt  }
0x5f: {  	_ =	shalt  }
0x60: {  	_ =	shalt  }
0x61: {  	_ =	shalt  }
0x62: {  	_ =	shalt  }
0x63: {  	_ =	shalt  }
0x64: {  	_ =	shalt  }
0x65: {  	_ =	shalt  }
0x66: {  	_ =	shalt  }
0x67: {  	_ =	shalt  }
0x68: {  	_ =	shalt  }
0x69: {  	_ =	shalt  }
0x6a: {  	_ =	shalt  }
0x6b: {  	_ =	shalt  }
0x6c: {  	_ =	shalt  }
0x6d: {  	_ =	shalt  }
0x6e: {  	_ =	shalt  }
0x6f: {  	_ =	shalt  }
0x70: {  	_ =	shalt  }
0x71: {  	_ =	shalt  }
0x72: {  	_ =	shalt  }
0x73: {  	_ =	shalt  }
0x74: {  	_ =	shalt  }
0x75: {  	_ =	shalt  }
0x76: {  	_ =	shalt  }
0x77: {  	_ =	shalt  }
0x78: {  	_ =	shalt  }
0x79: {  	_ =	shalt  }
0x7a: {  	_ =	shalt  }
0x7b: {  	_ =	shalt  }
0x7c: {  	_ =	shalt  }
0x7d: {  	_ =	shalt  }
0x7e: {  	_ =	shalt  }
0x7f: {  	_ =	shalt  }
0x80: {  	_ =	shalt  }
0x81: {  	_ =	shalt  }
0x82: {  	_ =	shalt  }
0x83: {  	_ =	shalt  }
0x84: {  	_ =	shalt  }
0x85: {  	_ =	shalt  }
0x86: {  	_ =	shalt  }
0x87: {  	_ =	shalt  }
.Lfunc_end0:
.L_simem_size_0:
called_computation_lowered:
.L_overlay_start_0:
0x88: {  	s2 =	sld [smem:$0x3FD9]  }
0x89: {  	s3 =	sld [smem:$0x3FFE];
	_ =	sdelay $0x1  }
0x8a: {  	s1 =	srdreg.scid  }
0x8b: {  	s0 =	sand.u32 $0x1, s1  }
0x8c: {  	s14 =	sshll.u32 s0, $0xA;
	s2 =	sadd.s32 s3, s2  }
0x8d: {  	s2 =	sadd.s32 s2, s14  }
0x8e: {  	[smem:$0x3FC0] =	sst s2  }
0x8f: {  	_ = 	snop  }
0x90: {  	s2 =	sld [smem:$0x3FD0]  }
0x91: {  	s15 =	sld [smem:$0x3FC9]  }
0x92: {  	s4 =	sld [smem:$0x3FC7]  }
0x93: {  	s6 =	simm.s32 $0xA;
	s7 =	simm.s32 $0x10;
	s5 =	sld [smem:$0x3FC5]  }
0x94: {  	[smem:s7], [sflag:s6] =	dma.local [hbm:s2], $0x1  }
0x95: {  	_ =	swait.eq [sflag:s6], $0x1  }
0x96: {  	[sflag:s6] =	ssyncset.done $0x0  }
0x97: {  	s16 =	sld [smem:$0x10];
	[sflag:s6] =	ssyncadd.s32 $0xFFFFFFFF  }
0x98: {  	s17 =	sld [smem:$0x11];
	(tm) =	ssettm $0x1  }
0x99: {  	s18 =	sld [smem:$0x3FFB];
	_ =	sdelay $0x3  }
0x9a: {  	_ =	strace s18  }
0x9b: {  	s7 =	sld [smem:$0x3FFC];
	_ =	sdelay $0x3  }
0x9c: {  	_ =	strace s7  }
0x9d: {  	s7 =	sld [smem:$0x3FFD];
	_ =	sdelay $0x3  }
0x9e: {  	_ =	strace s7  }
0x9f: {  	_ =	strace $0x8FFFFFFF  }
0xa0: {  	s19 =	sld [smem:$0x3FDB];
	_ =	sdelay $0x1  }
0xa1: {  	s8 =	simm.s32 $_scs_section_size  }
0xa2: {  	s9 =	simm.s32 $_size__tile_overlayer_lowered;
	s10 =	simm.s32 $_tile_overlayer_lowered  }
0xa3: {  	s22 =	simm.s32 $0x1BFF;
	s21 =	sshll.u32 s10, $0x1;
	s7 =	sadd.s32 s8, s19  }
0xa4: {  	s11 =	simm.s32 $0x0;
	s20 =	sshll.u32 s9, $0x1;
	s9 =	sadd.s32 s21, s7  }
0xa5: {  	[timem:s11], [sflag:s22] =	dma.local [hbm:s9], s20  }
0xa6: {  	_ =	swait.ge [sflag:s22], s20  }
0xa7: {  	s8 =	ssub.s32 $0x0, s20;
	[sflag:s22] =	ssyncset.done $0x0  }
0xa8: {  	[sflag:s22] =	ssyncadd.s32 s8;
	_ =	sdelay $0x1  }
0xa9: {  	s23 =	simm.s32 $0x1B8B  }
0xaa: {  	_ =	swait.ge [sflag:s23], $0x1  }
0xab: {  	[sflag:s23] =	ssyncset.done $0x0  }
0xac: {  	s25 =	simm.s32 $0x1B8E;
	s24 =	sld [smem:$0x3FFE];
	[sflag:s23] =	ssyncadd.s32 $0xFFFFFFFF  }
0xad: {  	s26 =	simm.s32 $execute0_lowered;
	[smem:$0x3FD2] =	sst s25  }
0xae: {  	s9 =	sshll.u32 s26, $0x1;
	_ =	strace $0x80000046;
	[dreg:$0x1] =	wrdreg $0xFFFFFFFF  }
0xaf: {  	s28 =	simm.s32 $_size_execute0_lowered;
	s7 =	sadd.s32 s7, s9;
	[dreg:$0x0] =	wrdreg $0x0  }
0xb0: {  	s9 =	sshll.u32 s28, $0x1;
	[dreg:$0x2] =	wrdreg s7  }
0xb1: {  	[dreg:$0x3] =	wrdreg s9  }
0xb2: {  	[dreg:$0x4] =	wrdreg $0xC0  }
0xb3: {  	_ =	task [dreg:s11], $0x5FFFF  }
0xb4: {  	[dreg:$0x1] =	wrdreg $0xFFFFFFFF  }
0xb5: {  	[dreg:$0x0] =	wrdreg $0x60  }
0xb6: {  	[dreg:$0x2] =	wrdreg s15  }
0xb7: {  	[dreg:$0x3] =	wrdreg s24  }
0xb8: {  	[dreg:$0x4] =	wrdreg s4  }
0xb9: {  	[dreg:$0x5] =	wrdreg s5  }
0xba: {  	[dreg:$0x6] =	wrdreg s17  }
0xbb: {  	[dreg:$0x7] =	wrdreg s16  }
0xbc: {  	[dreg:$0x8] =	wrdreg $0x0  }
0xbd: {  	[dreg:$0x9] =	wrdreg $0x9  }
0xbe: {  	_ =	task.clear_ibuf [dreg:s11], $0xAFFFF;
	_ =	strace $0x90000046  }
0xbf: {  	s29 =	simm.s32 $0x9;
	_ =	strace $0x80000048  }
0xc0: {  	_ =	swait.ge [sflag:s29], $0x1  }
0xc1: {  	[sflag:s29] =	ssyncadd.s32 $0xFFFFFFFF  }
0xc2: {  	_ =	strace $0x90000048  }
0xc3: {  	_ =	sfence  }
0xc4: {  	s30 =	sld [smem:$0x0];
	_ =	sdelay $0x2  }
0xc5: {  	s31 =	sshll.u32 s1, $0xD;
	s1 =	sshrl.u32 s1, $0x2  }
0xc6: {  	s3 =	sand.u32 $0x4000, s31;
	s1 =	sadd.s32 s1, s30  }
0xc7: {  	s0 =	sor.u32 s3, s0;
	s1 =	sshll.u32 s1, $0x11  }
0xc8: {  	s0 =	sor.u32 s1, s0  }
0xc9: {  	s0 =	sadd.s32 $0x8F2B, s0  }
0xca: {  	[sflag:s0] =	ssyncadd.remote.s32 $0x1  }
0xcb: {  	_ =	sfence.sel $0xFFFF  }
0xcc: {  	[dreg:$0x0] =	wrdreg $0xFFFFFFFF;
	(pc) =	sbr.abs _section_cstart, $3  }
0xcd: {  	[dreg:$0x1] =	wrdreg $0xFFFFFFFF  }
0xce: {  	_ =	task.clear_ibuf [dreg:s11], $0x2FFFF;
	_ =	strace $0x9FFFFFFF  }
0xcf: {  	(tm) =	ssettm $0x7FFFFFFF  }
tec
execute0_lowered:
.L_overlay_start_1:
0x0: {  	(tag) =	ssettag $0x1  }
0x1: {  	s1 =	rddreg [dreg:$0x1]  }
0x2: {  	s5 =	rddreg [dreg:$0x2]  }
0x3: {  	s15 =	rddreg [dreg:$0x5]  }
0x4: {  	s6 =	rddreg [dreg:$0x6];
	s2 =	srdreg.scid  }
0x5: {  	s3 =	stileid.u32;
	s7 =	simm.s32 $0x0;
	s28 =	simm.s32 $0x50  }
0x6: {  	s29 =	simm.s32 $0x19080;
	s18 =	simm.s32 $0x1B880;
	s16 =	simm.s32 $0x6  }
0x7: {  	s17 =	simm.s32 $0x1E100;
	s2 =	sand.u32 $0x1, s2;
	s4 =	sshll.u32 s3, $0x1  }
0x8: {  	[smem:$0x7FF] =	sst s7;
	s11 =	smul.u32 $0x4E200, s3;
	s9 =	sadd.s32 $0x600, s1  }
0x9: {  	s8 =	sadd.s32 $0x3EE00, s1;
	s10 =	smul.u32 $0x27100, s2;
	s4 =	sor.u32 s2, s4  }
0xa: {  	s31 =	smov.u32 s6;
	s26 =	sshll.u32 s3, $0x6;
	s0 =	smul.u32 $0x7D, s4  }
0xb: {  	p0 =	sne.s32 s3, $0x0;
	_ =	strace $0x80000047;
	s12 =	smul.u32 $0x1F40, s4  }
0xc: {  	s2 =	ssub.s32 $0x2, s2;
	[dreg:$0x8] =	wrdreg s8;
	s14 =	smul.u32 $0xFA00, s4  }
0xd: {  	s8 =	smov.u32 s5;
	s13 =	sshrl.u32 s2, $0x1;
	s19 =	smul.u32 $0x27100, s4  }
0xe: {  	s11 =	sshrl.u32 s11, $0x2;
	s4 =	smul.u32 $0x3E80, s4;
	s1 =	sadd.s32 s10, s1  }
0xf: {  	s2 =	ssub.s32 s2, s13;
	s11 =	sadd.s32 s11, s6;
	s10 =	sor.u32 $0x1C0B, s26  }
0x10: {  	s26 =	simm.s32 $0x1;
	s13 =	simm.s32 $0x4;
	s20 =	sshrl.u32 s14, $0x3  }
0x11: {  	s21 =	sadd.s32 s9, s12;
	s5 =	sadd.s32 s5, s19;
	[dreg:$0x11] =	wrdreg s10  }
0x12: {  	s4 =	sshrl.u32 s4, $0x3;
	s24 =	sadd.s32 $0x4, s0;
	[dreg:$0x9] =	wrdreg s21  }
0x13: {  	s6 =	smov.u32 s0;
	s0 =	sadd.s32 $0x5, s0;
	[dreg:$0xb] =	wrdreg s5  }
0x14: {  	s1 =	sadd.s32 $0x3F000, s1;
	s25 =	smax.u32 s2, $0x1;
	[dreg:$0xc] =	wrdreg s24  }
0x15: {  	s30 =	sshrl.u32 s11, $0x3;
	s2 =	simm.s32 $0x13C80;
	[dreg:$0xd] =	wrdreg s0  }
0x16: {  	s19 =	simm.s32 $0x5;
	s11 =	simm.s32 $0x7;
	[dreg:$0xf] =	wrdreg s1  }
0x17: {  	s12 =	simm.s32 $0x13E80;
	s22 =	sadd.s32 s9, s20;
	[dreg:$0x10] =	wrdreg s25  }
0x18: {  	s0 =	smov.u32 s15;
	s4 =	sadd.s32 s15, s4;
	[dreg:$0x12] =	wrdreg s30  }
0x19: {  	s24 =	simm.s32 $0x13880;
	s25 =	simm.s32 $0x13A80;
	s23 =	sadd.s32 $0x40, s22  }
0x1a: {  	s21 =	simm.s32 $0x1E080;
	s4 =	sadd.s32 $0x7C0, s4;
	[dreg:$0xa] =	wrdreg s23  }
0x1b: {  	s5 =	simm.s32 $0x0;
	[dreg:$0xe] =	wrdreg s4;
	s4 =	simm.s32 $0x3  }
.LBB2_1:
0x1c: {  	[dreg:$0x13] =	wrdreg s5  }
0x1d: {  	s1 =	rddreg [dreg:$0x3];
	s3 =	simm.s32 $0x1E180;
	s22 =	simm.s32 $0xB  }
0x1e: {  	[tilespmem:s3], [sflag:$0xB] =	stream.linear.gather [hbm4b:s1+s7], $0x80, $0x38;
	[tilespmem:$0x1E280] =	vst v63  }
0x1f: {  	_ =	swait.ge [sflag:s22], $0x80  }
0x20: {  	[sflag:s22] =	ssyncset.done $0x0  }
0x21: {  	s30 =	simm.s32 $0x1E200;
	s23 =	rddreg [dreg:$0x8];
	[sflag:s22] =	ssyncadd.s32 $0xFFFFFF80  }
0x22: {  	[tilespmem:s30], [sflag:$0xB] =	stream.linear.gather [hbm4b:s23+s7], $0x80, $0x38;
	[tilespmem:$0x1E280] =	vst v63  }
0x23: {  	_ =	swait.ge [sflag:s22], $0x80  }
0x24: {  	[sflag:s22] =	ssyncset.done $0x0  }
0x25: {  	s14 =	rddreg [dreg:$0x12];
	[sflag:s22] =	ssyncadd.s32 $0xFFFFFF80  }
0x26: {  	s5 =	rddreg [dreg:$0x4]  }
0x27: {  	[spmem:s14], [sflag:s10] =	dma.local [hbm:s5], $0x2710  }
0x28: {  	_ =	swait.ge [sflag:s22], $0x2710  }
0x29: {  	[sflag:s22] =	ssyncset.done $0x0  }
0x2a: {  	[sflag:s22] =	ssyncadd.s32 $0xFFFFD8F0  }
0x2b: {  	[bflag:$0x0] =	sbarrier.arrive $0xFFFF  }
0x2c: {  	s15 =	rddreg [dreg:$0x9]  }
0x2d: {  	[tilespmem:s24], [sflag:$0x1] =	stream.linear.gather [hbm4b:s15+s7], $0x180, $0x38;
	[tilespmem:$0x1E280] =	vst v63  }
0x2e: {  	s20 =	rddreg [dreg:$0xa]  }
0x2f: {  	[tilespmem:s25], [sflag:$0x1] =	stream.linear.gather [hbm4b:s20+s7], $0x180, $0x38;
	[tilespmem:$0x1E280] =	vst v63  }
0x30: {  	_ =	swait.ge [sflag:s26], $0x180  }
0x31: {  	[sflag:s26] =	ssyncset.done $0x0  }
0x32: {  	[sflag:s26] =	ssyncadd.s32 $0xFFFFFE80  }
0x33: {  	_ =	swait.ge [sflag:s26], $0x180  }
0x34: {  	[sflag:s26] =	ssyncset.done $0x0  }
0x35: {  	[sflag:s26] =	ssyncadd.s32 $0xFFFFFE80  }
0x36: {  	s22 =	rddreg [dreg:$0x0]  }
0x37: {  	[tilespmem:s29], [sflag:$0x3] =	stream.indirect.gather [hbm4b:s22+s28], $0x80, s24, s28, $0xb8;
	[tilespmem:$0x1E280] =	vst v63  }
0x38: {  	s30 =	simm.s32 $0x14080;
	s10 =	simm.s32 $0x0;
	s23 =	rddreg [dreg:$0xb]  }
0x39: {  	[tilespmem:s30], [sflag:$0x5] =	stream.linear.gather [hbm4b:s23+s7], $0x2800, $0x38;
	[tilespmem:$0x1E280] =	vst v63  }
.LBB2_2:
0x3a: {  	p1 =	seq.s32 s10, $0x0  }
0x3b: {  	s1 =	simm.s32 @!p1 $0x8  }
0x3c: {  	_ =	swait.ge @!p1 [sflag:s1], $0x2800  }
0x3d: {  	[sflag:s1] =	ssyncset.done @!p1 $0x0  }
0x3e: {  	[sflag:s1] =	ssyncadd.s32 @!p1 $0xFFFFD800;
	s1 =	simm.s32 @!p1 $0x2  }
0x3f: {  	s14 =	sshll.u32 s10, $0x2;
	_ =	swait.ge @!p1 [sflag:s1], $0x180  }
0x40: {  	s3 =	sadd.s32 s14, s6;
	[sflag:s1] =	ssyncset.done @!p1 $0x0  }
0x41: {  	s30 =	sadd.s32 $0x1, s3;
	[sflag:s1] =	ssyncadd.s32 @!p1 $0xFFFFFE80  }
0x42: {  	s3 =	sadd.s32 $0x2, s3;
	s15 =	smul.u32 $0x500, s30;
	s5 =	rddreg [dreg:$0x0]  }
0x43: {  	[tilespmem:s18], [sflag:$0x4] =	stream.indirect.gather [hbm4b:s5+s28], $0x80, s25, s28, $0xb8;
	[tilespmem:$0x1E280] =	vst v63  }
0x44: {  	s20 =	sshll.u32 s3, $0x6;
	s1 =	sadd.s32 s8, s15;
	s18 =	simm.s32 $0x16880  }
0x45: {  	[tilespmem:s18], [sflag:$0x6] =	stream.linear.gather [hbm4b:s1+s7], $0x2800, $0x38;
	[tilespmem:$0x1E280] =	vst v63  }
0x46: {  	s1 =	sand.u32 $0x1FFFFFC0, s20  }
0x47: {  	s1 =	sadd.s32 s9, s1  }
0x48: {  	[tilespmem:s2], [sflag:$0x1] =	stream.linear.gather [hbm4b:s1+s7], $0x180, $0x38;
	[tilespmem:$0x1E280] =	vst v63  }
0x49: {  	_ =	swait.ge [sflag:s4], $0x2800  }
0x4a: {  	[sflag:s4] =	ssyncset.done $0x0  }
0x4b: {  	[sflag:s4] =	ssyncadd.s32 $0xFFFFD800  }
0x4c: {  	_ =	swait.ge [sflag:s19], $0x2800  }
0x4d: {  	[sflag:s19] =	ssyncset.done $0x0  }
0x4e: {  	s1 =	simm.s32 @!p1 $0x9;
	[sflag:s19] =	ssyncadd.s32 $0xFFFFD800  }
0x4f: {  	_ =	swait.ge @!p1 [sflag:s1], $0x80  }
0x50: {  	[sflag:s1] =	ssyncset.done @!p1 $0x0  }
0x51: {  	[sflag:s1] =	ssyncadd.s32 @!p1 $0xFFFFFF80  }
0x52: {  	v11 =	vld [tilespmem:$0x1E180]  }
0x53: {  	v12 =	vld [tilespmem:$0x1E190]  }
0x54: {  	v14 =	vld [tilespmem:$0x1E1A0]  }
0x55: {  	v10 =	vld [tilespmem:$0x1E1B0]  }
0x56: {  	v8 =	vld [tilespmem:$0x1E1C0]  }
0x57: {  	v9 =	vld [tilespmem:$0x1E1D0]  }
0x58: {  	v5 =	vld [tilespmem:$0x1E1E0]  }
0x59: {  	s22 =	simm.s32 $0x14100;
	v6 =	vld [tilespmem:$0x1E1F0]  }
0x5a: {  	v1 =	vld [tilespmem:s22+$0x0]  }
0x5b: {  	v24 =	vld [tilespmem:s22+$0x10]  }
0x5c: {  	v25 =	vld [tilespmem:s22+$0x20]  }
0x5d: {  	v29 =	vld [tilespmem:s22+$0x30]  }
0x5e: {  	v30 =	vld [tilespmem:s22+$0x40]  }
0x5f: {  	v31 =	vld [tilespmem:s22+$0x50]  }
0x60: {  	v32 =	vld [tilespmem:s22+$0x60]  }
0x61: {  	v33 =	vld [tilespmem:s22+$0x70];
	_ =	sdelay $0x1  }
0x62: {  	s23 =	simm.s32 $0x1;
	v2 =	vmul.f32 v1, v11;
	v3 =	vmul.f32 v24, v12  }
0x63: {  	v36 =	vmov s23;
	v4 =	vmul.f32 v25, v14;
	v7 =	vmul.f32 v29, v10  }
0x64: {  	v20 =	vor.u32 $0x100, v36;
	v0 =	vld [tilespmem:$0x1E200];
	v15 =	vmul.f32 v30, v8;
	v16 =	vmul.f32 v31, v9  }
0x65: {  	v13 =	vld [tilespmem:s22+$0xFFFFFF80];
	v17 =	vmul.f32 v32, v5;
	v18 =	vmul.f32 v33, v6  }
0x66: {  	v21 =	vld [tilespmem:s22+$0xFFFFFFD0];
	v3 =	vadd.f32 v3, v2;
	v4 =	vadd.f32 v7, v4  }
0x67: {  	v19 =	vld [tilespmem:s22+$0xFFFFFFE0];
	v7 =	vadd.f32 v16, v15;
	v17 =	vadd.f32 v18, v17  }
0x68: {  	v23 =	vld [tilespmem:s22+$0xFFFFFFF0]  }
0x69: {  	v39 =	vld.idx.msk [tilespmem:v20+s24+$0x0], $0xffff;
	v3 =	vadd.f32 v4, v3;
	v4 =	vadd.f32 v17, v7  }
0x6a: {  	v16 =	vld [tilespmem:s22+$0xFFFFFF90]  }
0x6b: {  	v15 =	vld [tilespmem:s22+$0xFFFFFFA0];
	v3 =	vadd.f32 v4, v3  }
0x6c: {  	s15 =	simm.s32 $0x0;
	v18 =	vld [tilespmem:s22+$0xFFFFFFC0]  }
0x6d: {  	v2 =	vmov s15;
	s15 =	simm.s32 $0x19100;
	v17 =	vld [tilespmem:s22+$0xFFFFFFB0];
	(xrf2) =	vadd.scan.msk.f32 $0xffff, v3  }
0x6e: {  	v22 =	vld [tilespmem:s15+$0x0]  }
0x6f: {  	v27 =	vmul.f32 v13, v11;
	v38 =	vmul.f32 v21, v9;
	v26 =	vld [tilespmem:s15+$0x10]  }
0x70: {  	v20 =	vmul.f32 v19, v5;
	v40 =	vmul.f32 v23, v6;
	v41 =	vld [tilespmem:s15+$0x20]  }
0x71: {  	v63 =	vld [tilespmem:s15+$0x30];
	v28 =	vmul.f32 v16, v12;
	v34 =	vmul.f32 v15, v14  }
0x72: {  	v49 =	vld [tilespmem:s15+$0x40];
	v37 =	vmul.f32 v18, v8;
	v35 =	vmul.f32 v17, v10  }
0x73: {  	v20 =	vadd.f32 v40, v20;
	v51 =	vld [tilespmem:s15+$0x50];
	v27 =	vadd.f32 v28, v27  }
0x74: {  	v52 =	vld [tilespmem:s15+$0x60];
	s22 =	simm.s32 $0x14200;
	v48 =	vadd.f32 v38, v37;
	v28 =	vadd.f32 v35, v34  }
0x75: {  	v4 =	vld [tilespmem:s22+$0x10]  }
0x76: {  	v7 =	vor.u32 $0x100, v2;
	v3 =	vld [tilespmem:s22+$0x0];
	v35 =	vadd.f32 v20, v48;
	v27 =	vadd.f32 v28, v27  }
0x77: {  	v47 =	vld [tilespmem:s15+$0x70];
	v44 =	vmul.f32 v39, v22;
	v46 =	vmul.f32 v39, v26;
	v50, _, _ =	vpop (xrf2)  }
0x78: {  	v41 =	vmul.f32 v39, v41;
	v26 =	vadd.f32 v35, v27;
	v27 =	vld [tilespmem:s22+$0x30];
	v28 =	vbroadcast v50, $0xF  }
0x79: {  	v40 =	vmul.f32 v39, v52;
	v37 =	vmul.f32 v39, v49  }
0x7a: {  	v22 =	vld [tilespmem:s22+$0xFFFFFF90];
	v38 =	vmul.f32 v39, v51;
	v43 =	vmul.f32 v4, v12;
	v45 =	vadd.f32 v28, v0  }
0x7b: {  	v7 =	vld.idx.msk [tilespmem:v7+s24+$0x0], $0xffff;
	v34 =	vmul.f32 v39, v63;
	v42 =	vmul.f32 v3, v11  }
0x7c: {  	v20 =	vld [tilespmem:s22+$0xFFFFFF80];
	v39 =	vmul.f32 v39, v47;
	v53 =	vmul.f32 v45, v1  }
0x7d: {  	s18 =	simm.s32 $0x2;
	v42 =	vadd.f32 v43, v42;
	(xrf2) =	vadd.scan.msk.f32 $0xffff, v26;
	v26 =	vld [tilespmem:s22+$0x40];
	v60 =	vmul.f32 v27, v10;
	v24 =	vmul.f32 v45, v24  }
0x7e: {  	v28 =	vld [tilespmem:s22+$0x20];
	v1 =	vmov s18;
	v54 =	vmul.f32 v45, v25;
	v35 =	vadd.f32 v53, v44  }
0x7f: {  	v29 =	vmul.f32 v45, v29;
	v25 =	vld [tilespmem:s22+$0x50];
	v30 =	vmul.f32 v45, v30;
	v46 =	vadd.f32 v24, v46  }
0x80: {  	v31 =	vmul.f32 v45, v31;
	v41 =	vadd.f32 v54, v41;
	v24 =	vld [tilespmem:s22+$0x60];
	v35 =	vmax.f32 v35, $0.0e+00  }
0x81: {  	v57 =	vmul.f32 v45, v32;
	v34 =	vadd.f32 v29, v34;
	v29 =	vld [tilespmem:s22+$0x70];
	v55 =	vmax.f32 v46, $0.0e+00;
	[tilespmem:s15+$0x0] =	vst v35  }
0x82: {  	v32 =	vld [tilespmem:s22+$0xFFFFFFA0];
	v58 =	vmul.f32 v45, v33;
	v30 =	vadd.f32 v37, v30;
	v56 =	vmax.f32 v41, $0.0e+00;
	[tilespmem:s15+$0x10] =	vst v55  }
0x83: {  	v33 =	vld [tilespmem:s22+$0xFFFFFFB0];
	v61 =	vmul.f32 v26, v8;
	v31 =	vadd.f32 v38, v31;
	v34 =	vmax.f32 v34, $0.0e+00;
	[tilespmem:s15+$0x20] =	vst v56  }
0x84: {  	v37 =	vadd.f32 v40, v57;
	v38 =	vadd.f32 v39, v58;
	v30 =	vmax.f32 v30, $0.0e+00;
	[tilespmem:s15+$0x30] =	vst v34;
	v35 =	vld [tilespmem:s22+$0xFFFFFFC0]  }
0x85: {  	v59 =	vmul.f32 v28, v14;
	v31 =	vmax.f32 v31, $0.0e+00;
	[tilespmem:s15+$0x40] =	vst v30;
	v30 =	vld [tilespmem:s22+$0xFFFFFFD0];
	v62 =	vmul.f32 v25, v9  }
0x86: {  	v37 =	vmax.f32 v37, $0.0e+00;
	[tilespmem:s15+$0x50] =	vst v31;
	v34 =	vld [tilespmem:s22+$0xFFFFFFE0];
	v63 =	vmul.f32 v24, v5;
	v48 =	vmul.f32 v29, v6  }
0x87: {  	v40 =	vmul.f32 v20, v11;
	v38 =	vmax.f32 v38, $0.0e+00;
	[tilespmem:s15+$0x60] =	vst v37;
	v31 =	vld [tilespmem:s22+$0xFFFFFFF0];
	v43 =	vadd.f32 v60, v59  }
0x88: {  	v39 =	vld [tilespmem:s15+$0xFFFFFF80];
	v49, _, _ =	vpop (xrf2);
	[tilespmem:s15+$0x70] =	vst v38;
	v41 =	vmul.f32 v32, v14;
	v44 =	vadd.f32 v62, v61;
	v46 =	vadd.f32 v48, v63  }
0x89: {  	s23 =	simm.s32 $0x19100;
	s20 =	simm.s32 $0x4;
	v37 =	vor.u32 $0x100, v1;
	v38 =	vbroadcast v49, $0xF;
	[tilespmem:v36+s21+$0x0] =	vst.idx.msk $0x1, v45;
	v45 =	vmul.f32 v22, v12;
	v36 =	vld [tilespmem:s15+$0xFFFFFF90]  }
.LBB2_3:
0x8a: {  	p2 =	slt.u32 s20, $0x4E;
	v47 =	vmul.f32 v33, v10;
	v42 =	vadd.f32 v43, v42;
	v43 =	vadd.f32 v46, v44;
	v44 =	vld [tilespmem:s15+$0xFFFFFFA0]  }
0x8b: {  	v46 =	vmul.f32 v35, v8;
	v48 =	vmul.f32 v30, v9;
	v40 =	vadd.f32 v45, v40;
	v45 =	vld [tilespmem:s15+$0xFFFFFFB0]  }
0x8c: {  	v49 =	vmul.f32 v34, v5;
	v50 =	vmul.f32 v31, v6;
	v42 =	vadd.f32 v43, v42;
	v43 =	vld [tilespmem:s15+$0xFFFFFFC0]  }
0x8d: {  	v41 =	vadd.f32 v47, v41;
	v46 =	vadd.f32 v48, v46;
	v39 =	vmul.f32 v7, v39;
	v47 =	vld [tilespmem:s15+$0xFFFFFFD0]  }
0x8e: {  	s1 =	sadd.s32 $0x1, s18;
	v38 =	vadd.f32 v38, v0;
	s18 =	smov.u32 s20;
	v48 =	vadd.f32 v50, v49;
	(xrf2) =	vadd.scan.msk.f32 $0xffff, v42;
	v42 =	vmul.f32 v7, v36;
	v49 =	vld [tilespmem:s15+$0xFFFFFFE0]  }
0x8f: {  	v40 =	vadd.f32 v41, v40;
	v36 =	vmov s1;
	v41 =	vmul.f32 v7, v44;
	v44 =	vld [tilespmem:s15+$0xFFFFFFF0]  }
0x90: {  	v50 =	vmul.f32 v38, v13;
	v13 =	vmovc v20;
	s15 =	sadd.s32 $0x100, s15;
	v46 =	vadd.f32 v48, v46;
	v37 =	vld.idx.msk [tilespmem:v37+s24+$0x0], $0xffff;
	v48 =	vor.u32 $0x100, v36  }
0x91: {  	v51 =	vmov s20;
	v52 =	vmul.f32 v38, v16;
	v53 =	vmul.f32 v38, v15;
	v16 =	vmovc v22;
	v15 =	vmovc v32;
	v20 =	vld [tilespmem:s15+$0x0]  }
0x92: {  	s22 =	sadd.s32 $0x100, s22;
	v22 =	vadd.f32 v46, v40;
	v32 =	vld [tilespmem:s15+$0x10];
	v40 =	vmul.f32 v38, v17;
	v46 =	vmul.f32 v38, v18;
	v17 =	vmovc v33  }
0x93: {  	v21 =	vmul.f32 v38, v21;
	v39 =	vadd.f32 v50, v39;
	v50 =	vmul.f32 v38, v19;
	v18 =	vmovc v35;
	v33 =	vld [tilespmem:s22+$0x0]  }
0x94: {  	v23 =	vmul.f32 v38, v23;
	v35 =	vld [tilespmem:s22+$0x10];
	(xrf2) =	vadd.scan.msk.f32 $0xffff, v22;
	v22 =	vadd.f32 v52, v42;
	v52 =	vmul.f32 v7, v45  }
0x95: {  	v41 =	vadd.f32 v53, v41;
	v43 =	vmul.f32 v7, v43;
	v45 =	vmul.f32 v7, v47;
	v42 =	vld.idx.msk [tilespmem:v48+s24+$0x0], $0xffff  }
0x96: {  	v44 =	vmul.f32 v7, v44;
	v48 =	vmul.f32 v7, v49;
	v7 =	vmovc v37;
	v47 =	vld [tilespmem:s15+$0x20];
	v40 =	vadd.f32 v40, v52  }
0x97: {  	v19 =	vmovc v34;
	v39 =	vmax.f32 v39, $0.0e+00;
	v43 =	vadd.f32 v43, v46;
	v45 =	vadd.f32 v45, v21;
	v21 =	vmovc v30;
	v37 =	vld [tilespmem:s15+$0x30]  }
0x98: {  	v22 =	vmax.f32 v22, $0.0e+00;
	v44 =	vadd.f32 v44, v23;
	v30 =	vld [tilespmem:s15+$0x40];
	v34, _, _ =	vpop (xrf2);
	[tilespmem:s23+$0xFFFFFF80] =	vst v39;
	v39 =	vadd.f32 v48, v50  }
0x99: {  	v23 =	vmovc v31;
	v40 =	vmax.f32 v40, $0.0e+00;
	v34 =	vbroadcast v34, $0xF;
	v46 =	vld [tilespmem:s15+$0x50];
	[tilespmem:s23+$0xFFFFFF90] =	vst v22;
	v22 =	vmax.f32 v41, $0.0e+00  }
0x9a: {  	v41 =	vmul.f32 v33, v11;
	v48 =	vmul.f32 v35, v12;
	v31 =	vld [tilespmem:s15+$0x60];
	[tilespmem:s23+$0xFFFFFFA0] =	vst v22;
	v22 =	vmax.f32 v43, $0.0e+00  }
0x9b: {  	v32 =	vmul.f32 v42, v32;
	v49 =	vadd.f32 v34, v0;
	v34 =	vmul.f32 v42, v20;
	v43 =	vld [tilespmem:s15+$0x70];
	[tilespmem:s23+$0xFFFFFFB0] =	vst v40  }
0x9c: {  	v45 =	vmax.f32 v45, $0.0e+00;
	v40 =	vmul.f32 v42, v47;
	v20 =	vld [tilespmem:s22+$0xFFFFFF80];
	v37 =	vmul.f32 v42, v37;
	[tilespmem:s23+$0xFFFFFFC0] =	vst v22  }
0x9d: {  	v39 =	vmax.f32 v39, $0.0e+00;
	v22 =	vld [tilespmem:s22+$0xFFFFFF90];
	v47 =	vmul.f32 v49, v3;
	v30 =	vmul.f32 v42, v30;
	[tilespmem:s23+$0xFFFFFFD0] =	vst v45;
	v3 =	vmovc v33  }
0x9e: {  	v52 =	vmul.f32 v49, v4;
	v33 =	vld [tilespmem:s22+$0x20];
	v45 =	vmul.f32 v42, v46;
	v50, _, _ =	vpop (xrf2);
	[tilespmem:s23+$0xFFFFFFE0] =	vst v39;
	v39 =	vmax.f32 v44, $0.0e+00  }
0x9f: {  	v28 =	vmul.f32 v49, v28;
	v44 =	vld [tilespmem:s22+$0x30];
	v34 =	vadd.f32 v47, v34;
	v31 =	vmul.f32 v42, v31;
	[tilespmem:s23+$0xFFFFFFF0] =	vst v39;
	s23 =	smov.u32 s15  }
0xa0: {  	v27 =	vmul.f32 v49, v27;
	v4 =	vmovc v35;
	v32 =	vadd.f32 v52, v32;
	v39 =	vld [tilespmem:s22+$0x40];
	v42 =	vmul.f32 v42, v43  }
0xa1: {  	v26 =	vmul.f32 v49, v26;
	v35 =	vadd.f32 v28, v40;
	v43 =	vld [tilespmem:s22+$0x50];
	v34 =	vmax.f32 v34, $0.0e+00;
	[tilespmem:v2+s21+$0x0] =	vst.idx.msk $0x1, v38  }
0xa2: {  	v25 =	vmul.f32 v49, v25;
	v40 =	vadd.f32 v27, v37;
	v32 =	vmax.f32 v32, $0.0e+00;
	v2 =	vmovc v1;
	v38 =	vld [tilespmem:s22+$0x60];
	[tilespmem:s15+$0x0] =	vst v34  }
0xa3: {  	v24 =	vmul.f32 v49, v24;
	v46 =	vadd.f32 v30, v26;
	v1 =	vmovc v51;
	v34 =	vmax.f32 v35, $0.0e+00;
	v47 =	vld [tilespmem:s22+$0x70];
	[tilespmem:s15+$0x10] =	vst v32  }
0xa4: {  	v29 =	vmul.f32 v49, v29;
	v30 =	vmax.f32 v40, $0.0e+00;
	v28 =	vmovc v33;
	v32 =	vld [tilespmem:s22+$0xFFFFFFA0];
	[tilespmem:s15+$0x20] =	vst v34;
	v34 =	vadd.f32 v45, v25  }
0xa5: {  	v40 =	vadd.f32 v31, v24;
	v37 =	vmul.f32 v28, v14;
	v27 =	vmovc v44;
	v33 =	vld [tilespmem:s22+$0xFFFFFFB0];
	[tilespmem:s15+$0x30] =	vst v30;
	v30 =	vmax.f32 v46, $0.0e+00  }
0xa6: {  	v29 =	vadd.f32 v42, v29;
	v44 =	vmul.f32 v27, v10;
	v26 =	vmovc v39;
	v35 =	vld [tilespmem:s22+$0xFFFFFFC0];
	[tilespmem:s15+$0x40] =	vst v30;
	v31 =	vmax.f32 v34, $0.0e+00  }
.Ltmp0:
0xa7: {  	v39 =	vmul.f32 v26, v8;
	v45 =	vmul.f32 v43, v9;
	v25 =	vmovc v43;
	v30 =	vld [tilespmem:s22+$0xFFFFFFD0];
	[tilespmem:s15+$0x50] =	vst v31;
	v31 =	vmax.f32 v40, $0.0e+00;
	(pc) =	sbr.rel @p2 .LBB2_3-.Ltmp0, $4  }
0xa8: {  	v29 =	vmax.f32 v29, $0.0e+00;
	v46 =	vmul.f32 v38, v5;
	v24 =	vmovc v38;
	v34 =	vld [tilespmem:s22+$0xFFFFFFE0];
	v51 =	vmul.f32 v47, v6;
	[tilespmem:s15+$0x60] =	vst v31  }
0xa9: {  	v42 =	vadd.f32 v48, v41;
	v40 =	vmul.f32 v20, v11;
	v43 =	vadd.f32 v44, v37;
	v31 =	vld [tilespmem:s22+$0xFFFFFFF0];
	[tilespmem:s15+$0x70] =	vst v29  }
0xaa: {  	v38 =	vbroadcast v50, $0xF;
	v44 =	vadd.f32 v45, v39;
	v46 =	vadd.f32 v51, v46;
	v39 =	vld [tilespmem:s15+$0xFFFFFF80];
	[tilespmem:v36+s21+$0x0] =	vst.idx.msk $0x1, v49  }
0xab: {  	s20 =	sadd.s32 $0x2, s20;
	v37 =	vor.u32 $0x100, v1;
	v45 =	vmul.f32 v22, v12;
	v41 =	vmul.f32 v32, v14;
	v29 =	vmovc v47;
	v36 =	vld [tilespmem:s15+$0xFFFFFF90]  }
0xac: {  	v11 =	vadd.f32 v43, v42;
	v12 =	vadd.f32 v46, v44  }
0xad: {  	v10 =	vmul.f32 v33, v10;
	v14 =	vld [tilespmem:s15+$0xFFFFFFA0]  }
0xae: {  	v8 =	vmul.f32 v35, v8;
	v9 =	vmul.f32 v30, v9;
	v47 =	vld [tilespmem:s15+$0xFFFFFFD0];
	v11 =	vadd.f32 v12, v11  }
0xaf: {  	v5 =	vmul.f32 v34, v5;
	v12 =	vadd.f32 v45, v40;
	v6 =	vmul.f32 v31, v6  }
0xb0: {  	v10 =	vadd.f32 v10, v41;
	v8 =	vadd.f32 v9, v8;
	(xrf2) =	vadd.scan.msk.f32 $0xffff, v11;
	v11 =	vmul.f32 v7, v39  }
0xb1: {  	s1 =	sadd.s32 $0x1, s18;
	v9 =	vld [tilespmem:s15+$0xFFFFFFB0];
	v5 =	vadd.f32 v6, v5;
	v6 =	vadd.f32 v38, v0;
	v36 =	vmul.f32 v7, v36  }
0xb2: {  	v10 =	vadd.f32 v10, v12;
	v12 =	vmov s1;
	v14 =	vmul.f32 v7, v14  }
0xb3: {  	v46 =	vld [tilespmem:s15+$0xFFFFFFC0];
	v50 =	vmul.f32 v7, v47;
	v5 =	vadd.f32 v5, v8;
	v13 =	vmul.f32 v6, v13  }
0xb4: {  	v48 =	vld [tilespmem:s15+$0xFFFFFFE0];
	v8 =	vor.u32 $0x100, v12;
	v16 =	vmul.f32 v6, v16;
	v15 =	vmul.f32 v6, v15  }
0xb5: {  	v49 =	vld [tilespmem:s15+$0xFFFFFFF0];
	s15 =	sadd.s32 $0x100, s15;
	v18 =	vmul.f32 v6, v18;
	v19 =	vmul.f32 v6, v19  }
0xb6: {  	v51 =	vld [tilespmem:s15+$0x20];
	v23 =	vmul.f32 v6, v23;
	v9 =	vmul.f32 v7, v9  }
0xb7: {  	v52 =	vld [tilespmem:s15+$0x30];
	v5 =	vadd.f32 v5, v10;
	v10 =	vmul.f32 v6, v17;
	v11 =	vadd.f32 v13, v11  }
0xb8: {  	v17 =	vld [tilespmem:s15+$0x0];
	v13 =	vmul.f32 v6, v21;
	v16 =	vadd.f32 v16, v36;
	v14 =	vadd.f32 v15, v14  }
0xb9: {  	v9 =	vadd.f32 v10, v9;
	v10 =	vmul.f32 v7, v48;
	v11 =	vmax.f32 v11, $0.0e+00;
	v8 =	vld.idx.msk [tilespmem:v8+s24+$0x0], $0xffff  }
0xba: {  	v21 =	vld [tilespmem:s15+$0x10];
	v15 =	vmul.f32 v7, v46;
	v7 =	vmul.f32 v7, v49;
	v16 =	vmax.f32 v16, $0.0e+00;
	[tilespmem:s23+$0xFFFFFF80] =	vst v11  }
0xbb: {  	v14 =	vmax.f32 v14, $0.0e+00;
	[tilespmem:s23+$0xFFFFFF90] =	vst v16;
	v10 =	vadd.f32 v10, v19;
	v19 =	vld [tilespmem:s15+$0x50]  }
0xbc: {  	v15 =	vadd.f32 v15, v18;
	[tilespmem:s23+$0xFFFFFFA0] =	vst v14;
	v7 =	vadd.f32 v7, v23;
	v23 =	vld [tilespmem:s15+$0x60];
	v18, _, _ =	vpop (xrf2)  }
0xbd: {  	v9 =	vmax.f32 v9, $0.0e+00;
	(xrf2) =	vadd.scan.msk.f32 $0xffff, v5;
	v5 =	vadd.f32 v50, v13;
	v13 =	vld [tilespmem:s15+$0x40];
	v18 =	vbroadcast v18, $0xF  }
0xbe: {  	v11 =	vmax.f32 v15, $0.0e+00;
	[tilespmem:s23+$0xFFFFFFB0] =	vst v9;
	v10 =	vmax.f32 v10, $0.0e+00;
	v17 =	vmul.f32 v8, v17  }
0xbf: {  	[tilespmem:s23+$0xFFFFFFC0] =	vst v11;
	v15 =	vmul.f32 v8, v21;
	v53 =	vmul.f32 v8, v51;
	v18 =	vadd.f32 v18, v0  }
0xc0: {  	v7 =	vmax.f32 v7, $0.0e+00;
	[tilespmem:s23+$0xFFFFFFE0] =	vst v10;
	v16 =	vmul.f32 v8, v52;
	v9 =	vmul.f32 v8, v19  }
0xc1: {  	[tilespmem:s23+$0xFFFFFFF0] =	vst v7;
	v21 =	vld [tilespmem:s15+$0x70];
	v5 =	vmax.f32 v5, $0.0e+00;
	v11 =	vmul.f32 v8, v23;
	v3 =	vmul.f32 v18, v3  }
0xc2: {  	[tilespmem:s23+$0xFFFFFFD0] =	vst v5;
	v13 =	vmul.f32 v8, v13;
	v4 =	vmul.f32 v18, v4  }
0xc3: {  	v14 =	vld.idx.msk [tilespmem:v37+s24+$0x0], $0xffff;
	[tilespmem:v2+s21+$0x0] =	vst.idx.msk $0x1, v6;
	v19 =	vmul.f32 v18, v28;
	v5 =	vmul.f32 v18, v27  }
0xc4: {  	v10 =	vmul.f32 v18, v26;
	v7 =	vmul.f32 v18, v25;
	v3 =	vadd.f32 v3, v17;
	v17 =	vld [tilespmem:s15+$0xFFFFFF80]  }
0xc5: {  	v6 =	vmul.f32 v18, v24;
	v4 =	vadd.f32 v4, v15;
	v15 =	vadd.f32 v19, v53;
	v19 =	vld [tilespmem:s15+$0xFFFFFF90]  }
0xc6: {  	v8 =	vmul.f32 v8, v21;
	v5 =	vadd.f32 v5, v16;
	v16 =	vld [tilespmem:s15+$0xFFFFFFA0];
	v2 =	vadd.f32 v13, v10  }
0xc7: {  	v3 =	vmax.f32 v3, $0.0e+00;
	v4 =	vmax.f32 v4, $0.0e+00;
	v15 =	vmax.f32 v15, $0.0e+00;
	v21, _, _ =	vpop (xrf2)  }
0xc8: {  	[tilespmem:s15+$0x0] =	vst v3;
	v3 =	vmax.f32 v5, $0.0e+00;
	v5 =	vadd.f32 v9, v7;
	v10 =	vbroadcast v21, $0xF  }
0xc9: {  	v2 =	vmax.f32 v2, $0.0e+00;
	v7 =	vmul.f32 v18, v29;
	[tilespmem:s15+$0x10] =	vst v4;
	v4 =	vadd.f32 v11, v6  }
0xca: {  	[tilespmem:s15+$0x20] =	vst v15;
	v6 =	vld [tilespmem:s15+$0xFFFFFFB0];
	v5 =	vmax.f32 v5, $0.0e+00;
	v9 =	vmul.f32 v14, v17;
	v0 =	vadd.f32 v10, v0  }
0xcb: {  	[tilespmem:s15+$0x30] =	vst v3;
	v3 =	vadd.f32 v8, v7;
	v7 =	vld [tilespmem:s15+$0xFFFFFFC0];
	v8 =	vmul.f32 v14, v16;
	v10 =	vmul.f32 v14, v19  }
0xcc: {  	[tilespmem:s15+$0x40] =	vst v2;
	v2 =	vmax.f32 v4, $0.0e+00;
	v4 =	vld [tilespmem:s15+$0xFFFFFFD0];
	v11 =	vmul.f32 v0, v20;
	v13 =	vmul.f32 v0, v22  }
0xcd: {  	[tilespmem:s15+$0x50] =	vst v5;
	v5 =	vld [tilespmem:s15+$0xFFFFFFE0];
	v15 =	vmul.f32 v0, v32;
	v16 =	vmul.f32 v0, v33  }
0xce: {  	[tilespmem:s15+$0x60] =	vst v2;
	v2 =	vld [tilespmem:s15+$0xFFFFFFF0];
	v3 =	vmax.f32 v3, $0.0e+00;
	v17 =	vmul.f32 v0, v35;
	v19 =	vmul.f32 v0, v34  }
0xcf: {  	v6 =	vmul.f32 v14, v6;
	v9 =	vadd.f32 v11, v9;
	v11 =	vmul.f32 v0, v30  }
0xd0: {  	[tilespmem:s15+$0x70] =	vst v3;
	v3 =	vadd.f32 v13, v10;
	v10 =	vmul.f32 v0, v31;
	v8 =	vadd.f32 v15, v8  }
0xd1: {  	[tilespmem:v12+s21+$0x0] =	vst.idx.msk $0x1, v18;
	v7 =	vmul.f32 v14, v7;
	v6 =	vadd.f32 v16, v6;
	v9 =	vmax.f32 v9, $0.0e+00  }
0xd2: {  	v4 =	vmul.f32 v14, v4;
	v5 =	vmul.f32 v14, v5;
	v3 =	vmax.f32 v3, $0.0e+00;
	[tilespmem:s15+$0xFFFFFF80] =	vst v9  }
0xd3: {  	v2 =	vmul.f32 v14, v2;
	v7 =	vadd.f32 v7, v17;
	v6 =	vmax.f32 v6, $0.0e+00;
	[tilespmem:s15+$0xFFFFFF90] =	vst v3  }
0xd4: {  	v4 =	vadd.f32 v4, v11;
	v3 =	vmax.f32 v8, $0.0e+00;
	[tilespmem:s15+$0xFFFFFFB0] =	vst v6  }
0xd5: {  	v2 =	vadd.f32 v2, v10;
	[tilespmem:s15+$0xFFFFFFA0] =	vst v3;
	v3 =	vadd.f32 v5, v19;
	v5 =	vmax.f32 v7, $0.0e+00  }
0xd6: {  	v4 =	vmax.f32 v4, $0.0e+00;
	[tilespmem:s15+$0xFFFFFFC0] =	vst v5  }
0xd7: {  	[tilespmem:s15+$0xFFFFFFD0] =	vst v4;
	v2 =	vmax.f32 v2, $0.0e+00  }
0xd8: {  	v3 =	vmax.f32 v3, $0.0e+00;
	[tilespmem:s15+$0xFFFFFFF0] =	vst v2  }
0xd9: {  	s20 =	sadd.s32 s6, s14;
	[tilespmem:s15+$0xFFFFFFE0] =	vst v3  }
0xda: {  	s18 =	simm.s32 $0x13900;
	s22 =	sshll.u32 s20, $0x4;
	[tilespmem:v1+s21+$0x0] =	vst.idx.msk $0x1, v0  }
0xdb: {  	[spmem:s31] =	stream.indirect.scatter.add.f32 [tilespmem:s29], [sflag:$0x7], $0x80, s18, s28, $0xb8;
	[tilespmem:$0x1E280] =	vst v63  }
0xdc: {  	s15 =	sadd.s32 s0, s22  }
0xdd: {  	[hbm4b:s15+s7] =	stream.linear.scatter [tilespmem:s21], [sflag:$0x9], $0x80, $0x38;
	[tilespmem:$0x1E280] =	vst v63  }
0xde: {  	_ =	swait.ge [sflag:s11], $0x2800  }
0xdf: {  	[sflag:s11] =	ssyncset.done $0x0  }
0xe0: {  	[sflag:s11] =	ssyncadd.s32 $0xFFFFD800  }
0xe1: {  	_ =	swait.ge [sflag:s26], $0x180  }
0xe2: {  	[sflag:s26] =	ssyncset.done $0x0  }
0xe3: {  	[sflag:s26] =	ssyncadd.s32 $0xFFFFFE80  }
0xe4: {  	s23 =	smul.u32 $0x500, s3;
	s5 =	rddreg [dreg:$0x0]  }
0xe5: {  	[tilespmem:s29], [sflag:$0x3] =	stream.indirect.gather [hbm4b:s5+s28], $0x80, s2, s28, $0xb8;
	[tilespmem:$0x1E280] =	vst v63  }
0xe6: {  	s18 =	simm.s32 $0x14080;
	s15 =	sadd.s32 s8, s23  }
0xe7: {  	[tilespmem:s18], [sflag:$0x5] =	stream.linear.gather [hbm4b:s15+s7], $0x2800, $0x38;
	[tilespmem:$0x1E280] =	vst v63  }
0xe8: {  	s15 =	sadd.s32 $0x3, s20  }
0xe9: {  	s1 =	sshll.u32 s15, $0x6  }
0xea: {  	s1 =	sand.u32 $0x1FFFFFC0, s1  }
0xeb: {  	s1 =	sadd.s32 s9, s1  }
0xec: {  	[tilespmem:s12], [sflag:$0x2] =	stream.linear.gather [hbm4b:s1+s7], $0x180, $0x38;
	[tilespmem:$0x1E280] =	vst v63  }
0xed: {  	_ =	swait.ge [sflag:s13], $0x2800  }
0xee: {  	[sflag:s13] =	ssyncset.done $0x0  }
0xef: {  	[sflag:s13] =	ssyncadd.s32 $0xFFFFD800  }
0xf0: {  	_ =	swait.ge [sflag:s16], $0x2800  }
0xf1: {  	[sflag:s16] =	ssyncset.done $0x0  }
0xf2: {  	s1 =	simm.s32 @!p1 $0xA;
	[sflag:s16] =	ssyncadd.s32 $0xFFFFD800  }
0xf3: {  	_ =	swait.ge @!p1 [sflag:s1], $0x80  }
0xf4: {  	[sflag:s1] =	ssyncset.done @!p1 $0x0  }
0xf5: {  	[sflag:s1] =	ssyncadd.s32 @!p1 $0xFFFFFF80  }
0xf6: {  	v11 =	vld [tilespmem:$0x1E180]  }
0xf7: {  	v12 =	vld [tilespmem:$0x1E190]  }
0xf8: {  	v14 =	vld [tilespmem:$0x1E1A0]  }
0xf9: {  	v10 =	vld [tilespmem:$0x1E1B0]  }
0xfa: {  	v8 =	vld [tilespmem:$0x1E1C0]  }
0xfb: {  	v9 =	vld [tilespmem:$0x1E1D0]  }
0xfc: {  	v5 =	vld [tilespmem:$0x1E1E0]  }
0xfd: {  	s20 =	simm.s32 $0x16900;
	v6 =	vld [tilespmem:$0x1E1F0]  }
0xfe: {  	v1 =	vld [tilespmem:s20+$0x0]  }
0xff: {  	v24 =	vld [tilespmem:s20+$0x10]  }
0x100: {  	v25 =	vld [tilespmem:s20+$0x20]  }
0x101: {  	v29 =	vld [tilespmem:s20+$0x30]  }
0x102: {  	v30 =	vld [tilespmem:s20+$0x40]  }
0x103: {  	v31 =	vld [tilespmem:s20+$0x50]  }
0x104: {  	v32 =	vld [tilespmem:s20+$0x60]  }
0x105: {  	v33 =	vld [tilespmem:s20+$0x70];
	_ =	sdelay $0x1  }
0x106: {  	s23 =	simm.s32 $0x1;
	v2 =	vmul.f32 v1, v11;
	v3 =	vmul.f32 v24, v12  }
0x107: {  	v36 =	vmov s23;
	v4 =	vmul.f32 v25, v14;
	v7 =	vmul.f32 v29, v10  }
0x108: {  	v20 =	vor.u32 $0x100, v36;
	v0 =	vld [tilespmem:$0x1E200];
	v15 =	vmul.f32 v30, v8;
	v16 =	vmul.f32 v31, v9  }
0x109: {  	v13 =	vld [tilespmem:s20+$0xFFFFFF80];
	v17 =	vmul.f32 v32, v5;
	v18 =	vmul.f32 v33, v6  }
0x10a: {  	v21 =	vld [tilespmem:s20+$0xFFFFFFD0];
	v3 =	vadd.f32 v3, v2;
	v4 =	vadd.f32 v7, v4  }
0x10b: {  	v19 =	vld [tilespmem:s20+$0xFFFFFFE0];
	v7 =	vadd.f32 v16, v15;
	v17 =	vadd.f32 v18, v17  }
0x10c: {  	v23 =	vld [tilespmem:s20+$0xFFFFFFF0]  }
0x10d: {  	v58 =	vld.idx.msk [tilespmem:v20+s25+$0x0], $0xffff;
	v3 =	vadd.f32 v4, v3;
	v4 =	vadd.f32 v17, v7  }
0x10e: {  	v16 =	vld [tilespmem:s20+$0xFFFFFF90]  }
0x10f: {  	v15 =	vld [tilespmem:s20+$0xFFFFFFA0];
	v3 =	vadd.f32 v4, v3  }
0x110: {  	s22 =	simm.s32 $0x0;
	v18 =	vld [tilespmem:s20+$0xFFFFFFC0]  }
0x111: {  	v2 =	vmov s22;
	s22 =	simm.s32 $0x1B900;
	v17 =	vld [tilespmem:s20+$0xFFFFFFB0];
	(xrf2) =	vadd.scan.msk.f32 $0xffff, v3  }
0x112: {  	v22 =	vld [tilespmem:s22+$0x0]  }
0x113: {  	v27 =	vmul.f32 v13, v11;
	v57 =	vmul.f32 v21, v9;
	v26 =	vld [tilespmem:s22+$0x10]  }
0x114: {  	v20 =	vmul.f32 v19, v5;
	v59 =	vmul.f32 v23, v6;
	v60 =	vld [tilespmem:s22+$0x20]  }
0x115: {  	v61 =	vld [tilespmem:s22+$0x30];
	v28 =	vmul.f32 v16, v12;
	v54 =	vmul.f32 v15, v14  }
0x116: {  	v63 =	vld [tilespmem:s22+$0x40];
	v56 =	vmul.f32 v18, v8;
	v55 =	vmul.f32 v17, v10  }
0x117: {  	v20 =	vadd.f32 v59, v20;
	v49 =	vld [tilespmem:s22+$0x50];
	v27 =	vadd.f32 v28, v27  }
0x118: {  	s23 =	simm.s32 $0x16A00;
	v50 =	vld [tilespmem:s22+$0x60];
	v62 =	vadd.f32 v57, v56;
	v28 =	vadd.f32 v55, v54  }
0x119: {  	v4 =	vld [tilespmem:s23+$0x10]  }
0x11a: {  	v7 =	vor.u32 $0x100, v2;
	v3 =	vld [tilespmem:s23+$0x0];
	v35 =	vadd.f32 v20, v62;
	v27 =	vadd.f32 v28, v27  }
0x11b: {  	v47 =	vld [tilespmem:s22+$0x70];
	v51 =	vmul.f32 v58, v22;
	v52 =	vmul.f32 v58, v26;
	v48, _, _ =	vpop (xrf2)  }
0x11c: {  	v41 =	vmul.f32 v58, v60;
	v26 =	vadd.f32 v35, v27;
	v27 =	vld [tilespmem:s23+$0x30];
	v28 =	vbroadcast v48, $0xF  }
0x11d: {  	v34 =	vmul.f32 v58, v61;
	v37 =	vmul.f32 v58, v63  }
0x11e: {  	v22 =	vld [tilespmem:s23+$0xFFFFFF90];
	v38 =	vmul.f32 v58, v49;
	v40 =	vmul.f32 v58, v50;
	v45 =	vadd.f32 v28, v0  }
0x11f: {  	v7 =	vld.idx.msk [tilespmem:v7+s25+$0x0], $0xffff;
	v43 =	vmul.f32 v4, v12;
	v42 =	vmul.f32 v3, v11  }
0x120: {  	v39 =	vmul.f32 v58, v47;
	v20 =	vld [tilespmem:s23+$0xFFFFFF80];
	v53 =	vmul.f32 v45, v1  }
0x121: {  	s20 =	simm.s32 $0x2;
	v42 =	vadd.f32 v43, v42;
	(xrf2) =	vadd.scan.msk.f32 $0xffff, v26;
	v26 =	vld [tilespmem:s23+$0x40];
	v60 =	vmul.f32 v27, v10;
	v24 =	vmul.f32 v45, v24  }
0x122: {  	v28 =	vld [tilespmem:s23+$0x20];
	v1 =	vmov s20;
	v54 =	vmul.f32 v45, v25;
	v35 =	vadd.f32 v53, v51  }
0x123: {  	v29 =	vmul.f32 v45, v29;
	v25 =	vld [tilespmem:s23+$0x50];
	v30 =	vmul.f32 v45, v30;
	v46 =	vadd.f32 v24, v52  }
0x124: {  	v31 =	vmul.f32 v45, v31;
	v41 =	vadd.f32 v54, v41;
	v24 =	vld [tilespmem:s23+$0x60];
	v35 =	vmax.f32 v35, $0.0e+00  }
0x125: {  	v57 =	vmul.f32 v45, v32;
	v34 =	vadd.f32 v29, v34;
	v29 =	vld [tilespmem:s23+$0x70];
	v55 =	vmax.f32 v46, $0.0e+00;
	[tilespmem:s22+$0x0] =	vst v35  }
0x126: {  	v32 =	vld [tilespmem:s23+$0xFFFFFFA0];
	v58 =	vmul.f32 v45, v33;
	v30 =	vadd.f32 v37, v30;
	v56 =	vmax.f32 v41, $0.0e+00;
	[tilespmem:s22+$0x10] =	vst v55  }
0x127: {  	v33 =	vld [tilespmem:s23+$0xFFFFFFB0];
	v61 =	vmul.f32 v26, v8;
	v31 =	vadd.f32 v38, v31;
	v34 =	vmax.f32 v34, $0.0e+00;
	[tilespmem:s22+$0x20] =	vst v56  }
0x128: {  	v37 =	vadd.f32 v40, v57;
	v38 =	vadd.f32 v39, v58;
	v30 =	vmax.f32 v30, $0.0e+00;
	[tilespmem:s22+$0x30] =	vst v34;
	v35 =	vld [tilespmem:s23+$0xFFFFFFC0]  }
0x129: {  	v59 =	vmul.f32 v28, v14;
	v31 =	vmax.f32 v31, $0.0e+00;
	[tilespmem:s22+$0x40] =	vst v30;
	v30 =	vld [tilespmem:s23+$0xFFFFFFD0];
	v62 =	vmul.f32 v25, v9  }
0x12a: {  	v37 =	vmax.f32 v37, $0.0e+00;
	[tilespmem:s22+$0x50] =	vst v31;
	v34 =	vld [tilespmem:s23+$0xFFFFFFE0];
	v63 =	vmul.f32 v24, v5;
	v48 =	vmul.f32 v29, v6  }
0x12b: {  	v40 =	vmul.f32 v20, v11;
	v38 =	vmax.f32 v38, $0.0e+00;
	[tilespmem:s22+$0x60] =	vst v37;
	v31 =	vld [tilespmem:s23+$0xFFFFFFF0];
	v43 =	vadd.f32 v60, v59  }
0x12c: {  	v39 =	vld [tilespmem:s22+$0xFFFFFF80];
	v49, _, _ =	vpop (xrf2);
	[tilespmem:s22+$0x70] =	vst v38;
	v41 =	vmul.f32 v32, v14;
	v44 =	vadd.f32 v62, v61;
	v46 =	vadd.f32 v48, v63  }
0x12d: {  	s18 =	simm.s32 $0x1B900;
	s1 =	simm.s32 $0x4;
	v37 =	vor.u32 $0x100, v1;
	v38 =	vbroadcast v49, $0xF;
	[tilespmem:v36+s17+$0x0] =	vst.idx.msk $0x1, v45;
	v45 =	vmul.f32 v22, v12;
	v36 =	vld [tilespmem:s22+$0xFFFFFF90]  }
.LBB2_5:
0x12e: {  	p1 =	slt.u32 s1, $0x4E;
	v47 =	vmul.f32 v33, v10;
	v42 =	vadd.f32 v43, v42;
	v43 =	vadd.f32 v46, v44;
	v44 =	vld [tilespmem:s22+$0xFFFFFFA0]  }
0x12f: {  	v46 =	vmul.f32 v35, v8;
	v48 =	vmul.f32 v30, v9;
	v40 =	vadd.f32 v45, v40;
	v45 =	vld [tilespmem:s22+$0xFFFFFFB0]  }
0x130: {  	v49 =	vmul.f32 v34, v5;
	v50 =	vmul.f32 v31, v6;
	v42 =	vadd.f32 v43, v42;
	v43 =	vld [tilespmem:s22+$0xFFFFFFC0]  }
0x131: {  	v41 =	vadd.f32 v47, v41;
	v46 =	vadd.f32 v48, v46;
	v39 =	vmul.f32 v7, v39;
	v47 =	vld [tilespmem:s22+$0xFFFFFFD0]  }
0x132: {  	s5 =	sadd.s32 $0x1, s20;
	v38 =	vadd.f32 v38, v0;
	s20 =	smov.u32 s1;
	v48 =	vadd.f32 v50, v49;
	(xrf2) =	vadd.scan.msk.f32 $0xffff, v42;
	v42 =	vmul.f32 v7, v36;
	v49 =	vld [tilespmem:s22+$0xFFFFFFE0]  }
0x133: {  	v40 =	vadd.f32 v41, v40;
	v36 =	vmov s5;
	v41 =	vmul.f32 v7, v44;
	v44 =	vld [tilespmem:s22+$0xFFFFFFF0]  }
0x134: {  	v50 =	vmul.f32 v38, v13;
	v13 =	vmovc v20;
	s22 =	sadd.s32 $0x100, s22;
	v46 =	vadd.f32 v48, v46;
	v37 =	vld.idx.msk [tilespmem:v37+s25+$0x0], $0xffff;
	v48 =	vor.u32 $0x100, v36  }
0x135: {  	v51 =	vmov s1;
	v52 =	vmul.f32 v38, v16;
	v53 =	vmul.f32 v38, v15;
	v16 =	vmovc v22;
	v15 =	vmovc v32;
	v20 =	vld [tilespmem:s22+$0x0]  }
0x136: {  	s23 =	sadd.s32 $0x100, s23;
	v22 =	vadd.f32 v46, v40;
	v32 =	vld [tilespmem:s22+$0x10];
	v40 =	vmul.f32 v38, v17;
	v46 =	vmul.f32 v38, v18;
	v17 =	vmovc v33  }
0x137: {  	v21 =	vmul.f32 v38, v21;
	v39 =	vadd.f32 v50, v39;
	v50 =	vmul.f32 v38, v19;
	v18 =	vmovc v35;
	v33 =	vld [tilespmem:s23+$0x0]  }
0x138: {  	v23 =	vmul.f32 v38, v23;
	v35 =	vld [tilespmem:s23+$0x10];
	(xrf2) =	vadd.scan.msk.f32 $0xffff, v22;
	v22 =	vadd.f32 v52, v42;
	v52 =	vmul.f32 v7, v45  }
0x139: {  	v41 =	vadd.f32 v53, v41;
	v43 =	vmul.f32 v7, v43;
	v45 =	vmul.f32 v7, v47;
	v42 =	vld.idx.msk [tilespmem:v48+s25+$0x0], $0xffff  }
0x13a: {  	v44 =	vmul.f32 v7, v44;
	v48 =	vmul.f32 v7, v49;
	v7 =	vmovc v37;
	v47 =	vld [tilespmem:s22+$0x20];
	v40 =	vadd.f32 v40, v52  }
0x13b: {  	v19 =	vmovc v34;
	v39 =	vmax.f32 v39, $0.0e+00;
	v43 =	vadd.f32 v43, v46;
	v45 =	vadd.f32 v45, v21;
	v21 =	vmovc v30;
	v37 =	vld [tilespmem:s22+$0x30]  }
0x13c: {  	v22 =	vmax.f32 v22, $0.0e+00;
	v44 =	vadd.f32 v44, v23;
	v30 =	vld [tilespmem:s22+$0x40];
	v34, _, _ =	vpop (xrf2);
	[tilespmem:s18+$0xFFFFFF80] =	vst v39;
	v39 =	vadd.f32 v48, v50  }
0x13d: {  	v23 =	vmovc v31;
	v40 =	vmax.f32 v40, $0.0e+00;
	v34 =	vbroadcast v34, $0xF;
	v46 =	vld [tilespmem:s22+$0x50];
	[tilespmem:s18+$0xFFFFFF90] =	vst v22;
	v22 =	vmax.f32 v41, $0.0e+00  }
0x13e: {  	v41 =	vmul.f32 v33, v11;
	v48 =	vmul.f32 v35, v12;
	v31 =	vld [tilespmem:s22+$0x60];
	[tilespmem:s18+$0xFFFFFFA0] =	vst v22;
	v22 =	vmax.f32 v43, $0.0e+00  }
0x13f: {  	v32 =	vmul.f32 v42, v32;
	v49 =	vadd.f32 v34, v0;
	v34 =	vmul.f32 v42, v20;
	v43 =	vld [tilespmem:s22+$0x70];
	[tilespmem:s18+$0xFFFFFFB0] =	vst v40  }
0x140: {  	v45 =	vmax.f32 v45, $0.0e+00;
	v40 =	vmul.f32 v42, v47;
	v20 =	vld [tilespmem:s23+$0xFFFFFF80];
	v37 =	vmul.f32 v42, v37;
	[tilespmem:s18+$0xFFFFFFC0] =	vst v22  }
0x141: {  	v39 =	vmax.f32 v39, $0.0e+00;
	v22 =	vld [tilespmem:s23+$0xFFFFFF90];
	v47 =	vmul.f32 v49, v3;
	v30 =	vmul.f32 v42, v30;
	[tilespmem:s18+$0xFFFFFFD0] =	vst v45;
	v3 =	vmovc v33  }
0x142: {  	v52 =	vmul.f32 v49, v4;
	v33 =	vld [tilespmem:s23+$0x20];
	v45 =	vmul.f32 v42, v46;
	v50, _, _ =	vpop (xrf2);
	[tilespmem:s18+$0xFFFFFFE0] =	vst v39;
	v39 =	vmax.f32 v44, $0.0e+00  }
0x143: {  	v28 =	vmul.f32 v49, v28;
	v44 =	vld [tilespmem:s23+$0x30];
	v34 =	vadd.f32 v47, v34;
	v31 =	vmul.f32 v42, v31;
	[tilespmem:s18+$0xFFFFFFF0] =	vst v39;
	s18 =	smov.u32 s22  }
0x144: {  	v27 =	vmul.f32 v49, v27;
	v4 =	vmovc v35;
	v32 =	vadd.f32 v52, v32;
	v39 =	vld [tilespmem:s23+$0x40];
	v42 =	vmul.f32 v42, v43  }
0x145: {  	v26 =	vmul.f32 v49, v26;
	v35 =	vadd.f32 v28, v40;
	v43 =	vld [tilespmem:s23+$0x50];
	v34 =	vmax.f32 v34, $0.0e+00;
	[tilespmem:v2+s17+$0x0] =	vst.idx.msk $0x1, v38  }
0x146: {  	v25 =	vmul.f32 v49, v25;
	v40 =	vadd.f32 v27, v37;
	v32 =	vmax.f32 v32, $0.0e+00;
	v2 =	vmovc v1;
	v38 =	vld [tilespmem:s23+$0x60];
	[tilespmem:s22+$0x0] =	vst v34  }
0x147: {  	v24 =	vmul.f32 v49, v24;
	v46 =	vadd.f32 v30, v26;
	v1 =	vmovc v51;
	v34 =	vmax.f32 v35, $0.0e+00;
	v47 =	vld [tilespmem:s23+$0x70];
	[tilespmem:s22+$0x10] =	vst v32  }
0x148: {  	v29 =	vmul.f32 v49, v29;
	v30 =	vmax.f32 v40, $0.0e+00;
	v28 =	vmovc v33;
	v32 =	vld [tilespmem:s23+$0xFFFFFFA0];
	[tilespmem:s22+$0x20] =	vst v34;
	v34 =	vadd.f32 v45, v25  }
0x149: {  	v40 =	vadd.f32 v31, v24;
	v37 =	vmul.f32 v28, v14;
	v27 =	vmovc v44;
	v33 =	vld [tilespmem:s23+$0xFFFFFFB0];
	[tilespmem:s22+$0x30] =	vst v30;
	v30 =	vmax.f32 v46, $0.0e+00  }
0x14a: {  	v29 =	vadd.f32 v42, v29;
	v44 =	vmul.f32 v27, v10;
	v26 =	vmovc v39;
	v35 =	vld [tilespmem:s23+$0xFFFFFFC0];
	[tilespmem:s22+$0x40] =	vst v30;
	v31 =	vmax.f32 v34, $0.0e+00  }
.Ltmp1:
0x14b: {  	v39 =	vmul.f32 v26, v8;
	v45 =	vmul.f32 v43, v9;
	v25 =	vmovc v43;
	v30 =	vld [tilespmem:s23+$0xFFFFFFD0];
	[tilespmem:s22+$0x50] =	vst v31;
	v31 =	vmax.f32 v40, $0.0e+00;
	(pc) =	sbr.rel @p1 .LBB2_5-.Ltmp1, $4  }
0x14c: {  	v29 =	vmax.f32 v29, $0.0e+00;
	v46 =	vmul.f32 v38, v5;
	v24 =	vmovc v38;
	v34 =	vld [tilespmem:s23+$0xFFFFFFE0];
	v51 =	vmul.f32 v47, v6;
	[tilespmem:s22+$0x60] =	vst v31  }
0x14d: {  	v42 =	vadd.f32 v48, v41;
	v40 =	vmul.f32 v20, v11;
	v43 =	vadd.f32 v44, v37;
	v31 =	vld [tilespmem:s23+$0xFFFFFFF0];
	[tilespmem:s22+$0x70] =	vst v29  }
0x14e: {  	v38 =	vbroadcast v50, $0xF;
	v44 =	vadd.f32 v45, v39;
	v46 =	vadd.f32 v51, v46;
	v39 =	vld [tilespmem:s22+$0xFFFFFF80];
	[tilespmem:v36+s17+$0x0] =	vst.idx.msk $0x1, v49  }
0x14f: {  	s1 =	sadd.s32 $0x2, s1;
	v37 =	vor.u32 $0x100, v1;
	v45 =	vmul.f32 v22, v12;
	v41 =	vmul.f32 v32, v14;
	v29 =	vmovc v47;
	v36 =	vld [tilespmem:s22+$0xFFFFFF90]  }
0x150: {  	v11 =	vadd.f32 v43, v42;
	v12 =	vadd.f32 v46, v44  }
0x151: {  	v10 =	vmul.f32 v33, v10;
	v14 =	vld [tilespmem:s22+$0xFFFFFFA0]  }
0x152: {  	v8 =	vmul.f32 v35, v8;
	v9 =	vmul.f32 v30, v9;
	v47 =	vld [tilespmem:s22+$0xFFFFFFD0];
	v11 =	vadd.f32 v12, v11  }
0x153: {  	v5 =	vmul.f32 v34, v5;
	v12 =	vadd.f32 v45, v40;
	v6 =	vmul.f32 v31, v6  }
0x154: {  	v10 =	vadd.f32 v10, v41;
	v8 =	vadd.f32 v9, v8;
	(xrf2) =	vadd.scan.msk.f32 $0xffff, v11;
	v11 =	vmul.f32 v7, v39  }
0x155: {  	s1 =	sadd.s32 $0x1, s20;
	v9 =	vld [tilespmem:s22+$0xFFFFFFB0];
	v5 =	vadd.f32 v6, v5;
	v6 =	vadd.f32 v38, v0;
	v36 =	vmul.f32 v7, v36  }
0x156: {  	v10 =	vadd.f32 v10, v12;
	v12 =	vmov s1;
	v14 =	vmul.f32 v7, v14  }
0x157: {  	v46 =	vld [tilespmem:s22+$0xFFFFFFC0];
	v50 =	vmul.f32 v7, v47;
	v5 =	vadd.f32 v5, v8;
	v13 =	vmul.f32 v6, v13  }
0x158: {  	v48 =	vld [tilespmem:s22+$0xFFFFFFE0];
	v8 =	vor.u32 $0x100, v12;
	v16 =	vmul.f32 v6, v16;
	v15 =	vmul.f32 v6, v15  }
0x159: {  	v49 =	vld [tilespmem:s22+$0xFFFFFFF0];
	s22 =	sadd.s32 $0x100, s22;
	v18 =	vmul.f32 v6, v18;
	v19 =	vmul.f32 v6, v19  }
0x15a: {  	v51 =	vld [tilespmem:s22+$0x20];
	v23 =	vmul.f32 v6, v23;
	v9 =	vmul.f32 v7, v9  }
0x15b: {  	v52 =	vld [tilespmem:s22+$0x30];
	v5 =	vadd.f32 v5, v10;
	v10 =	vmul.f32 v6, v17;
	v11 =	vadd.f32 v13, v11  }
0x15c: {  	v17 =	vld [tilespmem:s22+$0x0];
	v13 =	vmul.f32 v6, v21;
	v16 =	vadd.f32 v16, v36;
	v14 =	vadd.f32 v15, v14  }
0x15d: {  	v9 =	vadd.f32 v10, v9;
	v10 =	vmul.f32 v7, v48;
	v11 =	vmax.f32 v11, $0.0e+00;
	v8 =	vld.idx.msk [tilespmem:v8+s25+$0x0], $0xffff  }
0x15e: {  	v21 =	vld [tilespmem:s22+$0x10];
	v15 =	vmul.f32 v7, v46;
	v7 =	vmul.f32 v7, v49;
	v16 =	vmax.f32 v16, $0.0e+00;
	[tilespmem:s18+$0xFFFFFF80] =	vst v11  }
0x15f: {  	v14 =	vmax.f32 v14, $0.0e+00;
	[tilespmem:s18+$0xFFFFFF90] =	vst v16;
	v10 =	vadd.f32 v10, v19;
	v19 =	vld [tilespmem:s22+$0x50]  }
0x160: {  	v15 =	vadd.f32 v15, v18;
	[tilespmem:s18+$0xFFFFFFA0] =	vst v14;
	v7 =	vadd.f32 v7, v23;
	v23 =	vld [tilespmem:s22+$0x60];
	v18, _, _ =	vpop (xrf2)  }
0x161: {  	v9 =	vmax.f32 v9, $0.0e+00;
	(xrf2) =	vadd.scan.msk.f32 $0xffff, v5;
	v5 =	vadd.f32 v50, v13;
	v13 =	vld [tilespmem:s22+$0x40];
	v18 =	vbroadcast v18, $0xF  }
0x162: {  	v11 =	vmax.f32 v15, $0.0e+00;
	[tilespmem:s18+$0xFFFFFFB0] =	vst v9;
	v10 =	vmax.f32 v10, $0.0e+00;
	v17 =	vmul.f32 v8, v17  }
0x163: {  	[tilespmem:s18+$0xFFFFFFC0] =	vst v11;
	v15 =	vmul.f32 v8, v21;
	v53 =	vmul.f32 v8, v51;
	v18 =	vadd.f32 v18, v0  }
0x164: {  	v7 =	vmax.f32 v7, $0.0e+00;
	[tilespmem:s18+$0xFFFFFFE0] =	vst v10;
	v16 =	vmul.f32 v8, v52;
	v9 =	vmul.f32 v8, v19  }
0x165: {  	[tilespmem:s18+$0xFFFFFFF0] =	vst v7;
	v21 =	vld [tilespmem:s22+$0x70];
	v5 =	vmax.f32 v5, $0.0e+00;
	v11 =	vmul.f32 v8, v23;
	v3 =	vmul.f32 v18, v3  }
0x166: {  	[tilespmem:s18+$0xFFFFFFD0] =	vst v5;
	v13 =	vmul.f32 v8, v13;
	v4 =	vmul.f32 v18, v4  }
0x167: {  	v14 =	vld.idx.msk [tilespmem:v37+s25+$0x0], $0xffff;
	[tilespmem:v2+s17+$0x0] =	vst.idx.msk $0x1, v6;
	v19 =	vmul.f32 v18, v28;
	v5 =	vmul.f32 v18, v27  }
0x168: {  	v10 =	vmul.f32 v18, v26;
	v7 =	vmul.f32 v18, v25;
	v3 =	vadd.f32 v3, v17;
	v17 =	vld [tilespmem:s22+$0xFFFFFF80]  }
0x169: {  	v6 =	vmul.f32 v18, v24;
	v4 =	vadd.f32 v4, v15;
	v15 =	vadd.f32 v19, v53;
	v19 =	vld [tilespmem:s22+$0xFFFFFF90]  }
0x16a: {  	v8 =	vmul.f32 v8, v21;
	v5 =	vadd.f32 v5, v16;
	v16 =	vld [tilespmem:s22+$0xFFFFFFA0];
	v2 =	vadd.f32 v13, v10  }
0x16b: {  	v3 =	vmax.f32 v3, $0.0e+00;
	v4 =	vmax.f32 v4, $0.0e+00;
	v15 =	vmax.f32 v15, $0.0e+00;
	v21, _, _ =	vpop (xrf2)  }
0x16c: {  	[tilespmem:s22+$0x0] =	vst v3;
	v3 =	vmax.f32 v5, $0.0e+00;
	v5 =	vadd.f32 v9, v7;
	v10 =	vbroadcast v21, $0xF  }
0x16d: {  	v2 =	vmax.f32 v2, $0.0e+00;
	v7 =	vmul.f32 v18, v29;
	[tilespmem:s22+$0x10] =	vst v4;
	v4 =	vadd.f32 v11, v6  }
0x16e: {  	[tilespmem:s22+$0x20] =	vst v15;
	v6 =	vld [tilespmem:s22+$0xFFFFFFB0];
	v5 =	vmax.f32 v5, $0.0e+00;
	v9 =	vmul.f32 v14, v17;
	v0 =	vadd.f32 v10, v0  }
0x16f: {  	[tilespmem:s22+$0x30] =	vst v3;
	v3 =	vadd.f32 v8, v7;
	v7 =	vld [tilespmem:s22+$0xFFFFFFC0];
	v8 =	vmul.f32 v14, v16;
	v10 =	vmul.f32 v14, v19  }
0x170: {  	[tilespmem:s22+$0x40] =	vst v2;
	v2 =	vmax.f32 v4, $0.0e+00;
	v4 =	vld [tilespmem:s22+$0xFFFFFFD0];
	v11 =	vmul.f32 v0, v20;
	v13 =	vmul.f32 v0, v22  }
0x171: {  	[tilespmem:s22+$0x50] =	vst v5;
	v5 =	vld [tilespmem:s22+$0xFFFFFFE0];
	v15 =	vmul.f32 v0, v32;
	v16 =	vmul.f32 v0, v33  }
0x172: {  	[tilespmem:s22+$0x60] =	vst v2;
	v2 =	vld [tilespmem:s22+$0xFFFFFFF0];
	v3 =	vmax.f32 v3, $0.0e+00;
	v17 =	vmul.f32 v0, v35;
	v19 =	vmul.f32 v0, v34  }
0x173: {  	v6 =	vmul.f32 v14, v6;
	v9 =	vadd.f32 v11, v9;
	v11 =	vmul.f32 v0, v30  }
0x174: {  	[tilespmem:s22+$0x70] =	vst v3;
	v3 =	vadd.f32 v13, v10;
	v10 =	vmul.f32 v0, v31;
	v8 =	vadd.f32 v15, v8  }
0x175: {  	[tilespmem:v12+s17+$0x0] =	vst.idx.msk $0x1, v18;
	v7 =	vmul.f32 v14, v7;
	v6 =	vadd.f32 v16, v6;
	v9 =	vmax.f32 v9, $0.0e+00  }
0x176: {  	v4 =	vmul.f32 v14, v4;
	v5 =	vmul.f32 v14, v5;
	v3 =	vmax.f32 v3, $0.0e+00;
	[tilespmem:s22+$0xFFFFFF80] =	vst v9  }
0x177: {  	v2 =	vmul.f32 v14, v2;
	v7 =	vadd.f32 v7, v17;
	v6 =	vmax.f32 v6, $0.0e+00;
	[tilespmem:s22+$0xFFFFFF90] =	vst v3  }
0x178: {  	v4 =	vadd.f32 v4, v11;
	v3 =	vmax.f32 v8, $0.0e+00;
	[tilespmem:s22+$0xFFFFFFB0] =	vst v6  }
0x179: {  	v2 =	vadd.f32 v2, v10;
	[tilespmem:s22+$0xFFFFFFA0] =	vst v3;
	v3 =	vadd.f32 v5, v19;
	v5 =	vmax.f32 v7, $0.0e+00  }
0x17a: {  	v4 =	vmax.f32 v4, $0.0e+00;
	[tilespmem:s22+$0xFFFFFFC0] =	vst v5  }
0x17b: {  	[tilespmem:s22+$0xFFFFFFD0] =	vst v4;
	v2 =	vmax.f32 v2, $0.0e+00  }
0x17c: {  	v3 =	vmax.f32 v3, $0.0e+00;
	[tilespmem:s22+$0xFFFFFFF0] =	vst v2  }
0x17d: {  	s5 =	sshll.u32 s30, $0x4;
	[tilespmem:s22+$0xFFFFFFE0] =	vst v3  }
0x17e: {  	s20 =	simm.s32 $0x1B880;
	s23 =	simm.s32 $0x13B00;
	s1 =	sand.u32 $0x1FFFFFF0, s5;
	[tilespmem:v1+s17+$0x0] =	vst.idx.msk $0x1, v0  }
0x17f: {  	[spmem:s31] =	stream.indirect.scatter.add.f32 [tilespmem:s20], [sflag:$0x8], $0x80, s23, s28, $0xb8;
	[tilespmem:$0x1E280] =	vst v63  }
0x180: {  	s5 =	simm.s32 $0x0;
	s1 =	sadd.s32 s0, s1;
	s18 =	simm.s32 $0x8  }
0x181: {  	[hbm4b:s1+s5] =	stream.linear.scatter [tilespmem:s17], [sflag:$0xA], $0x80, $0x38;
	[tilespmem:$0x1E280] =	vst v63  }
0x182: {  	_ =	swait.ge [sflag:s18], $0x2800  }
0x183: {  	[sflag:s18] =	ssyncset.done $0x0  }
0x184: {  	s22 =	simm.s32 $0x2;
	[sflag:s18] =	ssyncadd.s32 $0xFFFFD800  }
0x185: {  	_ =	swait.ge [sflag:s22], $0x180  }
0x186: {  	[sflag:s22] =	ssyncset.done $0x0  }
0x187: {  	s18 =	rddreg [dreg:$0xc];
	[sflag:s22] =	ssyncadd.s32 $0xFFFFFE80  }
0x188: {  	s23 =	smul.u32 $0x500, s15;
	s22 =	rddreg [dreg:$0x0]  }
0x189: {  	[tilespmem:s20], [sflag:$0x4] =	stream.indirect.gather [hbm4b:s22+s28], $0x80, s12, s28, $0xb8;
	[tilespmem:$0x1E280] =	vst v63  }
0x18a: {  	s1 =	sadd.s32 s8, s23;
	s23 =	simm.s32 $0x16880;
	s30 =	sadd.s32 s14, s18  }
0x18b: {  	[tilespmem:s23], [sflag:$0x6] =	stream.linear.gather [hbm4b:s1+s5], $0x2800, $0x38;
	[tilespmem:$0x1E280] =	vst v63  }
0x18c: {  	s1 =	sshll.u32 s30, $0x6  }
0x18d: {  	s1 =	sand.u32 $0x1FFFFFC0, s1  }
0x18e: {  	s1 =	sadd.s32 s9, s1  }
0x18f: {  	[tilespmem:s24], [sflag:$0x1] =	stream.linear.gather [hbm4b:s1+s5], $0x180, $0x38;
	[tilespmem:$0x1E280] =	vst v63  }
0x190: {  	_ =	swait.ge [sflag:s4], $0x2800  }
0x191: {  	[sflag:s4] =	ssyncset.done $0x0  }
0x192: {  	[sflag:s4] =	ssyncadd.s32 $0xFFFFD800  }
0x193: {  	_ =	swait.ge [sflag:s19], $0x2800  }
0x194: {  	[sflag:s19] =	ssyncset.done $0x0  }
0x195: {  	s20 =	simm.s32 $0x9;
	[sflag:s19] =	ssyncadd.s32 $0xFFFFD800  }
0x196: {  	_ =	swait.ge [sflag:s20], $0x80  }
0x197: {  	[sflag:s20] =	ssyncset.done $0x0  }
0x198: {  	[sflag:s20] =	ssyncadd.s32 $0xFFFFFF80  }
0x199: {  	v11 =	vld [tilespmem:$0x1E180]  }
0x19a: {  	v12 =	vld [tilespmem:$0x1E190]  }
0x19b: {  	v14 =	vld [tilespmem:$0x1E1A0]  }
0x19c: {  	v10 =	vld [tilespmem:$0x1E1B0]  }
0x19d: {  	v8 =	vld [tilespmem:$0x1E1C0]  }
0x19e: {  	v9 =	vld [tilespmem:$0x1E1D0]  }
0x19f: {  	v6 =	vld [tilespmem:$0x1E1E0]  }
0x1a0: {  	s22 =	simm.s32 $0x14100;
	v7 =	vld [tilespmem:$0x1E1F0]  }
0x1a1: {  	v1 =	vld [tilespmem:s22+$0x0]  }
0x1a2: {  	v24 =	vld [tilespmem:s22+$0x10]  }
0x1a3: {  	v25 =	vld [tilespmem:s22+$0x20]  }
0x1a4: {  	v29 =	vld [tilespmem:s22+$0x30]  }
0x1a5: {  	v30 =	vld [tilespmem:s22+$0x40]  }
0x1a6: {  	v31 =	vld [tilespmem:s22+$0x50]  }
0x1a7: {  	v32 =	vld [tilespmem:s22+$0x60]  }
0x1a8: {  	v33 =	vld [tilespmem:s22+$0x70];
	_ =	sdelay $0x1  }
0x1a9: {  	s23 =	simm.s32 $0x1;
	v2 =	vmul.f32 v1, v11;
	v3 =	vmul.f32 v24, v12  }
0x1aa: {  	v36 =	vmov s23;
	v4 =	vmul.f32 v25, v14;
	v5 =	vmul.f32 v29, v10  }
0x1ab: {  	v20 =	vor.u32 $0x100, v36;
	v0 =	vld [tilespmem:$0x1E200];
	v15 =	vmul.f32 v30, v8;
	v16 =	vmul.f32 v31, v9  }
0x1ac: {  	v13 =	vld [tilespmem:s22+$0xFFFFFF80];
	v17 =	vmul.f32 v32, v6;
	v18 =	vmul.f32 v33, v7  }
0x1ad: {  	v21 =	vld [tilespmem:s22+$0xFFFFFFD0];
	v3 =	vadd.f32 v3, v2;
	v4 =	vadd.f32 v5, v4  }
0x1ae: {  	v19 =	vld [tilespmem:s22+$0xFFFFFFE0];
	v5 =	vadd.f32 v16, v15;
	v17 =	vadd.f32 v18, v17  }
0x1af: {  	v23 =	vld [tilespmem:s22+$0xFFFFFFF0]  }
0x1b0: {  	v58 =	vld.idx.msk [tilespmem:v20+s2+$0x0], $0xffff;
	v3 =	vadd.f32 v4, v3;
	v4 =	vadd.f32 v17, v5  }
0x1b1: {  	v16 =	vld [tilespmem:s22+$0xFFFFFF90]  }
0x1b2: {  	v15 =	vld [tilespmem:s22+$0xFFFFFFA0];
	v3 =	vadd.f32 v4, v3  }
0x1b3: {  	v18 =	vld [tilespmem:s22+$0xFFFFFFC0]  }
0x1b4: {  	v17 =	vld [tilespmem:s22+$0xFFFFFFB0];
	s22 =	simm.s32 $0x19100;
	(xrf2) =	vadd.scan.msk.f32 $0xffff, v3  }
0x1b5: {  	v22 =	vld [tilespmem:s22+$0x0]  }
0x1b6: {  	v27 =	vmul.f32 v13, v11;
	v57 =	vmul.f32 v21, v9;
	v26 =	vld [tilespmem:s22+$0x10]  }
0x1b7: {  	v20 =	vmul.f32 v19, v6;
	v59 =	vmul.f32 v23, v7;
	v60 =	vld [tilespmem:s22+$0x20]  }
0x1b8: {  	v61 =	vld [tilespmem:s22+$0x30];
	v28 =	vmul.f32 v16, v12;
	v54 =	vmul.f32 v15, v14  }
0x1b9: {  	v63 =	vld [tilespmem:s22+$0x40];
	v56 =	vmul.f32 v18, v8;
	v55 =	vmul.f32 v17, v10  }
0x1ba: {  	v20 =	vadd.f32 v59, v20;
	v49 =	vld [tilespmem:s22+$0x50];
	v27 =	vadd.f32 v28, v27  }
0x1bb: {  	s23 =	simm.s32 $0x14200;
	v2 =	vmov s5;
	v50 =	vld [tilespmem:s22+$0x60];
	v62 =	vadd.f32 v57, v56;
	v28 =	vadd.f32 v55, v54  }
0x1bc: {  	v5 =	vor.u32 $0x100, v2;
	v4 =	vld [tilespmem:s23+$0x10]  }
0x1bd: {  	v3 =	vld [tilespmem:s23+$0x0];
	v35 =	vadd.f32 v20, v62;
	v27 =	vadd.f32 v28, v27  }
0x1be: {  	v53 =	vld [tilespmem:s22+$0x70];
	v51 =	vmul.f32 v58, v22;
	v52 =	vmul.f32 v58, v26;
	v48, _, _ =	vpop (xrf2)  }
0x1bf: {  	v41 =	vmul.f32 v58, v60;
	v26 =	vadd.f32 v35, v27;
	v27 =	vld [tilespmem:s23+$0x30];
	v28 =	vbroadcast v48, $0xF  }
0x1c0: {  	v34 =	vmul.f32 v58, v61;
	v37 =	vmul.f32 v58, v63  }
0x1c1: {  	v5 =	vld.idx.msk [tilespmem:v5+s2+$0x0], $0xffff;
	v38 =	vmul.f32 v58, v49;
	v43 =	vmul.f32 v58, v50;
	v47 =	vadd.f32 v28, v0  }
0x1c2: {  	v22 =	vld [tilespmem:s23+$0xFFFFFF90];
	v42 =	vmul.f32 v4, v12;
	v40 =	vmul.f32 v3, v11  }
0x1c3: {  	v39 =	vmul.f32 v58, v53;
	v20 =	vld [tilespmem:s23+$0xFFFFFF80];
	v54 =	vmul.f32 v47, v1  }
0x1c4: {  	s20 =	simm.s32 $0x2;
	v42 =	vadd.f32 v42, v40;
	(xrf2) =	vadd.scan.msk.f32 $0xffff, v26;
	v26 =	vld [tilespmem:s23+$0x40];
	v61 =	vmul.f32 v27, v10;
	v24 =	vmul.f32 v47, v24  }
0x1c5: {  	v28 =	vld [tilespmem:s23+$0x20];
	v1 =	vmov s20;
	v55 =	vmul.f32 v47, v25;
	v35 =	vadd.f32 v54, v51  }
0x1c6: {  	v29 =	vmul.f32 v47, v29;
	v25 =	vld [tilespmem:s23+$0x50];
	v30 =	vmul.f32 v47, v30;
	v45 =	vadd.f32 v24, v52  }
0x1c7: {  	v31 =	vmul.f32 v47, v31;
	v41 =	vadd.f32 v55, v41;
	v24 =	vld [tilespmem:s23+$0x60];
	v35 =	vmax.f32 v35, $0.0e+00  }
0x1c8: {  	v58 =	vmul.f32 v47, v32;
	v34 =	vadd.f32 v29, v34;
	v29 =	vld [tilespmem:s23+$0x70];
	v56 =	vmax.f32 v45, $0.0e+00;
	[tilespmem:s22+$0x0] =	vst v35  }
0x1c9: {  	v32 =	vld [tilespmem:s23+$0xFFFFFFA0];
	v59 =	vmul.f32 v47, v33;
	v30 =	vadd.f32 v37, v30;
	v57 =	vmax.f32 v41, $0.0e+00;
	[tilespmem:s22+$0x10] =	vst v56  }
0x1ca: {  	v33 =	vld [tilespmem:s23+$0xFFFFFFB0];
	v62 =	vmul.f32 v26, v8;
	v31 =	vadd.f32 v38, v31;
	v34 =	vmax.f32 v34, $0.0e+00;
	[tilespmem:s22+$0x20] =	vst v57  }
0x1cb: {  	v37 =	vadd.f32 v43, v58;
	v38 =	vadd.f32 v39, v59;
	v30 =	vmax.f32 v30, $0.0e+00;
	[tilespmem:s22+$0x30] =	vst v34;
	v35 =	vld [tilespmem:s23+$0xFFFFFFC0]  }
0x1cc: {  	v60 =	vmul.f32 v28, v14;
	v31 =	vmax.f32 v31, $0.0e+00;
	[tilespmem:s22+$0x40] =	vst v30;
	v30 =	vld [tilespmem:s23+$0xFFFFFFD0];
	v63 =	vmul.f32 v25, v9  }
0x1cd: {  	v37 =	vmax.f32 v37, $0.0e+00;
	[tilespmem:s22+$0x50] =	vst v31;
	v34 =	vld [tilespmem:s23+$0xFFFFFFE0];
	v48 =	vmul.f32 v24, v6;
	v49 =	vmul.f32 v29, v7  }
0x1ce: {  	v39 =	vmul.f32 v20, v11;
	v38 =	vmax.f32 v38, $0.0e+00;
	[tilespmem:s22+$0x60] =	vst v37;
	v31 =	vld [tilespmem:s23+$0xFFFFFFF0];
	v44 =	vadd.f32 v61, v60  }
0x1cf: {  	v40 =	vld [tilespmem:s22+$0xFFFFFF80];
	v43 =	vmul.f32 v22, v12;
	v50, _, _ =	vpop (xrf2);
	[tilespmem:s22+$0x70] =	vst v38;
	v45 =	vadd.f32 v63, v62;
	v46 =	vadd.f32 v49, v48  }
0x1d0: {  	s18 =	simm.s32 $0x19100;
	s1 =	simm.s32 $0x4;
	v41 =	vmul.f32 v32, v14;
	v37 =	vor.u32 $0x100, v1;
	v38 =	vbroadcast v50, $0xF;
	[tilespmem:v36+s21+$0x0] =	vst.idx.msk $0x1, v47;
	v36 =	vld [tilespmem:s22+$0xFFFFFF90]  }
.LBB2_7:
0x1d1: {  	p1 =	slt.u32 s1, $0x4E;
	v47 =	vmul.f32 v33, v10;
	v42 =	vadd.f32 v44, v42;
	v44 =	vadd.f32 v46, v45;
	v45 =	vld [tilespmem:s22+$0xFFFFFFA0]  }
0x1d2: {  	v46 =	vmul.f32 v35, v8;
	v48 =	vmul.f32 v30, v9;
	v39 =	vadd.f32 v43, v39;
	v43 =	vld [tilespmem:s22+$0xFFFFFFB0]  }
0x1d3: {  	v49 =	vmul.f32 v34, v6;
	v50 =	vmul.f32 v31, v7;
	v42 =	vadd.f32 v44, v42;
	v44 =	vld [tilespmem:s22+$0xFFFFFFC0]  }
0x1d4: {  	v41 =	vadd.f32 v47, v41;
	v46 =	vadd.f32 v48, v46;
	v40 =	vmul.f32 v5, v40;
	v47 =	vld [tilespmem:s22+$0xFFFFFFD0]  }
0x1d5: {  	s5 =	sadd.s32 $0x1, s20;
	v38 =	vadd.f32 v38, v0;
	s20 =	smov.u32 s1;
	v48 =	vadd.f32 v50, v49;
	(xrf2) =	vadd.scan.msk.f32 $0xffff, v42;
	v42 =	vmul.f32 v5, v36;
	v49 =	vld [tilespmem:s22+$0xFFFFFFE0]  }
0x1d6: {  	v39 =	vadd.f32 v41, v39;
	v36 =	vmov s5;
	v41 =	vmul.f32 v5, v45;
	v45 =	vld [tilespmem:s22+$0xFFFFFFF0]  }
0x1d7: {  	v50 =	vmul.f32 v38, v13;
	v13 =	vmovc v20;
	s22 =	sadd.s32 $0x100, s22;
	v46 =	vadd.f32 v48, v46;
	v37 =	vld.idx.msk [tilespmem:v37+s2+$0x0], $0xffff;
	v48 =	vor.u32 $0x100, v36  }
0x1d8: {  	v51 =	vmov s1;
	v52 =	vmul.f32 v38, v16;
	v53 =	vmul.f32 v38, v15;
	v16 =	vmovc v22;
	v15 =	vmovc v32;
	v20 =	vld [tilespmem:s22+$0x0]  }
0x1d9: {  	s23 =	sadd.s32 $0x100, s23;
	v22 =	vadd.f32 v46, v39;
	v32 =	vld [tilespmem:s22+$0x10];
	v39 =	vmul.f32 v38, v17;
	v46 =	vmul.f32 v38, v18;
	v17 =	vmovc v33  }
0x1da: {  	v21 =	vmul.f32 v38, v21;
	v40 =	vadd.f32 v50, v40;
	v50 =	vmul.f32 v38, v19;
	v18 =	vmovc v35;
	v33 =	vld [tilespmem:s23+$0x0]  }
0x1db: {  	v23 =	vmul.f32 v38, v23;
	v35 =	vld [tilespmem:s23+$0x10];
	(xrf2) =	vadd.scan.msk.f32 $0xffff, v22;
	v22 =	vadd.f32 v52, v42;
	v52 =	vmul.f32 v5, v43  }
0x1dc: {  	v41 =	vadd.f32 v53, v41;
	v43 =	vmul.f32 v5, v44;
	v44 =	vmul.f32 v5, v47;
	v42 =	vld.idx.msk [tilespmem:v48+s2+$0x0], $0xffff  }
0x1dd: {  	v45 =	vmul.f32 v5, v45;
	v48 =	vmul.f32 v5, v49;
	v5 =	vmovc v37;
	v47 =	vld [tilespmem:s22+$0x20];
	v39 =	vadd.f32 v39, v52  }
0x1de: {  	v19 =	vmovc v34;
	v40 =	vmax.f32 v40, $0.0e+00;
	v43 =	vadd.f32 v43, v46;
	v44 =	vadd.f32 v44, v21;
	v21 =	vmovc v30;
	v37 =	vld [tilespmem:s22+$0x30]  }
0x1df: {  	v22 =	vmax.f32 v22, $0.0e+00;
	v45 =	vadd.f32 v45, v23;
	v30 =	vld [tilespmem:s22+$0x40];
	v34, _, _ =	vpop (xrf2);
	[tilespmem:s18+$0xFFFFFF80] =	vst v40;
	v40 =	vadd.f32 v48, v50  }
0x1e0: {  	v23 =	vmovc v31;
	v39 =	vmax.f32 v39, $0.0e+00;
	v34 =	vbroadcast v34, $0xF;
	v46 =	vld [tilespmem:s22+$0x50];
	[tilespmem:s18+$0xFFFFFF90] =	vst v22;
	v22 =	vmax.f32 v41, $0.0e+00  }
0x1e1: {  	v41 =	vmul.f32 v33, v11;
	v48 =	vmul.f32 v35, v12;
	v31 =	vld [tilespmem:s22+$0x60];
	[tilespmem:s18+$0xFFFFFFA0] =	vst v22;
	v22 =	vmax.f32 v43, $0.0e+00  }
0x1e2: {  	v32 =	vmul.f32 v42, v32;
	v43 =	vadd.f32 v34, v0;
	v34 =	vmul.f32 v42, v20;
	v49 =	vld [tilespmem:s22+$0x70];
	[tilespmem:s18+$0xFFFFFFB0] =	vst v39  }
0x1e3: {  	v44 =	vmax.f32 v44, $0.0e+00;
	v39 =	vmul.f32 v42, v47;
	v20 =	vld [tilespmem:s23+$0xFFFFFF80];
	v37 =	vmul.f32 v42, v37;
	[tilespmem:s18+$0xFFFFFFC0] =	vst v22  }
0x1e4: {  	v40 =	vmax.f32 v40, $0.0e+00;
	v22 =	vld [tilespmem:s23+$0xFFFFFF90];
	v47 =	vmul.f32 v43, v3;
	v30 =	vmul.f32 v42, v30;
	[tilespmem:s18+$0xFFFFFFD0] =	vst v44;
	v3 =	vmovc v33  }
0x1e5: {  	v52 =	vmul.f32 v43, v4;
	v33 =	vld [tilespmem:s23+$0x20];
	v44 =	vmul.f32 v42, v46;
	v50, _, _ =	vpop (xrf2);
	[tilespmem:s18+$0xFFFFFFE0] =	vst v40;
	v40 =	vmax.f32 v45, $0.0e+00  }
0x1e6: {  	v28 =	vmul.f32 v43, v28;
	v45 =	vld [tilespmem:s23+$0x30];
	v34 =	vadd.f32 v47, v34;
	v31 =	vmul.f32 v42, v31;
	[tilespmem:s18+$0xFFFFFFF0] =	vst v40;
	s18 =	smov.u32 s22  }
0x1e7: {  	v27 =	vmul.f32 v43, v27;
	v4 =	vmovc v35;
	v32 =	vadd.f32 v52, v32;
	v40 =	vld [tilespmem:s23+$0x40];
	v42 =	vmul.f32 v42, v49  }
0x1e8: {  	v26 =	vmul.f32 v43, v26;
	v35 =	vadd.f32 v28, v39;
	v46 =	vld [tilespmem:s23+$0x50];
	v34 =	vmax.f32 v34, $0.0e+00;
	[tilespmem:v2+s21+$0x0] =	vst.idx.msk $0x1, v38  }
0x1e9: {  	v25 =	vmul.f32 v43, v25;
	v39 =	vadd.f32 v27, v37;
	v32 =	vmax.f32 v32, $0.0e+00;
	v2 =	vmovc v1;
	v38 =	vld [tilespmem:s23+$0x60];
	[tilespmem:s22+$0x0] =	vst v34  }
0x1ea: {  	v24 =	vmul.f32 v43, v24;
	v49 =	vadd.f32 v30, v26;
	v1 =	vmovc v51;
	v34 =	vmax.f32 v35, $0.0e+00;
	v47 =	vld [tilespmem:s23+$0x70];
	[tilespmem:s22+$0x10] =	vst v32  }
0x1eb: {  	v29 =	vmul.f32 v43, v29;
	v30 =	vmax.f32 v39, $0.0e+00;
	v28 =	vmovc v33;
	v32 =	vld [tilespmem:s23+$0xFFFFFFA0];
	[tilespmem:s22+$0x20] =	vst v34;
	v34 =	vadd.f32 v44, v25  }
0x1ec: {  	v39 =	vadd.f32 v31, v24;
	v37 =	vmul.f32 v28, v14;
	v27 =	vmovc v45;
	v33 =	vld [tilespmem:s23+$0xFFFFFFB0];
	[tilespmem:s22+$0x30] =	vst v30;
	v30 =	vmax.f32 v49, $0.0e+00  }
0x1ed: {  	v29 =	vadd.f32 v42, v29;
	v44 =	vmul.f32 v27, v10;
	v26 =	vmovc v40;
	v35 =	vld [tilespmem:s23+$0xFFFFFFC0];
	[tilespmem:s22+$0x40] =	vst v30;
	v31 =	vmax.f32 v34, $0.0e+00  }
.Ltmp2:
0x1ee: {  	v40 =	vmul.f32 v26, v8;
	v45 =	vmul.f32 v46, v9;
	v25 =	vmovc v46;
	v30 =	vld [tilespmem:s23+$0xFFFFFFD0];
	[tilespmem:s22+$0x50] =	vst v31;
	v31 =	vmax.f32 v39, $0.0e+00;
	(pc) =	sbr.rel @p1 .LBB2_7-.Ltmp2, $4  }
0x1ef: {  	v29 =	vmax.f32 v29, $0.0e+00;
	v46 =	vmul.f32 v38, v6;
	v24 =	vmovc v38;
	v34 =	vld [tilespmem:s23+$0xFFFFFFE0];
	v49 =	vmul.f32 v47, v7;
	[tilespmem:s22+$0x60] =	vst v31  }
0x1f0: {  	v42 =	vadd.f32 v48, v41;
	v39 =	vmul.f32 v20, v11;
	v44 =	vadd.f32 v44, v37;
	v31 =	vld [tilespmem:s23+$0xFFFFFFF0];
	[tilespmem:s22+$0x70] =	vst v29  }
0x1f1: {  	v38 =	vbroadcast v50, $0xF;
	v45 =	vadd.f32 v45, v40;
	v46 =	vadd.f32 v49, v46;
	v40 =	vld [tilespmem:s22+$0xFFFFFF80];
	[tilespmem:v36+s21+$0x0] =	vst.idx.msk $0x1, v43  }
0x1f2: {  	s1 =	sadd.s32 $0x2, s1;
	v37 =	vor.u32 $0x100, v1;
	v41 =	vmul.f32 v32, v14;
	v29 =	vmovc v47;
	v43 =	vmul.f32 v22, v12;
	v36 =	vld [tilespmem:s22+$0xFFFFFF90]  }
0x1f3: {  	v11 =	vadd.f32 v44, v42;
	v12 =	vadd.f32 v46, v45  }
0x1f4: {  	v10 =	vmul.f32 v33, v10;
	v8 =	vmul.f32 v35, v8  }
0x1f5: {  	v9 =	vmul.f32 v30, v9;
	v38 =	vadd.f32 v38, v0;
	v11 =	vadd.f32 v12, v11  }
0x1f6: {  	v14 =	vld [tilespmem:s22+$0xFFFFFFA0];
	s1 =	sadd.s32 $0x1, s20;
	v39 =	vadd.f32 v43, v39;
	v12 =	vmul.f32 v34, v6;
	v7 =	vmul.f32 v31, v7  }
0x1f7: {  	v49 =	vld [tilespmem:s22+$0xFFFFFFD0];
	v6 =	vmov s1;
	v8 =	vadd.f32 v9, v8;
	v13 =	vmul.f32 v38, v13;
	(xrf2) =	vadd.scan.msk.f32 $0xffff, v11  }
0x1f8: {  	v16 =	vmul.f32 v38, v16;
	v15 =	vmul.f32 v38, v15;
	v11 =	vld [tilespmem:s22+$0xFFFFFFB0];
	v7 =	vadd.f32 v7, v12  }
0x1f9: {  	v50 =	vld [tilespmem:s22+$0xFFFFFFE0];
	v10 =	vadd.f32 v10, v41;
	v18 =	vmul.f32 v38, v18;
	v19 =	vmul.f32 v38, v19  }
0x1fa: {  	v9 =	vmul.f32 v5, v40;
	v12 =	vld [tilespmem:s22+$0xFFFFFFC0];
	v7 =	vadd.f32 v7, v8;
	v8 =	vor.u32 $0x100, v6  }
0x1fb: {  	v51 =	vld [tilespmem:s22+$0xFFFFFFF0];
	s20 =	sadd.s32 $0x100, s22;
	v23 =	vmul.f32 v38, v23;
	v36 =	vmul.f32 v5, v36;
	v10 =	vadd.f32 v10, v39  }
0x1fc: {  	v52 =	vld [tilespmem:s20+$0x20];
	v14 =	vmul.f32 v5, v14;
	v9 =	vadd.f32 v13, v9;
	v13 =	vmul.f32 v38, v21  }
0x1fd: {  	v21 =	vld [tilespmem:s20+$0x10];
	v7 =	vadd.f32 v7, v10;
	v10 =	vmul.f32 v38, v17;
	v11 =	vmul.f32 v5, v11  }
0x1fe: {  	v16 =	vadd.f32 v16, v36;
	v14 =	vadd.f32 v15, v14;
	v9 =	vmax.f32 v9, $0.0e+00;
	v17 =	vld [tilespmem:s20+$0x0]  }
0x1ff: {  	v12 =	vmul.f32 v5, v12;
	v8 =	vld.idx.msk [tilespmem:v8+s2+$0x0], $0xffff;
	v10 =	vadd.f32 v10, v11;
	v11 =	vmul.f32 v5, v50  }
0x200: {  	v53 =	vld [tilespmem:s20+$0x30];
	v15 =	vmul.f32 v5, v49;
	[tilespmem:s18+$0xFFFFFF80] =	vst v9;
	v14 =	vmax.f32 v14, $0.0e+00;
	v5 =	vmul.f32 v5, v51  }
0x201: {  	[tilespmem:s18+$0xFFFFFFA0] =	vst v14;
	v12 =	vadd.f32 v12, v18;
	v11 =	vadd.f32 v11, v19;
	v10 =	vmax.f32 v10, $0.0e+00;
	v19 =	vld [tilespmem:s20+$0x60];
	v18, _, _ =	vpop (xrf2)  }
0x202: {  	(xrf2) =	vadd.scan.msk.f32 $0xffff, v7;
	v7 =	vadd.f32 v15, v13;
	v13 =	vld [tilespmem:s20+$0x40];
	v15 =	vmax.f32 v16, $0.0e+00;
	v16 =	vbroadcast v18, $0xF  }
0x203: {  	v5 =	vadd.f32 v5, v23;
	v9 =	vmax.f32 v12, $0.0e+00;
	[tilespmem:s18+$0xFFFFFFB0] =	vst v10  }
0x204: {  	[tilespmem:s18+$0xFFFFFFC0] =	vst v9;
	v18 =	vld [tilespmem:s20+$0x50];
	v17 =	vmul.f32 v8, v17;
	v12 =	vmul.f32 v8, v21;
	v16 =	vadd.f32 v16, v0  }
0x205: {  	[tilespmem:s18+$0xFFFFFF90] =	vst v15;
	v11 =	vmax.f32 v11, $0.0e+00;
	v21 =	vld [tilespmem:s20+$0x70];
	v23 =	vmul.f32 v8, v52;
	v15 =	vmul.f32 v8, v53  }
0x206: {  	v5 =	vmax.f32 v5, $0.0e+00;
	[tilespmem:s18+$0xFFFFFFE0] =	vst v11;
	v9 =	vmul.f32 v8, v19;
	v3 =	vmul.f32 v16, v3  }
0x207: {  	v7 =	vmax.f32 v7, $0.0e+00;
	[tilespmem:s18+$0xFFFFFFF0] =	vst v5;
	v13 =	vmul.f32 v8, v13;
	v4 =	vmul.f32 v16, v4  }
0x208: {  	[tilespmem:s18+$0xFFFFFFD0] =	vst v7;
	v7 =	vmul.f32 v16, v27;
	v11 =	vmul.f32 v16, v26  }
0x209: {  	v14 =	vld.idx.msk [tilespmem:v37+s2+$0x0], $0xffff;
	[tilespmem:v2+s21+$0x0] =	vst.idx.msk $0x1, v38;
	v10 =	vmul.f32 v8, v18;
	v18 =	vmul.f32 v16, v28  }
0x20a: {  	v3 =	vadd.f32 v3, v17;
	v4 =	vadd.f32 v4, v12;
	v8 =	vmul.f32 v8, v21;
	v17 =	vld [tilespmem:s20+$0xFFFFFF80]  }
0x20b: {  	v5 =	vadd.f32 v7, v15;
	v7 =	vmul.f32 v16, v25;
	v15 =	vld [tilespmem:s20+$0xFFFFFFA0];
	v2 =	vadd.f32 v13, v11  }
0x20c: {  	v11 =	vmul.f32 v16, v24;
	v12 =	vadd.f32 v18, v23;
	v18 =	vld [tilespmem:s20+$0xFFFFFF90];
	v3 =	vmax.f32 v3, $0.0e+00;
	v19, _, _ =	vpop (xrf2)  }
0x20d: {  	v4 =	vmax.f32 v4, $0.0e+00;
	v2 =	vmax.f32 v2, $0.0e+00;
	[tilespmem:s20+$0x0] =	vst v3;
	v13 =	vbroadcast v19, $0xF  }
0x20e: {  	v3 =	vmax.f32 v5, $0.0e+00;
	v5 =	vadd.f32 v10, v7;
	v7 =	vmul.f32 v16, v29;
	[tilespmem:s20+$0x10] =	vst v4  }
0x20f: {  	v12 =	vmax.f32 v12, $0.0e+00;
	v4 =	vadd.f32 v9, v11;
	v9 =	vld [tilespmem:s20+$0xFFFFFFB0];
	[tilespmem:s20+$0x40] =	vst v2;
	v0 =	vadd.f32 v13, v0  }
0x210: {  	[tilespmem:s20+$0x30] =	vst v3;
	v10 =	vmul.f32 v14, v17;
	v3 =	vadd.f32 v8, v7;
	v8 =	vmul.f32 v14, v15  }
0x211: {  	[tilespmem:s20+$0x20] =	vst v12;
	v5 =	vmax.f32 v5, $0.0e+00;
	v7 =	vld [tilespmem:s20+$0xFFFFFFC0];
	v11 =	vmul.f32 v14, v18;
	v12 =	vmul.f32 v0, v20  }
0x212: {  	v2 =	vmax.f32 v4, $0.0e+00;
	v4 =	vld [tilespmem:s20+$0xFFFFFFD0];
	[tilespmem:s20+$0x50] =	vst v5;
	v13 =	vmul.f32 v0, v22;
	v15 =	vmul.f32 v0, v32  }
0x213: {  	v5 =	vld [tilespmem:s20+$0xFFFFFFE0];
	[tilespmem:s20+$0x60] =	vst v2;
	v3 =	vmax.f32 v3, $0.0e+00;
	v17 =	vmul.f32 v0, v33;
	v18 =	vmul.f32 v0, v35  }
0x214: {  	v2 =	vld [tilespmem:s20+$0xFFFFFFF0];
	v19 =	vmul.f32 v0, v34;
	[tilespmem:s20+$0x70] =	vst v3;
	v9 =	vmul.f32 v14, v9  }
0x215: {  	[tilespmem:v6+s21+$0x0] =	vst.idx.msk $0x1, v16;
	v10 =	vadd.f32 v12, v10;
	v12 =	vmul.f32 v0, v30  }
0x216: {  	v3 =	vadd.f32 v13, v11;
	v11 =	vmul.f32 v0, v31;
	v6 =	vadd.f32 v15, v8  }
0x217: {  	v7 =	vmul.f32 v14, v7;
	v4 =	vmul.f32 v14, v4;
	v8 =	vmax.f32 v10, $0.0e+00  }
0x218: {  	v9 =	vadd.f32 v17, v9;
	v5 =	vmul.f32 v14, v5;
	v3 =	vmax.f32 v3, $0.0e+00;
	[tilespmem:s20+$0xFFFFFF80] =	vst v8  }
0x219: {  	v2 =	vmul.f32 v14, v2;
	v7 =	vadd.f32 v7, v18;
	[tilespmem:s20+$0xFFFFFF90] =	vst v3;
	v3 =	vmax.f32 v6, $0.0e+00  }
0x21a: {  	v4 =	vadd.f32 v4, v12;
	v6 =	vmax.f32 v9, $0.0e+00;
	[tilespmem:s20+$0xFFFFFFA0] =	vst v3  }
0x21b: {  	v2 =	vadd.f32 v2, v11;
	v3 =	vadd.f32 v5, v19;
	v5 =	vmax.f32 v7, $0.0e+00;
	[tilespmem:s20+$0xFFFFFFB0] =	vst v6  }
0x21c: {  	v4 =	vmax.f32 v4, $0.0e+00;
	[tilespmem:s20+$0xFFFFFFC0] =	vst v5  }
0x21d: {  	[tilespmem:s20+$0xFFFFFFD0] =	vst v4;
	v2 =	vmax.f32 v2, $0.0e+00  }
0x21e: {  	v3 =	vmax.f32 v3, $0.0e+00;
	[tilespmem:s20+$0xFFFFFFF0] =	vst v2  }
0x21f: {  	s23 =	sshll.u32 s3, $0x4;
	[tilespmem:s20+$0xFFFFFFE0] =	vst v3  }
0x220: {  	s1 =	sand.u32 $0x1FFFFFF0, s23;
	s22 =	simm.s32 $0x13D00;
	[tilespmem:v1+s21+$0x0] =	vst.idx.msk $0x1, v0  }
0x221: {  	[spmem:s31] =	stream.indirect.scatter.add.f32 [tilespmem:s29], [sflag:$0x7], $0x80, s22, s28, $0xb8;
	[tilespmem:$0x1E280] =	vst v63  }
0x222: {  	s1 =	sadd.s32 s0, s1  }
0x223: {  	[hbm4b:s1+s7] =	stream.linear.scatter [tilespmem:s21], [sflag:$0x9], $0x80, $0x38;
	[tilespmem:$0x1E280] =	vst v63  }
0x224: {  	_ =	swait.ge [sflag:s11], $0x2800  }
0x225: {  	[sflag:s11] =	ssyncset.done $0x0  }
0x226: {  	[sflag:s11] =	ssyncadd.s32 $0xFFFFD800  }
0x227: {  	_ =	swait.ge [sflag:s26], $0x180  }
0x228: {  	[sflag:s26] =	ssyncset.done $0x0  }
0x229: {  	[sflag:s26] =	ssyncadd.s32 $0xFFFFFE80  }
0x22a: {  	s30 =	smul.u32 $0x500, s30;
	s5 =	rddreg [dreg:$0x0]  }
0x22b: {  	[tilespmem:s29], [sflag:$0x3] =	stream.indirect.gather [hbm4b:s5+s28], $0x80, s24, s28, $0xb8;
	[tilespmem:$0x1E280] =	vst v63  }
0x22c: {  	s18 =	simm.s32 $0x14080;
	s1 =	sadd.s32 s8, s30  }
0x22d: {  	[tilespmem:s18], [sflag:$0x5] =	stream.linear.gather [hbm4b:s1+s7], $0x2800, $0x38;
	[tilespmem:$0x1E280] =	vst v63  }
0x22e: {  	p1 =	seq.s32 s10, $0x1E;
	s1 =	rddreg [dreg:$0xd]  }
0x22f: {  	s1 =	sadd.s32 @!p1 s14, s1  }
0x230: {  	s1 =	sshll.u32 @!p1 s1, $0x6  }
0x231: {  	s1 =	sand.u32 @!p1 $0x1FFFFFC0, s1  }
0x232: {  	s3 =	simm.s32 @!p1 $0x0;
	s5 =	simm.s32 @!p1 $0x13A80;
	s1 =	sadd.s32 @!p1 s9, s1  }
0x233: {  	[tilespmem:s5], [sflag:$0x2] =	stream.linear.gather @!p1 [hbm4b:s1+s3], $0x180, $0x38;
	[tilespmem:$0x1E280] =	vst v63  }
0x234: {  	_ =	swait.ge [sflag:s13], $0x2800  }
0x235: {  	[sflag:s13] =	ssyncset.done $0x0  }
0x236: {  	[sflag:s13] =	ssyncadd.s32 $0xFFFFD800  }
0x237: {  	_ =	swait.ge [sflag:s16], $0x2800  }
0x238: {  	[sflag:s16] =	ssyncset.done $0x0  }
0x239: {  	s20 =	simm.s32 $0xA;
	[sflag:s16] =	ssyncadd.s32 $0xFFFFD800  }
0x23a: {  	_ =	swait.ge [sflag:s20], $0x80  }
0x23b: {  	[sflag:s20] =	ssyncset.done $0x0  }
0x23c: {  	[sflag:s20] =	ssyncadd.s32 $0xFFFFFF80  }
0x23d: {  	v11 =	vld [tilespmem:$0x1E180]  }
0x23e: {  	v12 =	vld [tilespmem:$0x1E190]  }
0x23f: {  	v14 =	vld [tilespmem:$0x1E1A0]  }
0x240: {  	v10 =	vld [tilespmem:$0x1E1B0]  }
0x241: {  	v8 =	vld [tilespmem:$0x1E1C0]  }
0x242: {  	v9 =	vld [tilespmem:$0x1E1D0]  }
0x243: {  	v5 =	vld [tilespmem:$0x1E1E0]  }
0x244: {  	s22 =	simm.s32 $0x16900;
	v6 =	vld [tilespmem:$0x1E1F0]  }
0x245: {  	v1 =	vld [tilespmem:s22+$0x0]  }
0x246: {  	v24 =	vld [tilespmem:s22+$0x10]  }
0x247: {  	v25 =	vld [tilespmem:s22+$0x20]  }
0x248: {  	v29 =	vld [tilespmem:s22+$0x30]  }
0x249: {  	v30 =	vld [tilespmem:s22+$0x40]  }
0x24a: {  	v31 =	vld [tilespmem:s22+$0x50]  }
0x24b: {  	v32 =	vld [tilespmem:s22+$0x60]  }
0x24c: {  	v33 =	vld [tilespmem:s22+$0x70];
	_ =	sdelay $0x1  }
0x24d: {  	v2 =	vmul.f32 v1, v11;
	v3 =	vmul.f32 v24, v12  }
0x24e: {  	v4 =	vmul.f32 v25, v14;
	v7 =	vmul.f32 v29, v10  }
0x24f: {  	v0 =	vld [tilespmem:$0x1E200];
	v15 =	vmul.f32 v30, v8;
	v16 =	vmul.f32 v31, v9  }
0x250: {  	v13 =	vld [tilespmem:s22+$0xFFFFFF80];
	v17 =	vmul.f32 v32, v5;
	v18 =	vmul.f32 v33, v6  }
0x251: {  	v21 =	vld [tilespmem:s22+$0xFFFFFFD0];
	v3 =	vadd.f32 v3, v2;
	v4 =	vadd.f32 v7, v4  }
0x252: {  	v19 =	vld [tilespmem:s22+$0xFFFFFFE0];
	v7 =	vadd.f32 v16, v15;
	v17 =	vadd.f32 v18, v17  }
0x253: {  	s30 =	simm.s32 $0x1;
	s3 =	simm.s32 $0x1B900;
	v23 =	vld [tilespmem:s22+$0xFFFFFFF0]  }
0x254: {  	v36 =	vmov s30;
	v22 =	vld [tilespmem:s3+$0x0];
	v3 =	vadd.f32 v4, v3;
	v4 =	vadd.f32 v17, v7  }
0x255: {  	v20 =	vor.u32 $0x100, v36;
	v16 =	vld [tilespmem:s22+$0xFFFFFF90]  }
0x256: {  	v15 =	vld [tilespmem:s22+$0xFFFFFFA0];
	v3 =	vadd.f32 v4, v3  }
0x257: {  	v18 =	vld [tilespmem:s22+$0xFFFFFFC0]  }
0x258: {  	v17 =	vld [tilespmem:s22+$0xFFFFFFB0];
	(xrf2) =	vadd.scan.msk.f32 $0xffff, v3  }
0x259: {  	v26 =	vld [tilespmem:s3+$0x10]  }
0x25a: {  	v58 =	vld.idx.msk [tilespmem:v20+s12+$0x0], $0xffff;
	v27 =	vmul.f32 v13, v11;
	v57 =	vmul.f32 v21, v9  }
0x25b: {  	v60 =	vld [tilespmem:s3+$0x20];
	v20 =	vmul.f32 v19, v5;
	v59 =	vmul.f32 v23, v6  }
0x25c: {  	v61 =	vld [tilespmem:s3+$0x30];
	v28 =	vmul.f32 v16, v12;
	v54 =	vmul.f32 v15, v14  }
0x25d: {  	v63 =	vld [tilespmem:s3+$0x40];
	v56 =	vmul.f32 v18, v8;
	v55 =	vmul.f32 v17, v10  }
0x25e: {  	v49 =	vld [tilespmem:s3+$0x50];
	v20 =	vadd.f32 v59, v20;
	v27 =	vadd.f32 v28, v27  }
0x25f: {  	s23 =	simm.s32 $0x0;
	s14 =	simm.s32 $0x16A00;
	v50 =	vld [tilespmem:s3+$0x60];
	v62 =	vadd.f32 v57, v56;
	v28 =	vadd.f32 v55, v54  }
0x260: {  	v2 =	vmov s23;
	v4 =	vld [tilespmem:s14+$0x10]  }
0x261: {  	v7 =	vor.u32 $0x100, v2;
	v3 =	vld [tilespmem:s14+$0x0];
	v35 =	vadd.f32 v20, v62;
	v27 =	vadd.f32 v28, v27  }
0x262: {  	v47 =	vld [tilespmem:s3+$0x70];
	v51 =	vmul.f32 v58, v22;
	v52 =	vmul.f32 v58, v26;
	v48, _, _ =	vpop (xrf2)  }
0x263: {  	v41 =	vmul.f32 v58, v60;
	v26 =	vadd.f32 v35, v27;
	v27 =	vld [tilespmem:s14+$0x30];
	v28 =	vbroadcast v48, $0xF  }
0x264: {  	v34 =	vmul.f32 v58, v61;
	v37 =	vmul.f32 v58, v63  }
0x265: {  	v22 =	vld [tilespmem:s14+$0xFFFFFF90];
	v38 =	vmul.f32 v58, v49;
	v40 =	vmul.f32 v58, v50;
	v45 =	vadd.f32 v28, v0  }
0x266: {  	v7 =	vld.idx.msk [tilespmem:v7+s12+$0x0], $0xffff;
	v43 =	vmul.f32 v4, v12;
	v42 =	vmul.f32 v3, v11  }
0x267: {  	v39 =	vmul.f32 v58, v47;
	v20 =	vld [tilespmem:s14+$0xFFFFFF80];
	v53 =	vmul.f32 v45, v1  }
0x268: {  	s20 =	simm.s32 $0x2;
	v42 =	vadd.f32 v43, v42;
	(xrf2) =	vadd.scan.msk.f32 $0xffff, v26;
	v26 =	vld [tilespmem:s14+$0x40];
	v60 =	vmul.f32 v27, v10;
	v24 =	vmul.f32 v45, v24  }
0x269: {  	v28 =	vld [tilespmem:s14+$0x20];
	v1 =	vmov s20;
	v54 =	vmul.f32 v45, v25;
	v35 =	vadd.f32 v53, v51  }
0x26a: {  	v29 =	vmul.f32 v45, v29;
	v25 =	vld [tilespmem:s14+$0x50];
	v30 =	vmul.f32 v45, v30;
	v46 =	vadd.f32 v24, v52  }
0x26b: {  	v31 =	vmul.f32 v45, v31;
	v41 =	vadd.f32 v54, v41;
	v24 =	vld [tilespmem:s14+$0x60];
	v35 =	vmax.f32 v35, $0.0e+00  }
0x26c: {  	v57 =	vmul.f32 v45, v32;
	v34 =	vadd.f32 v29, v34;
	v29 =	vld [tilespmem:s14+$0x70];
	v55 =	vmax.f32 v46, $0.0e+00;
	[tilespmem:s3+$0x0] =	vst v35  }
0x26d: {  	v32 =	vld [tilespmem:s14+$0xFFFFFFA0];
	v58 =	vmul.f32 v45, v33;
	v30 =	vadd.f32 v37, v30;
	v56 =	vmax.f32 v41, $0.0e+00;
	[tilespmem:s3+$0x10] =	vst v55  }
0x26e: {  	v33 =	vld [tilespmem:s14+$0xFFFFFFB0];
	v61 =	vmul.f32 v26, v8;
	v31 =	vadd.f32 v38, v31;
	v34 =	vmax.f32 v34, $0.0e+00;
	[tilespmem:s3+$0x20] =	vst v56  }
0x26f: {  	v37 =	vadd.f32 v40, v57;
	v38 =	vadd.f32 v39, v58;
	v30 =	vmax.f32 v30, $0.0e+00;
	[tilespmem:s3+$0x30] =	vst v34;
	v35 =	vld [tilespmem:s14+$0xFFFFFFC0]  }
0x270: {  	v59 =	vmul.f32 v28, v14;
	v31 =	vmax.f32 v31, $0.0e+00;
	[tilespmem:s3+$0x40] =	vst v30;
	v30 =	vld [tilespmem:s14+$0xFFFFFFD0];
	v62 =	vmul.f32 v25, v9  }
0x271: {  	v37 =	vmax.f32 v37, $0.0e+00;
	[tilespmem:s3+$0x50] =	vst v31;
	v34 =	vld [tilespmem:s14+$0xFFFFFFE0];
	v63 =	vmul.f32 v24, v5;
	v48 =	vmul.f32 v29, v6  }
0x272: {  	v40 =	vmul.f32 v20, v11;
	v38 =	vmax.f32 v38, $0.0e+00;
	[tilespmem:s3+$0x60] =	vst v37;
	v31 =	vld [tilespmem:s14+$0xFFFFFFF0];
	v43 =	vadd.f32 v60, v59  }
0x273: {  	v39 =	vld [tilespmem:s3+$0xFFFFFF80];
	v49, _, _ =	vpop (xrf2);
	[tilespmem:s3+$0x70] =	vst v38;
	v41 =	vmul.f32 v32, v14;
	v44 =	vadd.f32 v62, v61;
	v46 =	vadd.f32 v48, v63  }
0x274: {  	s18 =	simm.s32 $0x1B900;
	s1 =	simm.s32 $0x4;
	v37 =	vor.u32 $0x100, v1;
	v38 =	vbroadcast v49, $0xF;
	[tilespmem:v36+s17+$0x0] =	vst.idx.msk $0x1, v45;
	v45 =	vmul.f32 v22, v12;
	v36 =	vld [tilespmem:s3+$0xFFFFFF90]  }
.LBB2_9:
0x275: {  	p1 =	slt.u32 s1, $0x4E;
	v47 =	vmul.f32 v33, v10;
	v42 =	vadd.f32 v43, v42;
	v43 =	vadd.f32 v46, v44;
	v44 =	vld [tilespmem:s3+$0xFFFFFFA0]  }
0x276: {  	v46 =	vmul.f32 v35, v8;
	v48 =	vmul.f32 v30, v9;
	v40 =	vadd.f32 v45, v40;
	v45 =	vld [tilespmem:s3+$0xFFFFFFB0]  }
0x277: {  	v49 =	vmul.f32 v34, v5;
	v50 =	vmul.f32 v31, v6;
	v42 =	vadd.f32 v43, v42;
	v43 =	vld [tilespmem:s3+$0xFFFFFFC0]  }
0x278: {  	v41 =	vadd.f32 v47, v41;
	v46 =	vadd.f32 v48, v46;
	v39 =	vmul.f32 v7, v39;
	v47 =	vld [tilespmem:s3+$0xFFFFFFD0]  }
0x279: {  	s5 =	sadd.s32 $0x1, s20;
	v38 =	vadd.f32 v38, v0;
	s20 =	smov.u32 s1;
	v48 =	vadd.f32 v50, v49;
	(xrf2) =	vadd.scan.msk.f32 $0xffff, v42;
	v42 =	vmul.f32 v7, v36;
	v49 =	vld [tilespmem:s3+$0xFFFFFFE0]  }
0x27a: {  	v40 =	vadd.f32 v41, v40;
	v36 =	vmov s5;
	v41 =	vmul.f32 v7, v44;
	v44 =	vld [tilespmem:s3+$0xFFFFFFF0]  }
0x27b: {  	v50 =	vmul.f32 v38, v13;
	v13 =	vmovc v20;
	s3 =	sadd.s32 $0x100, s3;
	v46 =	vadd.f32 v48, v46;
	v37 =	vld.idx.msk [tilespmem:v37+s12+$0x0], $0xffff;
	v48 =	vor.u32 $0x100, v36  }
0x27c: {  	v51 =	vmov s1;
	v52 =	vmul.f32 v38, v16;
	v53 =	vmul.f32 v38, v15;
	v16 =	vmovc v22;
	v15 =	vmovc v32;
	v20 =	vld [tilespmem:s3+$0x0]  }
0x27d: {  	s14 =	sadd.s32 $0x100, s14;
	v22 =	vadd.f32 v46, v40;
	v32 =	vld [tilespmem:s3+$0x10];
	v40 =	vmul.f32 v38, v17;
	v46 =	vmul.f32 v38, v18;
	v17 =	vmovc v33  }
0x27e: {  	v21 =	vmul.f32 v38, v21;
	v39 =	vadd.f32 v50, v39;
	v50 =	vmul.f32 v38, v19;
	v18 =	vmovc v35;
	v33 =	vld [tilespmem:s14+$0x0]  }
0x27f: {  	v23 =	vmul.f32 v38, v23;
	v35 =	vld [tilespmem:s14+$0x10];
	(xrf2) =	vadd.scan.msk.f32 $0xffff, v22;
	v22 =	vadd.f32 v52, v42;
	v52 =	vmul.f32 v7, v45  }
0x280: {  	v41 =	vadd.f32 v53, v41;
	v43 =	vmul.f32 v7, v43;
	v45 =	vmul.f32 v7, v47;
	v42 =	vld.idx.msk [tilespmem:v48+s12+$0x0], $0xffff  }
0x281: {  	v44 =	vmul.f32 v7, v44;
	v48 =	vmul.f32 v7, v49;
	v7 =	vmovc v37;
	v47 =	vld [tilespmem:s3+$0x20];
	v40 =	vadd.f32 v40, v52  }
0x282: {  	v19 =	vmovc v34;
	v39 =	vmax.f32 v39, $0.0e+00;
	v43 =	vadd.f32 v43, v46;
	v45 =	vadd.f32 v45, v21;
	v21 =	vmovc v30;
	v37 =	vld [tilespmem:s3+$0x30]  }
0x283: {  	v22 =	vmax.f32 v22, $0.0e+00;
	v44 =	vadd.f32 v44, v23;
	v30 =	vld [tilespmem:s3+$0x40];
	v34, _, _ =	vpop (xrf2);
	[tilespmem:s18+$0xFFFFFF80] =	vst v39;
	v39 =	vadd.f32 v48, v50  }
0x284: {  	v23 =	vmovc v31;
	v40 =	vmax.f32 v40, $0.0e+00;
	v34 =	vbroadcast v34, $0xF;
	v46 =	vld [tilespmem:s3+$0x50];
	[tilespmem:s18+$0xFFFFFF90] =	vst v22;
	v22 =	vmax.f32 v41, $0.0e+00  }
0x285: {  	v41 =	vmul.f32 v33, v11;
	v48 =	vmul.f32 v35, v12;
	v31 =	vld [tilespmem:s3+$0x60];
	[tilespmem:s18+$0xFFFFFFA0] =	vst v22;
	v22 =	vmax.f32 v43, $0.0e+00  }
0x286: {  	v32 =	vmul.f32 v42, v32;
	v49 =	vadd.f32 v34, v0;
	v34 =	vmul.f32 v42, v20;
	v43 =	vld [tilespmem:s3+$0x70];
	[tilespmem:s18+$0xFFFFFFB0] =	vst v40  }
0x287: {  	v45 =	vmax.f32 v45, $0.0e+00;
	v40 =	vmul.f32 v42, v47;
	v20 =	vld [tilespmem:s14+$0xFFFFFF80];
	v37 =	vmul.f32 v42, v37;
	[tilespmem:s18+$0xFFFFFFC0] =	vst v22  }
0x288: {  	v39 =	vmax.f32 v39, $0.0e+00;
	v22 =	vld [tilespmem:s14+$0xFFFFFF90];
	v47 =	vmul.f32 v49, v3;
	v30 =	vmul.f32 v42, v30;
	[tilespmem:s18+$0xFFFFFFD0] =	vst v45;
	v3 =	vmovc v33  }
0x289: {  	v52 =	vmul.f32 v49, v4;
	v33 =	vld [tilespmem:s14+$0x20];
	v45 =	vmul.f32 v42, v46;
	v50, _, _ =	vpop (xrf2);
	[tilespmem:s18+$0xFFFFFFE0] =	vst v39;
	v39 =	vmax.f32 v44, $0.0e+00  }
0x28a: {  	v28 =	vmul.f32 v49, v28;
	v44 =	vld [tilespmem:s14+$0x30];
	v34 =	vadd.f32 v47, v34;
	v31 =	vmul.f32 v42, v31;
	[tilespmem:s18+$0xFFFFFFF0] =	vst v39;
	s18 =	smov.u32 s3  }
0x28b: {  	v27 =	vmul.f32 v49, v27;
	v4 =	vmovc v35;
	v32 =	vadd.f32 v52, v32;
	v39 =	vld [tilespmem:s14+$0x40];
	v42 =	vmul.f32 v42, v43  }
0x28c: {  	v26 =	vmul.f32 v49, v26;
	v35 =	vadd.f32 v28, v40;
	v43 =	vld [tilespmem:s14+$0x50];
	v34 =	vmax.f32 v34, $0.0e+00;
	[tilespmem:v2+s17+$0x0] =	vst.idx.msk $0x1, v38  }
0x28d: {  	v25 =	vmul.f32 v49, v25;
	v40 =	vadd.f32 v27, v37;
	v32 =	vmax.f32 v32, $0.0e+00;
	v2 =	vmovc v1;
	v38 =	vld [tilespmem:s14+$0x60];
	[tilespmem:s3+$0x0] =	vst v34  }
0x28e: {  	v24 =	vmul.f32 v49, v24;
	v46 =	vadd.f32 v30, v26;
	v1 =	vmovc v51;
	v34 =	vmax.f32 v35, $0.0e+00;
	v47 =	vld [tilespmem:s14+$0x70];
	[tilespmem:s3+$0x10] =	vst v32  }
0x28f: {  	v29 =	vmul.f32 v49, v29;
	v30 =	vmax.f32 v40, $0.0e+00;
	v28 =	vmovc v33;
	v32 =	vld [tilespmem:s14+$0xFFFFFFA0];
	[tilespmem:s3+$0x20] =	vst v34;
	v34 =	vadd.f32 v45, v25  }
0x290: {  	v40 =	vadd.f32 v31, v24;
	v37 =	vmul.f32 v28, v14;
	v27 =	vmovc v44;
	v33 =	vld [tilespmem:s14+$0xFFFFFFB0];
	[tilespmem:s3+$0x30] =	vst v30;
	v30 =	vmax.f32 v46, $0.0e+00  }
0x291: {  	v29 =	vadd.f32 v42, v29;
	v44 =	vmul.f32 v27, v10;
	v26 =	vmovc v39;
	v35 =	vld [tilespmem:s14+$0xFFFFFFC0];
	[tilespmem:s3+$0x40] =	vst v30;
	v31 =	vmax.f32 v34, $0.0e+00  }
.Ltmp3:
0x292: {  	v39 =	vmul.f32 v26, v8;
	v45 =	vmul.f32 v43, v9;
	v25 =	vmovc v43;
	v30 =	vld [tilespmem:s14+$0xFFFFFFD0];
	[tilespmem:s3+$0x50] =	vst v31;
	v31 =	vmax.f32 v40, $0.0e+00;
	(pc) =	sbr.rel @p1 .LBB2_9-.Ltmp3, $4  }
0x293: {  	v29 =	vmax.f32 v29, $0.0e+00;
	v46 =	vmul.f32 v38, v5;
	v24 =	vmovc v38;
	v34 =	vld [tilespmem:s14+$0xFFFFFFE0];
	v51 =	vmul.f32 v47, v6;
	[tilespmem:s3+$0x60] =	vst v31  }
0x294: {  	v42 =	vadd.f32 v48, v41;
	v40 =	vmul.f32 v20, v11;
	v43 =	vadd.f32 v44, v37;
	v31 =	vld [tilespmem:s14+$0xFFFFFFF0];
	[tilespmem:s3+$0x70] =	vst v29  }
0x295: {  	v38 =	vbroadcast v50, $0xF;
	v44 =	vadd.f32 v45, v39;
	v46 =	vadd.f32 v51, v46;
	v39 =	vld [tilespmem:s3+$0xFFFFFF80];
	[tilespmem:v36+s17+$0x0] =	vst.idx.msk $0x1, v49  }
0x296: {  	s1 =	sadd.s32 $0x2, s1;
	v37 =	vor.u32 $0x100, v1;
	v45 =	vmul.f32 v22, v12;
	v41 =	vmul.f32 v32, v14;
	v29 =	vmovc v47;
	v36 =	vld [tilespmem:s3+$0xFFFFFF90]  }
0x297: {  	v14 =	vld [tilespmem:s3+$0xFFFFFFA0]  }
0x298: {  	v50 =	vld [tilespmem:s3+$0xFFFFFFB0]  }
0x299: {  	v52 =	vld [tilespmem:s3+$0xFFFFFFC0]  }
0x29a: {  	v11 =	vadd.f32 v43, v42;
	v12 =	vadd.f32 v46, v44;
	v10 =	vmul.f32 v33, v10;
	v53 =	vld [tilespmem:s3+$0xFFFFFFD0]  }
0x29b: {  	v8 =	vmul.f32 v35, v8;
	v9 =	vmul.f32 v30, v9;
	v55 =	vld [tilespmem:s3+$0xFFFFFFE0];
	v49 =	vadd.f32 v45, v40  }
0x29c: {  	s1 =	sadd.s32 $0x1, s20;
	v56 =	vld [tilespmem:s3+$0xFFFFFFF0];
	v5 =	vmul.f32 v34, v5;
	v11 =	vadd.f32 v12, v11;
	v6 =	vmul.f32 v31, v6  }
0x29d: {  	s22 =	sadd.s32 $0x100, s3;
	v10 =	vadd.f32 v10, v41;
	v8 =	vadd.f32 v9, v8;
	v12 =	vmov s1  }
0x29e: {  	v58 =	vld [tilespmem:s22+$0x0];
	v51 =	vmul.f32 v7, v39;
	v54 =	vor.u32 $0x100, v12;
	v36 =	vmul.f32 v7, v36  }
0x29f: {  	v60 =	vld [tilespmem:s22+$0x10];
	v5 =	vadd.f32 v6, v5;
	v14 =	vmul.f32 v7, v14;
	v9 =	vmul.f32 v7, v50  }
0x2a0: {  	v63 =	vld [tilespmem:s22+$0x20];
	(xrf2) =	vadd.scan.msk.f32 $0xffff, v11;
	v6 =	vadd.f32 v38, v0;
	v61 =	vmul.f32 v7, v52;
	v62 =	vmul.f32 v7, v53  }
0x2a1: {  	v44 =	vld [tilespmem:s22+$0x30];
	v42 =	vmul.f32 v7, v55;
	v43 =	vmul.f32 v7, v56  }
0x2a2: {  	v47 =	vld [tilespmem:s22+$0x40];
	v10 =	vadd.f32 v10, v49;
	v13 =	vmul.f32 v6, v13;
	v16 =	vmul.f32 v6, v16  }
0x2a3: {  	v48 =	vld [tilespmem:s22+$0x50];
	v5 =	vadd.f32 v5, v8;
	v15 =	vmul.f32 v6, v15;
	v57 =	vmul.f32 v6, v17  }
0x2a4: {  	v49 =	vld [tilespmem:s22+$0x60];
	v18 =	vmul.f32 v6, v18;
	v59 =	vmul.f32 v6, v21;
	v11 =	vadd.f32 v13, v51  }
0x2a5: {  	v19 =	vmul.f32 v6, v19;
	v23 =	vmul.f32 v6, v23;
	v16 =	vadd.f32 v16, v36;
	v8 =	vld.idx.msk [tilespmem:v54+s12+$0x0], $0xffff  }
0x2a6: {  	v52 =	vld [tilespmem:s22+$0x70];
	v14 =	vadd.f32 v15, v14;
	v9 =	vadd.f32 v57, v9;
	v11 =	vmax.f32 v11, $0.0e+00  }
0x2a7: {  	v15 =	vadd.f32 v61, v18;
	v46 =	vadd.f32 v62, v59;
	v62 =	vld [tilespmem:s22+$0xFFFFFF90];
	v16 =	vmax.f32 v16, $0.0e+00;
	[tilespmem:s18+$0xFFFFFF80] =	vst v11  }
0x2a8: {  	v5 =	vadd.f32 v5, v10;
	v10 =	vadd.f32 v42, v19;
	v42 =	vld [tilespmem:s22+$0xFFFFFFB0];
	v14 =	vmax.f32 v14, $0.0e+00;
	[tilespmem:s18+$0xFFFFFF90] =	vst v16  }
0x2a9: {  	v7 =	vadd.f32 v43, v23;
	v9 =	vmax.f32 v9, $0.0e+00;
	v50 =	vmax.f32 v15, $0.0e+00;
	[tilespmem:s18+$0xFFFFFFA0] =	vst v14;
	v14 =	vld.idx.msk [tilespmem:v37+s12+$0x0], $0xffff  }
0x2aa: {  	[tilespmem:s18+$0xFFFFFFB0] =	vst v9;
	v17 =	vmul.f32 v8, v58;
	v51 =	vmul.f32 v8, v60;
	v60 =	vld [tilespmem:s22+$0xFFFFFF80];
	v45, _, _ =	vpop (xrf2);
	(xrf2) =	vadd.scan.msk.f32 $0xffff, v5  }
0x2ab: {  	v10 =	vmax.f32 v10, $0.0e+00;
	[tilespmem:s18+$0xFFFFFFC0] =	vst v50;
	v53 =	vmul.f32 v8, v63;
	v54 =	vmul.f32 v8, v44  }
0x2ac: {  	v7 =	vmax.f32 v7, $0.0e+00;
	[tilespmem:s18+$0xFFFFFFE0] =	vst v10;
	v13 =	vmul.f32 v8, v47;
	v18 =	vbroadcast v45, $0xF  }
0x2ad: {  	[tilespmem:s18+$0xFFFFFFF0] =	vst v7;
	v55 =	vmul.f32 v8, v48;
	v57 =	vmul.f32 v8, v49;
	v5 =	vmax.f32 v46, $0.0e+00  }
0x2ae: {  	v8 =	vmul.f32 v8, v52;
	[tilespmem:s18+$0xFFFFFFD0] =	vst v5;
	v44 =	vmul.f32 v14, v62;
	v18 =	vadd.f32 v18, v0  }
0x2af: {  	v46 =	vld [tilespmem:s22+$0xFFFFFFC0];
	[tilespmem:v2+s17+$0x0] =	vst.idx.msk $0x1, v6;
	v6 =	vmul.f32 v14, v42;
	v43 =	vmul.f32 v14, v60  }
0x2b0: {  	v3 =	vmul.f32 v18, v3;
	v4 =	vmul.f32 v18, v4  }
0x2b1: {  	v56 =	vmul.f32 v18, v28;
	v58 =	vmul.f32 v18, v27  }
0x2b2: {  	v61 =	vmul.f32 v18, v26;
	v25 =	vmul.f32 v18, v25;
	v3 =	vadd.f32 v3, v17  }
0x2b3: {  	v28 =	vmul.f32 v18, v24;
	v39 =	vmul.f32 v18, v29;
	v4 =	vadd.f32 v4, v51  }
0x2b4: {  	v26 =	vld [tilespmem:s22+$0xFFFFFFA0];
	v7 =	vmul.f32 v14, v46;
	v59 =	vadd.f32 v56, v53;
	v3 =	vmax.f32 v3, $0.0e+00;
	v63, _, _ =	vpop (xrf2)  }
0x2b5: {  	v50 =	vld [tilespmem:s22+$0xFFFFFFD0];
	v5 =	vadd.f32 v58, v54;
	v4 =	vmax.f32 v4, $0.0e+00;
	[tilespmem:s22+$0x0] =	vst v3;
	v36 =	vbroadcast v63, $0xF  }
0x2b6: {  	v27 =	vadd.f32 v13, v61;
	v38 =	vadd.f32 v55, v25;
	v53 =	vld [tilespmem:s22+$0xFFFFFFE0];
	v15 =	vmax.f32 v59, $0.0e+00;
	[tilespmem:s22+$0x10] =	vst v4  }
0x2b7: {  	v40 =	vadd.f32 v57, v28;
	v56 =	vld [tilespmem:s22+$0xFFFFFFF0];
	v37 =	vmax.f32 v5, $0.0e+00;
	[tilespmem:s22+$0x20] =	vst v15;
	v41 =	vadd.f32 v36, v0  }
0x2b8: {  	v45 =	vadd.f32 v8, v39;
	v2 =	vmax.f32 v27, $0.0e+00;
	v5 =	vmax.f32 v38, $0.0e+00;
	[tilespmem:s22+$0x30] =	vst v37  }
0x2b9: {  	v49 =	vmax.f32 v40, $0.0e+00;
	v47 =	vmul.f32 v14, v26;
	[tilespmem:s22+$0x40] =	vst v2;
	v48 =	vmul.f32 v41, v20  }
0x2ba: {  	[tilespmem:s22+$0x50] =	vst v5;
	v3 =	vmax.f32 v45, $0.0e+00;
	v4 =	vmul.f32 v14, v50;
	v51 =	vmul.f32 v41, v22  }
0x2bb: {  	[tilespmem:s22+$0x60] =	vst v49;
	v5 =	vmul.f32 v14, v53;
	v52 =	vmul.f32 v41, v32;
	v9 =	vadd.f32 v48, v43  }
0x2bc: {  	[tilespmem:s22+$0x70] =	vst v3;
	v2 =	vmul.f32 v14, v56;
	v54 =	vmul.f32 v41, v33;
	v59 =	vadd.f32 v51, v44  }
0x2bd: {  	[tilespmem:v12+s17+$0x0] =	vst.idx.msk $0x1, v18;
	v55 =	vmul.f32 v41, v35;
	v8 =	vadd.f32 v52, v47;
	v9 =	vmax.f32 v9, $0.0e+00  }
0x2be: {  	v57 =	vmul.f32 v41, v30;
	v6 =	vadd.f32 v54, v6;
	v3 =	vmax.f32 v59, $0.0e+00;
	[tilespmem:s22+$0xFFFFFF80] =	vst v9  }
0x2bf: {  	v60 =	vmul.f32 v41, v31;
	v7 =	vadd.f32 v7, v55;
	v61 =	vmax.f32 v8, $0.0e+00;
	[tilespmem:s22+$0xFFFFFF90] =	vst v3  }
0x2c0: {  	v58 =	vmul.f32 v41, v34;
	v4 =	vadd.f32 v4, v57;
	v6 =	vmax.f32 v6, $0.0e+00;
	[tilespmem:s22+$0xFFFFFFA0] =	vst v61  }
0x2c1: {  	v2 =	vadd.f32 v2, v60;
	v63 =	vmax.f32 v7, $0.0e+00;
	[tilespmem:s22+$0xFFFFFFB0] =	vst v6  }
0x2c2: {  	v62 =	vadd.f32 v5, v58;
	v4 =	vmax.f32 v4, $0.0e+00;
	[tilespmem:s22+$0xFFFFFFC0] =	vst v63  }
0x2c3: {  	s10 =	sadd.s32 $0x1, s10;
	v2 =	vmax.f32 v2, $0.0e+00;
	[tilespmem:s22+$0xFFFFFFD0] =	vst v4  }
0x2c4: {  	p1 =	sne.s32 s10, $0x1F;
	v3 =	vmax.f32 v62, $0.0e+00;
	[tilespmem:s22+$0xFFFFFFF0] =	vst v2  }
.Ltmp4:
0x2c5: {  	s30 =	sshll.u32 s15, $0x4;
	[tilespmem:s22+$0xFFFFFFE0] =	vst v3;
	(pc) =	sbr.rel @p1 .LBB2_2-.Ltmp4, $4  }
0x2c6: {  	s23 =	simm.s32 $0x13F00;
	s1 =	sand.u32 $0x1FFFFFF0, s30;
	s18 =	simm.s32 $0x1B880;
	[tilespmem:v1+s17+$0x0] =	vst.idx.msk $0x1, v41  }
0x2c7: {  	[spmem:s31] =	stream.indirect.scatter.add.f32 [tilespmem:s18], [sflag:$0x8], $0x80, s23, s28, $0xb8;
	[tilespmem:$0x1E280] =	vst v63  }
0x2c8: {  	s1 =	sadd.s32 s0, s1  }
0x2c9: {  	[hbm4b:s1+s7] =	stream.linear.scatter [tilespmem:s17], [sflag:$0xA], $0x80, $0x38;
	[tilespmem:$0x1E280] =	vst v63  }
0x2ca: {  	s1 =	simm.s32 $0x8  }
0x2cb: {  	_ =	swait.ge [sflag:s1], $0x2800  }
0x2cc: {  	[sflag:s1] =	ssyncset.done $0x0  }
0x2cd: {  	[sflag:s1] =	ssyncadd.s32 $0xFFFFD800  }
0x2ce: {  	_ =	swait.ge [sflag:s4], $0x2800  }
0x2cf: {  	[sflag:s4] =	ssyncset.done $0x0  }
0x2d0: {  	[sflag:s4] =	ssyncadd.s32 $0xFFFFD800  }
0x2d1: {  	_ =	swait.ge [sflag:s19], $0x2800  }
0x2d2: {  	[sflag:s19] =	ssyncset.done $0x0  }
0x2d3: {  	s22 =	simm.s32 $0x9;
	[sflag:s19] =	ssyncadd.s32 $0xFFFFD800  }
0x2d4: {  	_ =	swait.ge [sflag:s22], $0x80  }
0x2d5: {  	[sflag:s22] =	ssyncset.done $0x0  }
0x2d6: {  	[sflag:s22] =	ssyncadd.s32 $0xFFFFFF80  }
0x2d7: {  	v11 =	vld [tilespmem:$0x1E180]  }
0x2d8: {  	v12 =	vld [tilespmem:$0x1E190]  }
0x2d9: {  	v14 =	vld [tilespmem:$0x1E1A0]  }
0x2da: {  	v10 =	vld [tilespmem:$0x1E1B0]  }
0x2db: {  	v8 =	vld [tilespmem:$0x1E1C0]  }
0x2dc: {  	v9 =	vld [tilespmem:$0x1E1D0]  }
0x2dd: {  	v5 =	vld [tilespmem:$0x1E1E0]  }
0x2de: {  	s23 =	simm.s32 $0x14100;
	v6 =	vld [tilespmem:$0x1E1F0]  }
0x2df: {  	v1 =	vld [tilespmem:s23+$0x0]  }
0x2e0: {  	v24 =	vld [tilespmem:s23+$0x10]  }
0x2e1: {  	v25 =	vld [tilespmem:s23+$0x20]  }
0x2e2: {  	v29 =	vld [tilespmem:s23+$0x30]  }
0x2e3: {  	v30 =	vld [tilespmem:s23+$0x40]  }
0x2e4: {  	v31 =	vld [tilespmem:s23+$0x50]  }
0x2e5: {  	v32 =	vld [tilespmem:s23+$0x60]  }
0x2e6: {  	v33 =	vld [tilespmem:s23+$0x70];
	_ =	sdelay $0x1  }
0x2e7: {  	s30 =	simm.s32 $0x1;
	v2 =	vmul.f32 v1, v11;
	v3 =	vmul.f32 v24, v12  }
0x2e8: {  	v36 =	vmov s30;
	v4 =	vmul.f32 v25, v14;
	v7 =	vmul.f32 v29, v10  }
0x2e9: {  	v20 =	vor.u32 $0x100, v36;
	v0 =	vld [tilespmem:$0x1E200];
	v15 =	vmul.f32 v30, v8;
	v16 =	vmul.f32 v31, v9  }
0x2ea: {  	v13 =	vld [tilespmem:s23+$0xFFFFFF80];
	v17 =	vmul.f32 v32, v5;
	v18 =	vmul.f32 v33, v6  }
0x2eb: {  	v21 =	vld [tilespmem:s23+$0xFFFFFFD0];
	v3 =	vadd.f32 v3, v2;
	v4 =	vadd.f32 v7, v4  }
0x2ec: {  	v19 =	vld [tilespmem:s23+$0xFFFFFFE0];
	v7 =	vadd.f32 v16, v15;
	v17 =	vadd.f32 v18, v17  }
0x2ed: {  	v23 =	vld [tilespmem:s23+$0xFFFFFFF0]  }
0x2ee: {  	v39 =	vld.idx.msk [tilespmem:v20+s24+$0x0], $0xffff;
	v3 =	vadd.f32 v4, v3;
	v4 =	vadd.f32 v17, v7  }
0x2ef: {  	v16 =	vld [tilespmem:s23+$0xFFFFFF90]  }
0x2f0: {  	v15 =	vld [tilespmem:s23+$0xFFFFFFA0];
	v3 =	vadd.f32 v4, v3  }
0x2f1: {  	s3 =	simm.s32 $0x0;
	v18 =	vld [tilespmem:s23+$0xFFFFFFC0]  }
0x2f2: {  	v2 =	vmov s3;
	s3 =	simm.s32 $0x19100;
	v17 =	vld [tilespmem:s23+$0xFFFFFFB0];
	(xrf2) =	vadd.scan.msk.f32 $0xffff, v3  }
0x2f3: {  	v22 =	vld [tilespmem:s3+$0x0]  }
0x2f4: {  	v27 =	vmul.f32 v13, v11;
	v38 =	vmul.f32 v21, v9;
	v26 =	vld [tilespmem:s3+$0x10]  }
0x2f5: {  	v20 =	vmul.f32 v19, v5;
	v40 =	vmul.f32 v23, v6;
	v41 =	vld [tilespmem:s3+$0x20]  }
0x2f6: {  	v63 =	vld [tilespmem:s3+$0x30];
	v28 =	vmul.f32 v16, v12;
	v34 =	vmul.f32 v15, v14  }
0x2f7: {  	v49 =	vld [tilespmem:s3+$0x40];
	v37 =	vmul.f32 v18, v8;
	v35 =	vmul.f32 v17, v10  }
0x2f8: {  	v20 =	vadd.f32 v40, v20;
	v51 =	vld [tilespmem:s3+$0x50];
	v27 =	vadd.f32 v28, v27  }
0x2f9: {  	s10 =	simm.s32 $0x14200;
	v52 =	vld [tilespmem:s3+$0x60];
	v48 =	vadd.f32 v38, v37;
	v28 =	vadd.f32 v35, v34  }
0x2fa: {  	v4 =	vld [tilespmem:s10+$0x10]  }
0x2fb: {  	v7 =	vor.u32 $0x100, v2;
	v3 =	vld [tilespmem:s10+$0x0];
	v35 =	vadd.f32 v20, v48;
	v27 =	vadd.f32 v28, v27  }
0x2fc: {  	v47 =	vld [tilespmem:s3+$0x70];
	v44 =	vmul.f32 v39, v22;
	v46 =	vmul.f32 v39, v26;
	v50, _, _ =	vpop (xrf2)  }
0x2fd: {  	v41 =	vmul.f32 v39, v41;
	v26 =	vadd.f32 v35, v27;
	v27 =	vld [tilespmem:s10+$0x30];
	v28 =	vbroadcast v50, $0xF  }
0x2fe: {  	v40 =	vmul.f32 v39, v52;
	v37 =	vmul.f32 v39, v49  }
0x2ff: {  	v22 =	vld [tilespmem:s10+$0xFFFFFF90];
	v38 =	vmul.f32 v39, v51;
	v43 =	vmul.f32 v4, v12;
	v45 =	vadd.f32 v28, v0  }
0x300: {  	v7 =	vld.idx.msk [tilespmem:v7+s24+$0x0], $0xffff;
	v34 =	vmul.f32 v39, v63;
	v42 =	vmul.f32 v3, v11  }
0x301: {  	v20 =	vld [tilespmem:s10+$0xFFFFFF80];
	v39 =	vmul.f32 v39, v47;
	v53 =	vmul.f32 v45, v1  }
0x302: {  	s15 =	simm.s32 $0x2;
	v42 =	vadd.f32 v43, v42;
	(xrf2) =	vadd.scan.msk.f32 $0xffff, v26;
	v26 =	vld [tilespmem:s10+$0x40];
	v60 =	vmul.f32 v27, v10;
	v24 =	vmul.f32 v45, v24  }
0x303: {  	v28 =	vld [tilespmem:s10+$0x20];
	v1 =	vmov s15;
	v54 =	vmul.f32 v45, v25;
	v35 =	vadd.f32 v53, v44  }
0x304: {  	v29 =	vmul.f32 v45, v29;
	v25 =	vld [tilespmem:s10+$0x50];
	v30 =	vmul.f32 v45, v30;
	v46 =	vadd.f32 v24, v46  }
0x305: {  	v31 =	vmul.f32 v45, v31;
	v41 =	vadd.f32 v54, v41;
	v24 =	vld [tilespmem:s10+$0x60];
	v35 =	vmax.f32 v35, $0.0e+00  }
0x306: {  	v57 =	vmul.f32 v45, v32;
	v34 =	vadd.f32 v29, v34;
	v29 =	vld [tilespmem:s10+$0x70];
	v55 =	vmax.f32 v46, $0.0e+00;
	[tilespmem:s3+$0x0] =	vst v35  }
0x307: {  	v32 =	vld [tilespmem:s10+$0xFFFFFFA0];
	v58 =	vmul.f32 v45, v33;
	v30 =	vadd.f32 v37, v30;
	v56 =	vmax.f32 v41, $0.0e+00;
	[tilespmem:s3+$0x10] =	vst v55  }
0x308: {  	v33 =	vld [tilespmem:s10+$0xFFFFFFB0];
	v61 =	vmul.f32 v26, v8;
	v31 =	vadd.f32 v38, v31;
	v34 =	vmax.f32 v34, $0.0e+00;
	[tilespmem:s3+$0x20] =	vst v56  }
0x309: {  	v37 =	vadd.f32 v40, v57;
	v38 =	vadd.f32 v39, v58;
	v30 =	vmax.f32 v30, $0.0e+00;
	[tilespmem:s3+$0x30] =	vst v34;
	v35 =	vld [tilespmem:s10+$0xFFFFFFC0]  }
0x30a: {  	v59 =	vmul.f32 v28, v14;
	v31 =	vmax.f32 v31, $0.0e+00;
	[tilespmem:s3+$0x40] =	vst v30;
	v30 =	vld [tilespmem:s10+$0xFFFFFFD0];
	v62 =	vmul.f32 v25, v9  }
0x30b: {  	v37 =	vmax.f32 v37, $0.0e+00;
	[tilespmem:s3+$0x50] =	vst v31;
	v34 =	vld [tilespmem:s10+$0xFFFFFFE0];
	v63 =	vmul.f32 v24, v5;
	v48 =	vmul.f32 v29, v6  }
0x30c: {  	v40 =	vmul.f32 v20, v11;
	v38 =	vmax.f32 v38, $0.0e+00;
	[tilespmem:s3+$0x60] =	vst v37;
	v31 =	vld [tilespmem:s10+$0xFFFFFFF0];
	v43 =	vadd.f32 v60, v59  }
0x30d: {  	v39 =	vld [tilespmem:s3+$0xFFFFFF80];
	v49, _, _ =	vpop (xrf2);
	[tilespmem:s3+$0x70] =	vst v38;
	v41 =	vmul.f32 v32, v14;
	v44 =	vadd.f32 v62, v61;
	v46 =	vadd.f32 v48, v63  }
0x30e: {  	s14 =	simm.s32 $0x19100;
	s1 =	simm.s32 $0x4;
	v37 =	vor.u32 $0x100, v1;
	v38 =	vbroadcast v49, $0xF;
	[tilespmem:v36+s21+$0x0] =	vst.idx.msk $0x1, v45;
	v45 =	vmul.f32 v22, v12;
	v36 =	vld [tilespmem:s3+$0xFFFFFF90]  }
.LBB2_12:
0x30f: {  	p1 =	slt.u32 s1, $0x4E;
	v47 =	vmul.f32 v33, v10;
	v42 =	vadd.f32 v43, v42;
	v43 =	vadd.f32 v46, v44;
	v44 =	vld [tilespmem:s3+$0xFFFFFFA0]  }
0x310: {  	v46 =	vmul.f32 v35, v8;
	v48 =	vmul.f32 v30, v9;
	v40 =	vadd.f32 v45, v40;
	v45 =	vld [tilespmem:s3+$0xFFFFFFB0]  }
0x311: {  	v49 =	vmul.f32 v34, v5;
	v50 =	vmul.f32 v31, v6;
	v42 =	vadd.f32 v43, v42;
	v43 =	vld [tilespmem:s3+$0xFFFFFFC0]  }
0x312: {  	v41 =	vadd.f32 v47, v41;
	v46 =	vadd.f32 v48, v46;
	v39 =	vmul.f32 v7, v39;
	v47 =	vld [tilespmem:s3+$0xFFFFFFD0]  }
0x313: {  	s5 =	sadd.s32 $0x1, s15;
	v38 =	vadd.f32 v38, v0;
	s15 =	smov.u32 s1;
	v48 =	vadd.f32 v50, v49;
	(xrf2) =	vadd.scan.msk.f32 $0xffff, v42;
	v42 =	vmul.f32 v7, v36;
	v49 =	vld [tilespmem:s3+$0xFFFFFFE0]  }
0x314: {  	v40 =	vadd.f32 v41, v40;
	v36 =	vmov s5;
	v41 =	vmul.f32 v7, v44;
	v44 =	vld [tilespmem:s3+$0xFFFFFFF0]  }
0x315: {  	v50 =	vmul.f32 v38, v13;
	v13 =	vmovc v20;
	s3 =	sadd.s32 $0x100, s3;
	v46 =	vadd.f32 v48, v46;
	v37 =	vld.idx.msk [tilespmem:v37+s24+$0x0], $0xffff;
	v48 =	vor.u32 $0x100, v36  }
0x316: {  	v51 =	vmov s1;
	v52 =	vmul.f32 v38, v16;
	v53 =	vmul.f32 v38, v15;
	v16 =	vmovc v22;
	v15 =	vmovc v32;
	v20 =	vld [tilespmem:s3+$0x0]  }
0x317: {  	s10 =	sadd.s32 $0x100, s10;
	v22 =	vadd.f32 v46, v40;
	v32 =	vld [tilespmem:s3+$0x10];
	v40 =	vmul.f32 v38, v17;
	v46 =	vmul.f32 v38, v18;
	v17 =	vmovc v33  }
0x318: {  	v21 =	vmul.f32 v38, v21;
	v39 =	vadd.f32 v50, v39;
	v50 =	vmul.f32 v38, v19;
	v18 =	vmovc v35;
	v33 =	vld [tilespmem:s10+$0x0]  }
0x319: {  	v23 =	vmul.f32 v38, v23;
	v35 =	vld [tilespmem:s10+$0x10];
	(xrf2) =	vadd.scan.msk.f32 $0xffff, v22;
	v22 =	vadd.f32 v52, v42;
	v52 =	vmul.f32 v7, v45  }
0x31a: {  	v41 =	vadd.f32 v53, v41;
	v43 =	vmul.f32 v7, v43;
	v45 =	vmul.f32 v7, v47;
	v42 =	vld.idx.msk [tilespmem:v48+s24+$0x0], $0xffff  }
0x31b: {  	v44 =	vmul.f32 v7, v44;
	v48 =	vmul.f32 v7, v49;
	v7 =	vmovc v37;
	v47 =	vld [tilespmem:s3+$0x20];
	v40 =	vadd.f32 v40, v52  }
0x31c: {  	v19 =	vmovc v34;
	v39 =	vmax.f32 v39, $0.0e+00;
	v43 =	vadd.f32 v43, v46;
	v45 =	vadd.f32 v45, v21;
	v21 =	vmovc v30;
	v37 =	vld [tilespmem:s3+$0x30]  }
0x31d: {  	v22 =	vmax.f32 v22, $0.0e+00;
	v44 =	vadd.f32 v44, v23;
	v30 =	vld [tilespmem:s3+$0x40];
	v34, _, _ =	vpop (xrf2);
	[tilespmem:s14+$0xFFFFFF80] =	vst v39;
	v39 =	vadd.f32 v48, v50  }
0x31e: {  	v23 =	vmovc v31;
	v40 =	vmax.f32 v40, $0.0e+00;
	v34 =	vbroadcast v34, $0xF;
	v46 =	vld [tilespmem:s3+$0x50];
	[tilespmem:s14+$0xFFFFFF90] =	vst v22;
	v22 =	vmax.f32 v41, $0.0e+00  }
0x31f: {  	v41 =	vmul.f32 v33, v11;
	v48 =	vmul.f32 v35, v12;
	v31 =	vld [tilespmem:s3+$0x60];
	[tilespmem:s14+$0xFFFFFFA0] =	vst v22;
	v22 =	vmax.f32 v43, $0.0e+00  }
0x320: {  	v32 =	vmul.f32 v42, v32;
	v49 =	vadd.f32 v34, v0;
	v34 =	vmul.f32 v42, v20;
	v43 =	vld [tilespmem:s3+$0x70];
	[tilespmem:s14+$0xFFFFFFB0] =	vst v40  }
0x321: {  	v45 =	vmax.f32 v45, $0.0e+00;
	v40 =	vmul.f32 v42, v47;
	v20 =	vld [tilespmem:s10+$0xFFFFFF80];
	v37 =	vmul.f32 v42, v37;
	[tilespmem:s14+$0xFFFFFFC0] =	vst v22  }
0x322: {  	v39 =	vmax.f32 v39, $0.0e+00;
	v22 =	vld [tilespmem:s10+$0xFFFFFF90];
	v47 =	vmul.f32 v49, v3;
	v30 =	vmul.f32 v42, v30;
	[tilespmem:s14+$0xFFFFFFD0] =	vst v45;
	v3 =	vmovc v33  }
0x323: {  	v52 =	vmul.f32 v49, v4;
	v33 =	vld [tilespmem:s10+$0x20];
	v45 =	vmul.f32 v42, v46;
	v50, _, _ =	vpop (xrf2);
	[tilespmem:s14+$0xFFFFFFE0] =	vst v39;
	v39 =	vmax.f32 v44, $0.0e+00  }
0x324: {  	v28 =	vmul.f32 v49, v28;
	v44 =	vld [tilespmem:s10+$0x30];
	v34 =	vadd.f32 v47, v34;
	v31 =	vmul.f32 v42, v31;
	[tilespmem:s14+$0xFFFFFFF0] =	vst v39;
	s14 =	smov.u32 s3  }
0x325: {  	v27 =	vmul.f32 v49, v27;
	v4 =	vmovc v35;
	v32 =	vadd.f32 v52, v32;
	v39 =	vld [tilespmem:s10+$0x40];
	v42 =	vmul.f32 v42, v43  }
0x326: {  	v26 =	vmul.f32 v49, v26;
	v35 =	vadd.f32 v28, v40;
	v43 =	vld [tilespmem:s10+$0x50];
	v34 =	vmax.f32 v34, $0.0e+00;
	[tilespmem:v2+s21+$0x0] =	vst.idx.msk $0x1, v38  }
0x327: {  	v25 =	vmul.f32 v49, v25;
	v40 =	vadd.f32 v27, v37;
	v32 =	vmax.f32 v32, $0.0e+00;
	v2 =	vmovc v1;
	v38 =	vld [tilespmem:s10+$0x60];
	[tilespmem:s3+$0x0] =	vst v34  }
0x328: {  	v24 =	vmul.f32 v49, v24;
	v46 =	vadd.f32 v30, v26;
	v1 =	vmovc v51;
	v34 =	vmax.f32 v35, $0.0e+00;
	v47 =	vld [tilespmem:s10+$0x70];
	[tilespmem:s3+$0x10] =	vst v32  }
0x329: {  	v29 =	vmul.f32 v49, v29;
	v30 =	vmax.f32 v40, $0.0e+00;
	v28 =	vmovc v33;
	v32 =	vld [tilespmem:s10+$0xFFFFFFA0];
	[tilespmem:s3+$0x20] =	vst v34;
	v34 =	vadd.f32 v45, v25  }
0x32a: {  	v40 =	vadd.f32 v31, v24;
	v37 =	vmul.f32 v28, v14;
	v27 =	vmovc v44;
	v33 =	vld [tilespmem:s10+$0xFFFFFFB0];
	[tilespmem:s3+$0x30] =	vst v30;
	v30 =	vmax.f32 v46, $0.0e+00  }
0x32b: {  	v29 =	vadd.f32 v42, v29;
	v44 =	vmul.f32 v27, v10;
	v26 =	vmovc v39;
	v35 =	vld [tilespmem:s10+$0xFFFFFFC0];
	[tilespmem:s3+$0x40] =	vst v30;
	v31 =	vmax.f32 v34, $0.0e+00  }
.Ltmp5:
0x32c: {  	v39 =	vmul.f32 v26, v8;
	v45 =	vmul.f32 v43, v9;
	v25 =	vmovc v43;
	v30 =	vld [tilespmem:s10+$0xFFFFFFD0];
	[tilespmem:s3+$0x50] =	vst v31;
	v31 =	vmax.f32 v40, $0.0e+00;
	(pc) =	sbr.rel @p1 .LBB2_12-.Ltmp5, $4  }
0x32d: {  	v29 =	vmax.f32 v29, $0.0e+00;
	v46 =	vmul.f32 v38, v5;
	v24 =	vmovc v38;
	v34 =	vld [tilespmem:s10+$0xFFFFFFE0];
	v51 =	vmul.f32 v47, v6;
	[tilespmem:s3+$0x60] =	vst v31  }
0x32e: {  	v42 =	vadd.f32 v48, v41;
	v40 =	vmul.f32 v20, v11;
	v43 =	vadd.f32 v44, v37;
	v31 =	vld [tilespmem:s10+$0xFFFFFFF0];
	[tilespmem:s3+$0x70] =	vst v29  }
0x32f: {  	v38 =	vbroadcast v50, $0xF;
	v44 =	vadd.f32 v45, v39;
	v46 =	vadd.f32 v51, v46;
	v39 =	vld [tilespmem:s3+$0xFFFFFF80];
	[tilespmem:v36+s21+$0x0] =	vst.idx.msk $0x1, v49  }
0x330: {  	s1 =	sadd.s32 $0x2, s1;
	v37 =	vor.u32 $0x100, v1;
	v45 =	vmul.f32 v22, v12;
	v41 =	vmul.f32 v32, v14;
	v29 =	vmovc v47;
	v36 =	vld [tilespmem:s3+$0xFFFFFF90]  }
0x331: {  	v14 =	vld [tilespmem:s3+$0xFFFFFFA0]  }
0x332: {  	v50 =	vld [tilespmem:s3+$0xFFFFFFB0]  }
0x333: {  	v52 =	vld [tilespmem:s3+$0xFFFFFFC0]  }
0x334: {  	v11 =	vadd.f32 v43, v42;
	v12 =	vadd.f32 v46, v44;
	v10 =	vmul.f32 v33, v10;
	v53 =	vld [tilespmem:s3+$0xFFFFFFD0]  }
0x335: {  	v8 =	vmul.f32 v35, v8;
	v9 =	vmul.f32 v30, v9;
	v55 =	vld [tilespmem:s3+$0xFFFFFFE0];
	v49 =	vadd.f32 v45, v40  }
0x336: {  	s1 =	sadd.s32 $0x1, s15;
	v56 =	vld [tilespmem:s3+$0xFFFFFFF0];
	v5 =	vmul.f32 v34, v5;
	v11 =	vadd.f32 v12, v11;
	v6 =	vmul.f32 v31, v6  }
0x337: {  	s10 =	sadd.s32 $0x100, s3;
	v10 =	vadd.f32 v10, v41;
	v8 =	vadd.f32 v9, v8;
	v12 =	vmov s1  }
0x338: {  	v58 =	vld [tilespmem:s10+$0x0];
	v51 =	vmul.f32 v7, v39;
	v54 =	vor.u32 $0x100, v12;
	v36 =	vmul.f32 v7, v36  }
0x339: {  	v60 =	vld [tilespmem:s10+$0x10];
	v5 =	vadd.f32 v6, v5;
	v14 =	vmul.f32 v7, v14;
	v9 =	vmul.f32 v7, v50  }
0x33a: {  	v63 =	vld [tilespmem:s10+$0x20];
	(xrf2) =	vadd.scan.msk.f32 $0xffff, v11;
	v6 =	vadd.f32 v38, v0;
	v61 =	vmul.f32 v7, v52;
	v62 =	vmul.f32 v7, v53  }
0x33b: {  	v44 =	vld [tilespmem:s10+$0x30];
	v42 =	vmul.f32 v7, v55;
	v43 =	vmul.f32 v7, v56  }
0x33c: {  	v47 =	vld [tilespmem:s10+$0x40];
	v10 =	vadd.f32 v10, v49;
	v13 =	vmul.f32 v6, v13;
	v16 =	vmul.f32 v6, v16  }
0x33d: {  	v48 =	vld [tilespmem:s10+$0x50];
	v5 =	vadd.f32 v5, v8;
	v15 =	vmul.f32 v6, v15;
	v57 =	vmul.f32 v6, v17  }
0x33e: {  	v49 =	vld [tilespmem:s10+$0x60];
	v18 =	vmul.f32 v6, v18;
	v59 =	vmul.f32 v6, v21;
	v11 =	vadd.f32 v13, v51  }
0x33f: {  	v19 =	vmul.f32 v6, v19;
	v23 =	vmul.f32 v6, v23;
	v16 =	vadd.f32 v16, v36;
	v8 =	vld.idx.msk [tilespmem:v54+s24+$0x0], $0xffff  }
0x340: {  	v52 =	vld [tilespmem:s10+$0x70];
	v14 =	vadd.f32 v15, v14;
	v9 =	vadd.f32 v57, v9;
	v11 =	vmax.f32 v11, $0.0e+00  }
0x341: {  	v15 =	vadd.f32 v61, v18;
	v46 =	vadd.f32 v62, v59;
	v62 =	vld [tilespmem:s10+$0xFFFFFF90];
	v16 =	vmax.f32 v16, $0.0e+00;
	[tilespmem:s14+$0xFFFFFF80] =	vst v11  }
0x342: {  	v5 =	vadd.f32 v5, v10;
	v10 =	vadd.f32 v42, v19;
	v42 =	vld [tilespmem:s10+$0xFFFFFFB0];
	v14 =	vmax.f32 v14, $0.0e+00;
	[tilespmem:s14+$0xFFFFFF90] =	vst v16  }
0x343: {  	v7 =	vadd.f32 v43, v23;
	v9 =	vmax.f32 v9, $0.0e+00;
	v50 =	vmax.f32 v15, $0.0e+00;
	[tilespmem:s14+$0xFFFFFFA0] =	vst v14;
	v14 =	vld.idx.msk [tilespmem:v37+s24+$0x0], $0xffff  }
0x344: {  	[tilespmem:s14+$0xFFFFFFB0] =	vst v9;
	v17 =	vmul.f32 v8, v58;
	v51 =	vmul.f32 v8, v60;
	v60 =	vld [tilespmem:s10+$0xFFFFFF80];
	v45, _, _ =	vpop (xrf2);
	(xrf2) =	vadd.scan.msk.f32 $0xffff, v5  }
0x345: {  	v10 =	vmax.f32 v10, $0.0e+00;
	[tilespmem:s14+$0xFFFFFFC0] =	vst v50;
	v53 =	vmul.f32 v8, v63;
	v54 =	vmul.f32 v8, v44  }
0x346: {  	v7 =	vmax.f32 v7, $0.0e+00;
	[tilespmem:s14+$0xFFFFFFE0] =	vst v10;
	v13 =	vmul.f32 v8, v47;
	v18 =	vbroadcast v45, $0xF  }
0x347: {  	[tilespmem:s14+$0xFFFFFFF0] =	vst v7;
	v55 =	vmul.f32 v8, v48;
	v57 =	vmul.f32 v8, v49;
	v5 =	vmax.f32 v46, $0.0e+00  }
0x348: {  	v8 =	vmul.f32 v8, v52;
	[tilespmem:s14+$0xFFFFFFD0] =	vst v5;
	v44 =	vmul.f32 v14, v62;
	v18 =	vadd.f32 v18, v0  }
0x349: {  	v46 =	vld [tilespmem:s10+$0xFFFFFFC0];
	[tilespmem:v2+s21+$0x0] =	vst.idx.msk $0x1, v6;
	v6 =	vmul.f32 v14, v42;
	v43 =	vmul.f32 v14, v60  }
0x34a: {  	v3 =	vmul.f32 v18, v3;
	v4 =	vmul.f32 v18, v4  }
0x34b: {  	v56 =	vmul.f32 v18, v28;
	v58 =	vmul.f32 v18, v27  }
0x34c: {  	v61 =	vmul.f32 v18, v26;
	v25 =	vmul.f32 v18, v25;
	v3 =	vadd.f32 v3, v17  }
0x34d: {  	v28 =	vmul.f32 v18, v24;
	v39 =	vmul.f32 v18, v29;
	v4 =	vadd.f32 v4, v51  }
0x34e: {  	v26 =	vld [tilespmem:s10+$0xFFFFFFA0];
	v7 =	vmul.f32 v14, v46;
	v59 =	vadd.f32 v56, v53;
	v3 =	vmax.f32 v3, $0.0e+00;
	v63, _, _ =	vpop (xrf2)  }
0x34f: {  	v50 =	vld [tilespmem:s10+$0xFFFFFFD0];
	v5 =	vadd.f32 v58, v54;
	v4 =	vmax.f32 v4, $0.0e+00;
	[tilespmem:s10+$0x0] =	vst v3;
	v36 =	vbroadcast v63, $0xF  }
0x350: {  	v27 =	vadd.f32 v13, v61;
	v38 =	vadd.f32 v55, v25;
	v53 =	vld [tilespmem:s10+$0xFFFFFFE0];
	v15 =	vmax.f32 v59, $0.0e+00;
	[tilespmem:s10+$0x10] =	vst v4  }
0x351: {  	v40 =	vadd.f32 v57, v28;
	v56 =	vld [tilespmem:s10+$0xFFFFFFF0];
	v37 =	vmax.f32 v5, $0.0e+00;
	[tilespmem:s10+$0x20] =	vst v15;
	v41 =	vadd.f32 v36, v0  }
0x352: {  	v45 =	vadd.f32 v8, v39;
	v2 =	vmax.f32 v27, $0.0e+00;
	v5 =	vmax.f32 v38, $0.0e+00;
	[tilespmem:s10+$0x30] =	vst v37  }
0x353: {  	v49 =	vmax.f32 v40, $0.0e+00;
	v47 =	vmul.f32 v14, v26;
	[tilespmem:s10+$0x40] =	vst v2;
	v48 =	vmul.f32 v41, v20  }
0x354: {  	[tilespmem:s10+$0x50] =	vst v5;
	v3 =	vmax.f32 v45, $0.0e+00;
	v4 =	vmul.f32 v14, v50;
	v51 =	vmul.f32 v41, v22  }
0x355: {  	[tilespmem:s10+$0x60] =	vst v49;
	v5 =	vmul.f32 v14, v53;
	v52 =	vmul.f32 v41, v32;
	v9 =	vadd.f32 v48, v43  }
0x356: {  	[tilespmem:s10+$0x70] =	vst v3;
	v2 =	vmul.f32 v14, v56;
	v54 =	vmul.f32 v41, v33;
	v59 =	vadd.f32 v51, v44  }
0x357: {  	[tilespmem:v12+s21+$0x0] =	vst.idx.msk $0x1, v18;
	v55 =	vmul.f32 v41, v35;
	v8 =	vadd.f32 v52, v47;
	v9 =	vmax.f32 v9, $0.0e+00  }
0x358: {  	v57 =	vmul.f32 v41, v30;
	v6 =	vadd.f32 v54, v6;
	v3 =	vmax.f32 v59, $0.0e+00;
	[tilespmem:s10+$0xFFFFFF80] =	vst v9  }
0x359: {  	v60 =	vmul.f32 v41, v31;
	v7 =	vadd.f32 v7, v55;
	v61 =	vmax.f32 v8, $0.0e+00;
	[tilespmem:s10+$0xFFFFFF90] =	vst v3  }
0x35a: {  	v58 =	vmul.f32 v41, v34;
	v4 =	vadd.f32 v4, v57;
	v6 =	vmax.f32 v6, $0.0e+00;
	[tilespmem:s10+$0xFFFFFFA0] =	vst v61  }
0x35b: {  	v2 =	vadd.f32 v2, v60;
	v63 =	vmax.f32 v7, $0.0e+00;
	[tilespmem:s10+$0xFFFFFFB0] =	vst v6  }
0x35c: {  	v62 =	vadd.f32 v5, v58;
	v4 =	vmax.f32 v4, $0.0e+00;
	[tilespmem:s10+$0xFFFFFFC0] =	vst v63  }
0x35d: {  	v2 =	vmax.f32 v2, $0.0e+00;
	[tilespmem:s10+$0xFFFFFFD0] =	vst v4  }
0x35e: {  	v3 =	vmax.f32 v62, $0.0e+00;
	[tilespmem:s10+$0xFFFFFFF0] =	vst v2  }
0x35f: {  	[tilespmem:s10+$0xFFFFFFE0] =	vst v3  }
0x360: {  	s15 =	simm.s32 $0x13900;
	[tilespmem:v1+s21+$0x0] =	vst.idx.msk $0x1, v41  }
0x361: {  	[spmem:s31] =	stream.indirect.scatter.add.f32 [tilespmem:s29], [sflag:$0x7], $0x80, s15, s28, $0xb8;
	[tilespmem:$0x1E280] =	vst v63  }
0x362: {  	s20 =	rddreg [dreg:$0xe]  }
0x363: {  	[hbm4b:s20+s7] =	stream.linear.scatter [tilespmem:s21], [sflag:$0x9], $0x80, $0x38;
	[tilespmem:$0x1E280] =	vst v63  }
0x364: {  	_ =	swait.ge [sflag:s11], $0x2800  }
0x365: {  	[sflag:s11] =	ssyncset.done $0x0  }
0x366: {  	s22 =	simm.s32 $0xA;
	[sflag:s11] =	ssyncadd.s32 $0xFFFFD800  }
0x367: {  	_ =	swait.ge [sflag:s22], $0x80  }
0x368: {  	[sflag:s22] =	ssyncset.done $0x0  }
0x369: {  	s23 =	simm.s32 $0x9;
	[sflag:s22] =	ssyncadd.s32 $0xFFFFFF80  }
0x36a: {  	_ =	swait.ge [sflag:s23], $0x80  }
0x36b: {  	[sflag:s23] =	ssyncset.done $0x0  }
0x36c: {  	[sflag:s23] =	ssyncadd.s32 $0xFFFFFF80  }
0x36d: {  	[bflag:$0x0] =	sbarrier.arrive $0xFFFF  }
0x36e: {  	s3 =	rddreg [dreg:$0xf]  }
0x36f: {  	s1 =	sshrl.u32 @!p0 s31, $0x3;
	s10 =	rddreg [dreg:$0x11]  }
0x370: {  	[hbm:s3], [sflag:s10] =	dma.local @!p0 [spmem:s1], $0x27100  }
0x371: {  	s1 =	simm.s32 @!p0 $0xB  }
0x372: {  	_ =	swait.ge @!p0 [sflag:s1], $0x27100  }
0x373: {  	s5 =	rddreg [dreg:$0x13]  }
0x374: {  	s30 =	rddreg [dreg:$0x10];
	s5 =	sadd.s32 $0x1, s5  }
0x375: {  	p1 =	sne.s32 s5, s30  }
.Ltmp6:
0x376: {  	_ = 	snop;
	(pc) =	sbr.rel @p1 .LBB2_1-.Ltmp6, $3  }
0x377: {  	_ =	sdelay $0x1  }
0x378: {  	[sflag:s1] =	ssyncset.done @!p0 $0x0  }
0x379: {  	[sflag:s1] =	ssyncadd.s32 @!p0 $0xFFFD8F00  }
0x37a: {  	_ =	sfence.sel $0x180000  }
0x37b: {  	[bflag:$0x0] =	sbarrier.arrive $0xFFFF  }
0x37c: {  	_ =	strace $0x90000047  }
0x37d: {  	[bflag:$0x2] =	sbarrier.arrive $0xFFFF  }
0x37e: {  	s0 =	rddreg [dreg:$0x7]  }
0x37f: {  	s0 =	sadd.s32 @!p0 $0x100000, s0  }
0x380: {  	[sflag:s0] =	ssyncadd.tile.s32 @!p0 $0x1;
	_ =	shalt  }
.Lfunc_end2:
_tile_overlayer_lowered:
.L_overlay_start_2:
0x381: {  	(tag) =	ssettag $0x2  }
0x382: {  	s0 =	rddreg [dreg:$0x0];
	s2 =	stileid.u32  }
0x383: {  	s1 =	rddreg [dreg:$0x1];
	p0 =	sne.s32 s2, $0x0  }
0x384: {  	s3 =	rddreg [dreg:$0x2];
	[bflag:$0x3] =	sbarrier.arrive $0xFFFF;
	s2 =	simm.s32 @!p0 $0x1C0B  }
0x385: {  	[timem:s3], [sflag:s2] =	dma.local @!p0 [hbm:s0], s1  }
0x386: {  	s0 =	simm.s32 @!p0 $0xB  }
0x387: {  	_ =	swait.ge @!p0 [sflag:s0], s1  }
0x388: {  	s1 =	ssub.s32 @!p0 $0x0, s1;
	[sflag:s0] =	ssyncset.done @!p0 $0x0  }
0x389: {  	[sflag:s0] =	ssyncadd.s32 @!p0 s1  }
0x38a: {  	[bflag:$0x3] =	sbarrier.arrive $0xFFFF  }
0x38b: {  	_ =	shalt  }

</sc_bundles>
